<compile_context>
chip_gen: v7x
topology: tpu7x:2x2x1
jax: 0.10.2.dev20260603
libtpu: 0.0.44.dev20260713+nightly
codegen_flags: <defaults>
</compile_context>

<pallas_src>
import functools

import jax
import jax.numpy as jnp
from jax import lax
from jax.experimental import pallas as pl
from jax.experimental.pallas import tpu as pltpu
from jax.experimental.pallas import tpu_sc as plsc

N = 10000
E = 320000
D = 128
NC = 2
NS = 16
NW = NC * NS
NP = 10240
RPT = NP // NS
B = 80
NCH = 252
NQ = NCH // 3
WCH = 32
NWIN = 8
NCA = WCH * NWIN
TB = 1000
GRID = N // TB
DB = 128
DCA = 79
PRB = 64
PRC = NP // NW // PRB


def _sc_mesh():
    return plsc.VectorSubcoreMesh(
        core_axis_name="c", subcore_axis_name="s", num_cores=NC, num_subcores=NS
    )


def _prep_body(feat, perm_pad, dstd, deg_out, xp_out,
               pidx_v, prow_v, ones_v, didx_all, zrow_v, deg_sem, dacc_sh):
    c = lax.axis_index("c")
    s = lax.axis_index("s")
    w = c * NS + s

    def zb(i, carry):
        zrow_v[pl.ds(i * 16, 16)] = jnp.zeros((16,), jnp.float32)
        return carry
    lax.fori_loop(0, RPT // 16, zb, 0)
    pltpu.sync_copy(zrow_v, dacc_sh.at[pl.ds(s * RPT, RPT)])

    def ob(i, carry):
        ones_v[pl.ds(i * 16, 16)] = jnp.ones((16,), jnp.float32)
        return carry
    lax.fori_loop(0, DB // 16, ob, 0)
    plsc.subcore_barrier()

    pltpu.sync_copy(dstd.at[w], didx_all)

    def db(k, carry):
        pltpu.async_copy(ones_v, dacc_sh.at[didx_all.at[k]], deg_sem, add=True)
        return carry
    lax.fori_loop(0, DCA, db, 0)

    def gb(q, carry):
        base = w * (PRB * PRC) + q * PRB
        pltpu.sync_copy(perm_pad.at[pl.ds(base, PRB)], pidx_v)
        pltpu.sync_copy(feat.at[pidx_v], prow_v)
        pltpu.sync_copy(prow_v, xp_out.at[pl.ds(base, PRB)])
        return carry
    lax.fori_loop(0, PRC, gb, 0)

    def dw(k, carry):
        pltpu.make_async_copy(ones_v, dacc_sh.at[didx_all.at[k]],
                              deg_sem).wait()
        return carry
    lax.fori_loop(0, DCA, dw, 0)
    plsc.subcore_barrier()

    pltpu.sync_copy(dacc_sh.at[pl.ds(s * RPT, RPT)],
                    deg_out.at[c, pl.ds(s * RPT, RPT)])


_prep = pl.kernel(
    _prep_body,
    out_type=(jax.ShapeDtypeStruct((NC, NP), jnp.float32),
              jax.ShapeDtypeStruct((NP, D), jnp.float32)),
    mesh=_sc_mesh(),
    scratch_types=[
        pltpu.VMEM((PRB,), jnp.int32),
        pltpu.VMEM((PRB, D), jnp.float32),
        pltpu.VMEM((DB,), jnp.float32),
        pltpu.VMEM((DCA, DB), jnp.int32),
        pltpu.VMEM((RPT,), jnp.float32),
        pltpu.SemaphoreType.DMA,
        pltpu.VMEM_SHARED((NP,), jnp.float32),
    ],
)


def _agg_body(hs, src34, dst3, m_out,
              sidx, didx, rows_a, rows_b, rows_c,
              sa, sb, sc, iw, acc_sh):
    c = lax.axis_index("c")
    s = lax.axis_index("s")
    rows = (rows_a, rows_b, rows_c)
    sem = (sa, sb, sc)

    def zb(i, carry):
        def zc(j, carry2):
            rows_a[i, pl.ds(j * 16, 16)] = jnp.zeros((16,), jnp.float32)
            return carry2
        lax.fori_loop(0, D // 16, zc, 0)
        return carry
    lax.fori_loop(0, B, zb, 0)

    def zcopy(q, carry):
        pltpu.sync_copy(rows_a, acc_sh.at[pl.ds(s * RPT + q * B, B)])
        return carry
    lax.fori_loop(0, RPT // B, zcopy, 0)
    if RPT % B:
        pltpu.sync_copy(rows_a.at[pl.ds(0, RPT % B)],
                        acc_sh.at[pl.ds(s * RPT + (RPT // B) * B, RPT % B)])

    pltpu.sync_copy(src34.at[c, s, pl.ds(0, 2 * WCH)], sidx)
    pltpu.sync_copy(dst3.at[s, pl.ds(0, 2 * WCH)], didx)
    plsc.subcore_barrier()

    for j in range(3):
        pltpu.async_copy(hs.at[sidx.at[j]], rows[j], sem[j])

    def trip(p, carry):
        ka = 3 * p
        kwin = ka & 31
        w = ka >> 5
        in_body = (ka >= WCH) & (ka < WCH * (NWIN - 1))

        @pl.when((kwin >= 3) & (kwin < 6) & in_body)
        def _():
            roff = ((w + 1) & 1) * WCH
            pltpu.async_copy(src34.at[c, s, pl.ds((w + 1) * WCH, WCH)],
                             sidx.at[pl.ds(roff, WCH)], iw)
            pltpu.async_copy(dst3.at[s, pl.ds((w + 1) * WCH, WCH)],
                             didx.at[pl.ds(roff, WCH)], iw)

        for j in range(3):
            k = ka + j
            pltpu.make_async_copy(hs.at[sidx.at[k & 63]], rows[j],
                                  sem[j]).wait()
            pltpu.async_copy(rows[j], acc_sh.at[didx.at[k & 63]], sem[j],
                             add=True)

        @pl.when((kwin >= 24) & (kwin < 27) & in_body)
        def _():
            roff = ((w + 1) & 1) * WCH
            pltpu.make_async_copy(src34.at[c, s, pl.ds((w + 1) * WCH, WCH)],
                                  sidx.at[pl.ds(roff, WCH)], iw).wait()
            pltpu.make_async_copy(dst3.at[s, pl.ds((w + 1) * WCH, WCH)],
                                  didx.at[pl.ds(roff, WCH)], iw).wait()

        for j in range(3):
            k = ka + j
            pltpu.make_async_copy(rows[j], acc_sh.at[didx.at[k & 63]],
                                  sem[j]).wait()
            pltpu.async_copy(hs.at[sidx.at[(k + 3) & 63]], rows[j], sem[j])
        return carry
    lax.fori_loop(0, NQ, trip, 0)

    for j in range(3):
        pltpu.make_async_copy(hs.at[sidx.at[(NCH + j) & 63]], rows[j],
                              sem[j]).wait()
    plsc.subcore_barrier()

    pltpu.sync_copy(acc_sh.at[pl.ds(s * RPT, RPT)],
                    m_out.at[pl.ds(c * NP + s * RPT, RPT)])


_agg = pl.kernel(
    _agg_body,
    out_type=jax.ShapeDtypeStruct((2 * NP, D), jnp.float32),
    mesh=_sc_mesh(),
    scratch_types=(
        [pltpu.VMEM((2 * WCH, B), jnp.int32),
         pltpu.VMEM((2 * WCH, B), jnp.int32)]
        + [pltpu.VMEM((B, D), jnp.float32) for _ in range(3)]
        + [pltpu.SemaphoreType.DMA for _ in range(3)]
        + [pltpu.SemaphoreType.DMA,
           pltpu.VMEM_SHARED((NP, D), jnp.float32)]
    ),
)


def _t2_body(deg_ref, feat_ref, xp_ref, norm_ref, hs_ref):
    deg = deg_ref[0] + deg_ref[1]
    norm = jnp.where(deg > 0.0, lax.rsqrt(deg), 0.0)
    norm_ref[...] = norm
    hs_ref[0] = feat_ref[...] * norm
    hs_ref[1] = xp_ref[...] * norm


_t2 = pl.pallas_call(
    _t2_body,
    grid=(GRID,),
    in_specs=[
        pl.BlockSpec((2, TB, 1), lambda i: (0, i, 0)),
        pl.BlockSpec((TB, D), lambda i: (i, 0)),
        pl.BlockSpec((TB, D), lambda i: (i, 0)),
    ],
    out_specs=[
        pl.BlockSpec((TB, 1), lambda i: (i, 0)),
        pl.BlockSpec((2, TB, D), lambda i: (0, i, 0)),
    ],
    out_shape=[
        jax.ShapeDtypeStruct((NP, 1), jnp.float32),
        jax.ShapeDtypeStruct((2, NP, D), jnp.float32),
    ],
)


def _layer1_body(m_ref, norm_ref, w_ref, b_ref, out_ref):
    norm = norm_ref[...]
    w = w_ref[...]
    b = b_ref[...]
    for j in range(2):
        h = jnp.dot(m_ref[j] * norm, w, preferred_element_type=jnp.float32) + b
        h = jnp.maximum(h, 0.0)
        out_ref[j] = h * norm


_layer1 = pl.pallas_call(
    _layer1_body,
    grid=(GRID,),
    in_specs=[
        pl.BlockSpec((2, TB, D), lambda i: (0, i, 0)),
        pl.BlockSpec((TB, 1), lambda i: (i, 0)),
        pl.BlockSpec((D, D), lambda i: (0, 0)),
        pl.BlockSpec((1, D), lambda i: (0, 0)),
    ],
    out_specs=pl.BlockSpec((2, TB, D), lambda i: (0, i, 0)),
    out_shape=jax.ShapeDtypeStruct((2, NP, D), jnp.float32),
)


def _layer2_body(m_ref, norm_ref, w_ref, b_ref, out_ref, csum_ref):
    i = pl.program_id(0)
    norm = norm_ref[...]
    w = w_ref[...]
    b = b_ref[...]
    h0 = jnp.dot(m_ref[0] * norm, w, preferred_element_type=jnp.float32) + b
    h1 = jnp.dot(m_ref[1] * norm, w, preferred_element_type=jnp.float32) + b
    out_ref[0] = h0
    out_ref[1] = h1

    @pl.when(i == 0)
    def _():
        csum_ref[...] = jnp.zeros_like(csum_ref)

    csum_ref[...] += jnp.sum(h0, axis=0, keepdims=True)


_layer2 = pl.pallas_call(
    _layer2_body,
    grid=(GRID,),
    in_specs=[
        pl.BlockSpec((2, TB, D), lambda i: (0, i, 0)),
        pl.BlockSpec((TB, 1), lambda i: (i, 0)),
        pl.BlockSpec((D, D), lambda i: (0, 0)),
        pl.BlockSpec((1, D), lambda i: (0, 0)),
    ],
    out_specs=[
        pl.BlockSpec((2, TB, D), lambda i: (0, i, 0)),
        pl.BlockSpec((1, D), lambda i: (0, 0)),
    ],
    out_shape=[
        jax.ShapeDtypeStruct((2, NP, D), jnp.float32),
        jax.ShapeDtypeStruct((1, D), jnp.float32),
    ],
)


def _s_body(csum_ref, dw_ref, s_ref):
    summary = jax.nn.sigmoid(csum_ref[...] / N)
    s_ref[...] = lax.dot_general(
        summary, dw_ref[...], (((1,), (1,)), ((), ())),
        preferred_element_type=jnp.float32)


_s_kernel = pl.pallas_call(
    _s_body,
    out_shape=jax.ShapeDtypeStruct((1, D), jnp.float32),
)


def _loss_body(h2_ref, s_ref, loss_ref):
    i = pl.program_id(0)
    s = s_ref[...]
    pos = lax.dot_general(h2_ref[0], s, (((1,), (1,)), ((), ())),
                          preferred_element_type=jnp.float32)
    neg = lax.dot_general(h2_ref[1], s, (((1,), (1,)), ((), ())),
                          preferred_element_type=jnp.float32)

    def softplus(z):
        return jnp.maximum(z, 0.0) + jnp.log1p(jnp.exp(-jnp.abs(z)))

    tot = jnp.sum(softplus(-pos)) + jnp.sum(softplus(neg))

    @pl.when(i == 0)
    def _():
        loss_ref[...] = jnp.zeros_like(loss_ref)

    loss_ref[...] = loss_ref[...] + tot

    @pl.when(i == pl.num_programs(0) - 1)
    def _():
        loss_ref[...] = loss_ref[...] / N


_loss_kernel = pl.pallas_call(
    _loss_body,
    grid=(GRID,),
    in_specs=[
        pl.BlockSpec((2, TB, D), lambda i: (0, i, 0)),
        pl.BlockSpec((1, D), lambda i: (0, 0)),
    ],
    out_specs=pl.BlockSpec((1, 1), lambda i: (0, 0)),
    out_shape=jax.ShapeDtypeStruct((1, 1), jnp.float32),
)


@jax.jit
def kernel(features, edge_index, perm, W0, b0, W1, b1, disc_W):
    src = edge_index[0]
    dst = edge_index[1]
    perm_pad = jnp.concatenate([perm, jnp.zeros((NP - N,), jnp.int32)])

    ept = E // NS
    padw = NCA * B - ept
    src_r = src.reshape(NS, ept)
    dst_r = dst.reshape(NS, ept)
    src3 = jnp.concatenate(
        [src_r, jnp.zeros((NS, padw), jnp.int32)], axis=1).reshape(NS, NCA, B)
    dst3 = jnp.concatenate(
        [dst_r, jnp.full((NS, padw), NP - 1, jnp.int32)], axis=1
    ).reshape(NS, NCA, B)
    src34 = jnp.stack([src3, src3 + NP])

    epw = E // NW
    padd = DCA * DB - epw
    dstd = jnp.concatenate(
        [dst.reshape(NW, epw), jnp.full((NW, padd), NP - 1, jnp.int32)], axis=1
    ).reshape(NW, DCA, DB)

    deg2, xp = _prep(features, perm_pad, dstd)
    norm, hs = _t2(deg2.reshape(2, NP, 1), features, xp)
    m1 = _agg(hs.reshape(2 * NP, D), src34, dst3)
    h1s = _layer1(m1.reshape(2, NP, D), norm, W0, b0.reshape(1, D))
    m2 = _agg(h1s.reshape(2 * NP, D), src34, dst3)
    h2, csum = _layer2(m2.reshape(2, NP, D), norm, W1, b1.reshape(1, D))
    svec = _s_kernel(csum, disc_W)
    loss = _loss_kernel(h2, svec)
    return loss.reshape(())

# --- scband reference (transcript-rebuilt; emitter-appended) ---
"""Pipeline reference for scband-dgi-89172110999569 (READ-ONLY COPY).

The authoritative reference and input builder live on the scoring server;
editing this copy changes nothing except your own understanding.
"""

import jax, jax.numpy as jnp
import numpy as np

N = 10000
E = 320000
D = 128
H = 128


def _glorot(key, fan_in, fan_out):
    limit = np.sqrt(6.0 / (fan_in + fan_out))
    return jax.random.uniform(key, (fan_in, fan_out), jnp.float32, -limit, limit)


def setup_inputs(seed: int = 0) -> dict:
    key = jax.random.key(seed)
    k1, k2, k3, k4, k5, k6 = jax.random.split(key, 6)
    features = jax.random.normal(k1, (N, D), jnp.float32)
    edge_index = jax.random.randint(k2, (2, E), 0, N, jnp.int32)
    perm = jax.random.permutation(k3, N).astype(jnp.int32)
    # GCN: input layer (in_feats -> n_hidden, relu) + output layer (n_hidden -> n_hidden)
    W0 = _glorot(k4, D, H)
    b0 = jnp.zeros((H,), jnp.float32)
    W1 = _glorot(k5, H, H)
    b1 = jnp.zeros((H,), jnp.float32)
    # Discriminator weight: uniform(-1/sqrt(H), 1/sqrt(H))
    s = 1.0 / np.sqrt(H)
    disc_W = jax.random.uniform(k6, (H, H), jnp.float32, -s, s)
    return {"features": features, "edge_index": edge_index, "perm": perm,
            "W0": W0, "b0": b0, "W1": W1, "b1": b1, "disc_W": disc_W}


def _gcn(x, edge_index, W0, b0, W1, b1):
    src = edge_index[0]
    dst = edge_index[1]
    deg = jax.ops.segment_sum(jnp.ones((E,), jnp.float32), dst, num_segments=N)
    norm = jnp.where(deg > 0, deg ** -0.5, 0.0)
    h = x
    for (W, b, act) in ((W0, b0, True), (W1, b1, False)):
        h = h * norm[:, None]
        m = jax.ops.segment_sum(jnp.take(h, src, axis=0), dst, num_segments=N)
        m = m * norm[:, None]
        h = m @ W + b
        if act:
            h = jax.nn.relu(h)
    return h


def reference(features, edge_index, perm, W0, b0, W1, b1, disc_W):
    positive = _gcn(features, edge_index, W0, b0, W1, b1)
    negative = _gcn(jnp.take(features, perm, axis=0), edge_index, W0, b0, W1, b1)
    summary = jax.nn.sigmoid(jnp.mean(positive, axis=0))
    s = disc_W @ summary  # [H]
    pos_logits = positive @ s  # [N]
    neg_logits = negative @ s  # [N]
    # sigmoid_cross_entropy_with_logits: labels=1 -> softplus(-x); labels=0 -> softplus(x)
    l1 = jnp.logaddexp(0.0, -pos_logits)
    l2 = jnp.logaddexp(0.0, neg_logits)
    return jnp.mean(l1) + jnp.mean(l2)

if __name__ == "__main__":
    import jax
    _d = setup_inputs()
    print(jax.jit(kernel)(*tuple(_d.values())))

</pallas_src>

<mosaic_0001>
#map = affine_map<(d0, d1) -> (0, 0)>
#map1 = affine_map<(d0, d1) -> (0, 0, 0, 0)>
#map2 = affine_map<(d0, d1) -> (0, 0, 0)>
module attributes {stable_mosaic.version = 14 : i64} {
  func.func @_agg_body(%arg0: i32, %arg1: i32, %arg2: memref<20480x128xf32, #tpu.memory_space<hbm>>, %arg3: memref<2x16x256x80xi32, #tpu.memory_space<hbm>>, %arg4: memref<16x256x80xi32, #tpu.memory_space<hbm>>, %arg5: memref<20480x128xf32, #tpu.memory_space<hbm>>, %arg6: memref<64x80xi32, #tpu.memory_space<vmem>>, %arg7: memref<64x80xi32, #tpu.memory_space<vmem>>, %arg8: memref<80x128xf32, #tpu.memory_space<vmem>>, %arg9: memref<80x128xf32, #tpu.memory_space<vmem>>, %arg10: memref<80x128xf32, #tpu.memory_space<vmem>>, %arg11: memref<!tpu.dma_semaphore, #tpu.memory_space<semaphore_mem>>, %arg12: memref<!tpu.dma_semaphore, #tpu.memory_space<semaphore_mem>>, %arg13: memref<!tpu.dma_semaphore, #tpu.memory_space<semaphore_mem>>, %arg14: memref<!tpu.dma_semaphore, #tpu.memory_space<semaphore_mem>>, %arg15: memref<10240x128xf32, #tpu.memory_space<vmem_shared>>) attributes {dimension_semantics = [#tpu.dimension_semantics<core_parallel>, #tpu.dimension_semantics<subcore_parallel>], iteration_bounds = array<i64: 2, 16>, scalar_prefetch = 0 : i64, scratch_operands = 10 : i64, tpu.core_type = #tpu.core_type<sc_vector_subcore>, window_params = [{transform_indices = #map}, {transform_indices = #map1}, {transform_indices = #map2}, {transform_indices = #map}]} {
    %scan3A = arith.constant 0 : i32
    %scan3A_0 = arith.constant 0 : i32
    %scan3A_1 = arith.constant 80 : i32
    %scan3A_2 = arith.addi %scan3A_0, %scan3A_1 : i32
    %scan3A_3 = arith.constant 1 : i32
    scf.for %scan3A_63 = %scan3A_0 to %scan3A_2 step %scan3A_3  : i32 {
      %scan3A_64 = arith.constant 0 : i32
      %scan3A_65 = arith.constant 0 : i32
      %scan3A_66 = arith.constant 8 : i32
      %scan3A_67 = arith.addi %scan3A_65, %scan3A_66 : i32
      %scan3A_68 = arith.constant 1 : i32
      scf.for %scan3A_70 = %scan3A_65 to %scan3A_67 step %scan3A_68  : i32 {
        %broadcast_in_dim3A = arith.constant 0.000000e+00 : f32
        %broadcast_in_dim3A_71 = vector.broadcast %broadcast_in_dim3A : f32 to vector<16xf32>
        %mul3A_72 = arith.constant 16 : i32
        %mul3A_73 = arith.muli %scan3A_70, %mul3A_72 : i32
        %swap3A = arith.index_cast %scan3A_63 : i32 to index
        %swap3A_74 = arith.index_cast %mul3A_73 : i32 to index
        %swap3A_75 = tpu.vector_load %arg8[%swap3A, %swap3A_74] {strides = array<i32>} : memref<80x128xf32, #tpu.memory_space<vmem>>, vector<1x16xf32>,
        %swap3A_76 = vector.shape_cast %swap3A_75 : vector<1x16xf32> to vector<16xf32>
        %swap3A_77 = vector.shape_cast %broadcast_in_dim3A_71 : vector<16xf32> to vector<1x16xf32>
        tpu.vector_store %arg8[%swap3A, %swap3A_74], %swap3A_77 {strides = array<i32>} : memref<80x128xf32, #tpu.memory_space<vmem>>, vector<1x16xf32>,
      }
      %scan3A_69 = arith.constant 8 : i32
    }
    %scan3A_4 = arith.constant 80 : i32
    %scan3A_5 = arith.constant 0 : i32
    %scan3A_6 = arith.constant 0 : i32
    %scan3A_7 = arith.constant 8 : i32
    %scan3A_8 = arith.addi %scan3A_6, %scan3A_7 : i32
    %scan3A_9 = arith.constant 1 : i32
    scf.for %scan3A_63 = %scan3A_6 to %scan3A_8 step %scan3A_9  : i32 {
      %mul3A_64 = arith.constant 640 : i32
      %mul3A_65 = arith.muli %arg1, %mul3A_64 : i32
      %mul3A_66 = arith.constant 80 : i32
      %mul3A_67 = arith.muli %scan3A_63, %mul3A_66 : i32
      %add3A_68 = arith.addi %mul3A_65, %mul3A_67 : i32
      "tpu.region"() ({
        %run_scoped3A = tpu.sem_alloc : memref<!tpu.dma_semaphore, #tpu.memory_space<semaphore_mem>>
        %dma_start3A_69 = arith.constant 0 : i32
        %dma_start3A_70 = tpu.memref_slice %arg15[%add3A_68, %dma_start3A_69] : memref<10240x128xf32, #tpu.memory_space<vmem_shared>> -> memref<80x128xf32, #tpu.memory_space<vmem_shared>>
        %dma_start3A_71 = arith.constant 0 : i32
        %dma_start3A_72 = tpu.memref_slice %arg15[%add3A_68, %dma_start3A_71] : memref<10240x128xf32, #tpu.memory_space<vmem_shared>> -> memref<80x128xf32, #tpu.memory_space<vmem_shared>>
        tpu.enqueue_dma source(%arg8 : memref<80x128xf32, #tpu.memory_space<vmem>>) target(%dma_start3A_72 : memref<80x128xf32, #tpu.memory_space<vmem_shared>>) target_semaphore(%run_scoped3A : memref<!tpu.dma_semaphore, #tpu.memory_space<semaphore_mem>>)
        %dma_wait3A_73 = arith.constant 0 : i32
        %dma_wait3A_74 = tpu.memref_slice %arg15[%add3A_68, %dma_wait3A_73] : memref<10240x128xf32, #tpu.memory_space<vmem_shared>> -> memref<80x128xf32, #tpu.memory_space<vmem_shared>>
        %dma_wait3A_75 = arith.constant 0 : i32
        %dma_wait3A_76 = tpu.memref_slice %arg15[%add3A_68, %dma_wait3A_75] : memref<10240x128xf32, #tpu.memory_space<vmem_shared>> -> memref<80x128xf32, #tpu.memory_space<vmem_shared>>
        tpu.wait_dma2 semaphore(%run_scoped3A : memref<!tpu.dma_semaphore, #tpu.memory_space<semaphore_mem>>) src(%arg8 : memref<80x128xf32, #tpu.memory_space<vmem>>) dst(%dma_wait3A_76 : memref<80x128xf32, #tpu.memory_space<vmem_shared>>)
        tpu.yield
      }) : () -> ()
    }
    %scan3A_10 = arith.constant 8 : i32
    "tpu.region"() ({
      %run_scoped3A = tpu.sem_alloc : memref<!tpu.dma_semaphore, #tpu.memory_space<semaphore_mem>>
      %dma_start3A_63 = arith.constant 0 : i32
      %dma_start3A_64 = arith.constant 0 : i32
      %dma_start3A_65 = tpu.memref_slice %arg3[%arg0, %arg1, %dma_start3A_63, %dma_start3A_64] : memref<2x16x256x80xi32, #tpu.memory_space<hbm>> -> memref<1x1x64x80xi32, #tpu.memory_space<hbm>>
      %dma_start3A_66 = tpu.memref_squeeze %dma_start3A_65 : memref<1x1x64x80xi32, #tpu.memory_space<hbm>> -> memref<64x80xi32, #tpu.memory_space<hbm>>
      %dma_start3A_67 = arith.constant 0 : i32
      %dma_start3A_68 = arith.constant 0 : i32
      %dma_start3A_69 = tpu.memref_slice %arg3[%arg0, %arg1, %dma_start3A_67, %dma_start3A_68] : memref<2x16x256x80xi32, #tpu.memory_space<hbm>> -> memref<1x1x64x80xi32, #tpu.memory_space<hbm>>
      %dma_start3A_70 = tpu.memref_squeeze %dma_start3A_69 : memref<1x1x64x80xi32, #tpu.memory_space<hbm>> -> memref<64x80xi32, #tpu.memory_space<hbm>>
      tpu.enqueue_dma source(%dma_start3A_70 : memref<64x80xi32, #tpu.memory_space<hbm>>) target(%arg6 : memref<64x80xi32, #tpu.memory_space<vmem>>) target_semaphore(%run_scoped3A : memref<!tpu.dma_semaphore, #tpu.memory_space<semaphore_mem>>)
      %dma_wait3A_71 = arith.constant 0 : i32
      %dma_wait3A_72 = arith.constant 0 : i32
      %dma_wait3A_73 = tpu.memref_slice %arg3[%arg0, %arg1, %dma_wait3A_71, %dma_wait3A_72] : memref<2x16x256x80xi32, #tpu.memory_space<hbm>> -> memref<1x1x64x80xi32, #tpu.memory_space<hbm>>
      %dma_wait3A_74 = tpu.memref_squeeze %dma_wait3A_73 : memref<1x1x64x80xi32, #tpu.memory_space<hbm>> -> memref<64x80xi32, #tpu.memory_space<hbm>>
      %dma_wait3A_75 = arith.constant 0 : i32
      %dma_wait3A_76 = arith.constant 0 : i32
      %dma_wait3A_77 = tpu.memref_slice %arg3[%arg0, %arg1, %dma_wait3A_75, %dma_wait3A_76] : memref<2x16x256x80xi32, #tpu.memory_space<hbm>> -> memref<1x1x64x80xi32, #tpu.memory_space<hbm>>
      %dma_wait3A_78 = tpu.memref_squeeze %dma_wait3A_77 : memref<1x1x64x80xi32, #tpu.memory_space<hbm>> -> memref<64x80xi32, #tpu.memory_space<hbm>>
      tpu.wait_dma2 semaphore(%run_scoped3A : memref<!tpu.dma_semaphore, #tpu.memory_space<semaphore_mem>>) src(%dma_wait3A_78 : memref<64x80xi32, #tpu.memory_space<hbm>>) dst(%arg6 : memref<64x80xi32, #tpu.memory_space<vmem>>)
      tpu.yield
    }) : () -> ()
    "tpu.region"() ({
      %run_scoped3A = tpu.sem_alloc : memref<!tpu.dma_semaphore, #tpu.memory_space<semaphore_mem>>
      %dma_start3A_63 = arith.constant 0 : i32
      %dma_start3A_64 = arith.constant 0 : i32
      %dma_start3A_65 = tpu.memref_slice %arg4[%arg1, %dma_start3A_63, %dma_start3A_64] : memref<16x256x80xi32, #tpu.memory_space<hbm>> -> memref<1x64x80xi32, #tpu.memory_space<hbm>>
      %dma_start3A_66 = tpu.memref_squeeze %dma_start3A_65 : memref<1x64x80xi32, #tpu.memory_space<hbm>> -> memref<64x80xi32, #tpu.memory_space<hbm>>
      %dma_start3A_67 = arith.constant 0 : i32
      %dma_start3A_68 = arith.constant 0 : i32
      %dma_start3A_69 = tpu.memref_slice %arg4[%arg1, %dma_start3A_67, %dma_start3A_68] : memref<16x256x80xi32, #tpu.memory_space<hbm>> -> memref<1x64x80xi32, #tpu.memory_space<hbm>>
      %dma_start3A_70 = tpu.memref_squeeze %dma_start3A_69 : memref<1x64x80xi32, #tpu.memory_space<hbm>> -> memref<64x80xi32, #tpu.memory_space<hbm>>
      tpu.enqueue_dma source(%dma_start3A_70 : memref<64x80xi32, #tpu.memory_space<hbm>>) target(%arg7 : memref<64x80xi32, #tpu.memory_space<vmem>>) target_semaphore(%run_scoped3A : memref<!tpu.dma_semaphore, #tpu.memory_space<semaphore_mem>>)
      %dma_wait3A_71 = arith.constant 0 : i32
      %dma_wait3A_72 = arith.constant 0 : i32
      %dma_wait3A_73 = tpu.memref_slice %arg4[%arg1, %dma_wait3A_71, %dma_wait3A_72] : memref<16x256x80xi32, #tpu.memory_space<hbm>> -> memref<1x64x80xi32, #tpu.memory_space<hbm>>
      %dma_wait3A_74 = tpu.memref_squeeze %dma_wait3A_73 : memref<1x64x80xi32, #tpu.memory_space<hbm>> -> memref<64x80xi32, #tpu.memory_space<hbm>>
      %dma_wait3A_75 = arith.constant 0 : i32
      %dma_wait3A_76 = arith.constant 0 : i32
      %dma_wait3A_77 = tpu.memref_slice %arg4[%arg1, %dma_wait3A_75, %dma_wait3A_76] : memref<16x256x80xi32, #tpu.memory_space<hbm>> -> memref<1x64x80xi32, #tpu.memory_space<hbm>>
      %dma_wait3A_78 = tpu.memref_squeeze %dma_wait3A_77 : memref<1x64x80xi32, #tpu.memory_space<hbm>> -> memref<64x80xi32, #tpu.memory_space<hbm>>
      tpu.wait_dma2 semaphore(%run_scoped3A : memref<!tpu.dma_semaphore, #tpu.memory_space<semaphore_mem>>) src(%dma_wait3A_78 : memref<64x80xi32, #tpu.memory_space<hbm>>) dst(%arg7 : memref<64x80xi32, #tpu.memory_space<vmem>>)
      tpu.yield
    }) : () -> ()
    %barrier3A = arith.constant 0 : index
    tpu.barrier barrier_id(%barrier3A)
    %dma_start3A = arith.constant 0 : i32
    %dma_start3A_11 = arith.constant 0 : i32
    %dma_start3A_12 = tpu.memref_slice %arg6[%dma_start3A, %dma_start3A_11] : memref<64x80xi32, #tpu.memory_space<vmem>> -> memref<1x80xi32, #tpu.memory_space<vmem>>
    %dma_start3A_13 = tpu.memref_squeeze %dma_start3A_12 : memref<1x80xi32, #tpu.memory_space<vmem>> -> memref<80xi32, #tpu.memory_space<vmem>>
    %dma_start3A_14 = arith.constant 0 : i32
    %dma_start3A_15 = arith.constant 0 : i32
    %dma_start3A_16 = tpu.memref_slice %arg2[%dma_start3A_14, %dma_start3A_15] : memref<20480x128xf32, #tpu.memory_space<hbm>> -> memref<20480x128xf32, #tpu.memory_space<hbm>>
    tpu.enqueue_indirect_dma source(%dma_start3A_16 : memref<20480x128xf32, #tpu.memory_space<hbm>>) target(%arg8 : memref<80x128xf32, #tpu.memory_space<vmem>>) offsets(%dma_start3A_13 : memref<80xi32, #tpu.memory_space<vmem>>) semaphore(%arg11 : memref<!tpu.dma_semaphore, #tpu.memory_space<semaphore_mem>>)
    %dma_start3A_17 = arith.constant 1 : i32
    %dma_start3A_18 = arith.constant 0 : i32
    %dma_start3A_19 = tpu.memref_slice %arg6[%dma_start3A_17, %dma_start3A_18] : memref<64x80xi32, #tpu.memory_space<vmem>> -> memref<1x80xi32, #tpu.memory_space<vmem>>
    %dma_start3A_20 = tpu.memref_squeeze %dma_start3A_19 : memref<1x80xi32, #tpu.memory_space<vmem>> -> memref<80xi32, #tpu.memory_space<vmem>>
    %dma_start3A_21 = arith.constant 0 : i32
    %dma_start3A_22 = arith.constant 0 : i32
    %dma_start3A_23 = tpu.memref_slice %arg2[%dma_start3A_21, %dma_start3A_22] : memref<20480x128xf32, #tpu.memory_space<hbm>> -> memref<20480x128xf32, #tpu.memory_space<hbm>>
    tpu.enqueue_indirect_dma source(%dma_start3A_23 : memref<20480x128xf32, #tpu.memory_space<hbm>>) target(%arg9 : memref<80x128xf32, #tpu.memory_space<vmem>>) offsets(%dma_start3A_20 : memref<80xi32, #tpu.memory_space<vmem>>) semaphore(%arg12 : memref<!tpu.dma_semaphore, #tpu.memory_space<semaphore_mem>>)
    %dma_start3A_24 = arith.constant 2 : i32
    %dma_start3A_25 = arith.constant 0 : i32
    %dma_start3A_26 = tpu.memref_slice %arg6[%dma_start3A_24, %dma_start3A_25] : memref<64x80xi32, #tpu.memory_space<vmem>> -> memref<1x80xi32, #tpu.memory_space<vmem>>
    %dma_start3A_27 = tpu.memref_squeeze %dma_start3A_26 : memref<1x80xi32, #tpu.memory_space<vmem>> -> memref<80xi32, #tpu.memory_space<vmem>>
    %dma_start3A_28 = arith.constant 0 : i32
    %dma_start3A_29 = arith.constant 0 : i32
    %dma_start3A_30 = tpu.memref_slice %arg2[%dma_start3A_28, %dma_start3A_29] : memref<20480x128xf32, #tpu.memory_space<hbm>> -> memref<20480x128xf32, #tpu.memory_space<hbm>>
    tpu.enqueue_indirect_dma source(%dma_start3A_30 : memref<20480x128xf32, #tpu.memory_space<hbm>>) target(%arg10 : memref<80x128xf32, #tpu.memory_space<vmem>>) offsets(%dma_start3A_27 : memref<80xi32, #tpu.memory_space<vmem>>) semaphore(%arg13 : memref<!tpu.dma_semaphore, #tpu.memory_space<semaphore_mem>>)
    %scan3A_31 = arith.constant 0 : i32
    %scan3A_32 = arith.constant 0 : i32
    %scan3A_33 = arith.constant 84 : i32
    %scan3A_34 = arith.addi %scan3A_32, %scan3A_33 : i32
    %scan3A_35 = arith.constant 1 : i32
    scf.for %scan3A_63 = %scan3A_32 to %scan3A_34 step %scan3A_35  : i32 {
      %mul3A_64 = arith.constant 3 : i32
      %mul3A_65 = arith.muli %mul3A_64, %scan3A_63 : i32
      %and3A = arith.constant 31 : i32
      %and3A_66 = arith.andi %mul3A_65, %and3A : i32
      %shift_right_arithmetic3A = arith.constant 5 : i32
      %shift_right_arithmetic3A_67 = arith.shrsi %mul3A_65, %shift_right_arithmetic3A : i32
      %ge3A = arith.constant 32 : i32
      %ge3A_68 = arith.cmpi sge, %mul3A_65, %ge3A : i32
      %lt3A = arith.constant 224 : i32
      %lt3A_69 = arith.cmpi slt, %mul3A_65, %lt3A : i32
      %and3A_70 = arith.andi %ge3A_68, %lt3A_69 : i1
      %ge3A_71 = arith.constant 3 : i32
      %ge3A_72 = arith.cmpi sge, %and3A_66, %ge3A_71 : i32
      %lt3A_73 = arith.constant 6 : i32
      %lt3A_74 = arith.cmpi slt, %and3A_66, %lt3A_73 : i32
      %and3A_75 = arith.andi %ge3A_72, %lt3A_74 : i1
      %and3A_76 = arith.andi %and3A_75, %and3A_70 : i1
      %convert_element_type3A = arith.extui %and3A_76 : i1 to i32
      %cond3A = arith.constant 0 : i32
      %cond3A_77 = arith.cmpi ne, %convert_element_type3A, %cond3A : i32
      scf.if %cond3A_77 {
        %add3A_201 = arith.constant 1 : i32
        %add3A_202 = arith.addi %shift_right_arithmetic3A_67, %add3A_201 : i32
        %and3A_203 = arith.constant 1 : i32
        %and3A_204 = arith.andi %add3A_202, %and3A_203 : i32
        %mul3A_205 = arith.constant 32 : i32
        %mul3A_206 = arith.muli %and3A_204, %mul3A_205 : i32
        %add3A_207 = arith.constant 1 : i32
        %add3A_208 = arith.addi %shift_right_arithmetic3A_67, %add3A_207 : i32
        %mul3A_209 = arith.constant 32 : i32
        %mul3A_210 = arith.muli %add3A_208, %mul3A_209 : i32
        %dma_start3A_211 = arith.constant 0 : i32
        %dma_start3A_212 = tpu.memref_slice %arg6[%mul3A_206, %dma_start3A_211] : memref<64x80xi32, #tpu.memory_space<vmem>> -> memref<32x80xi32, #tpu.memory_space<vmem>>
        %dma_start3A_213 = arith.constant 0 : i32
        %dma_start3A_214 = tpu.memref_slice %arg3[%arg0, %arg1, %mul3A_210, %dma_start3A_213] : memref<2x16x256x80xi32, #tpu.memory_space<hbm>> -> memref<1x1x32x80xi32, #tpu.memory_space<hbm>>
        %dma_start3A_215 = tpu.memref_squeeze %dma_start3A_214 : memref<1x1x32x80xi32, #tpu.memory_space<hbm>> -> memref<32x80xi32, #tpu.memory_space<hbm>>
        %dma_start3A_216 = arith.constant 0 : i32
        %dma_start3A_217 = tpu.memref_slice %arg6[%mul3A_206, %dma_start3A_216] : memref<64x80xi32, #tpu.memory_space<vmem>> -> memref<32x80xi32, #tpu.memory_space<vmem>>
        %dma_start3A_218 = arith.constant 0 : i32
        %dma_start3A_219 = tpu.memref_slice %arg3[%arg0, %arg1, %mul3A_210, %dma_start3A_218] : memref<2x16x256x80xi32, #tpu.memory_space<hbm>> -> memref<1x1x32x80xi32, #tpu.memory_space<hbm>>
        %dma_start3A_220 = tpu.memref_squeeze %dma_start3A_219 : memref<1x1x32x80xi32, #tpu.memory_space<hbm>> -> memref<32x80xi32, #tpu.memory_space<hbm>>
        tpu.enqueue_dma source(%dma_start3A_220 : memref<32x80xi32, #tpu.memory_space<hbm>>) target(%dma_start3A_217 : memref<32x80xi32, #tpu.memory_space<vmem>>) target_semaphore(%arg14 : memref<!tpu.dma_semaphore, #tpu.memory_space<semaphore_mem>>)
        %add3A_221 = arith.constant 1 : i32
        %add3A_222 = arith.addi %shift_right_arithmetic3A_67, %add3A_221 : i32
        %mul3A_223 = arith.constant 32 : i32
        %mul3A_224 = arith.muli %add3A_222, %mul3A_223 : i32
        %dma_start3A_225 = arith.constant 0 : i32
        %dma_start3A_226 = tpu.memref_slice %arg7[%mul3A_206, %dma_start3A_225] : memref<64x80xi32, #tpu.memory_space<vmem>> -> memref<32x80xi32, #tpu.memory_space<vmem>>
        %dma_start3A_227 = arith.constant 0 : i32
        %dma_start3A_228 = tpu.memref_slice %arg4[%arg1, %mul3A_224, %dma_start3A_227] : memref<16x256x80xi32, #tpu.memory_space<hbm>> -> memref<1x32x80xi32, #tpu.memory_space<hbm>>
        %dma_start3A_229 = tpu.memref_squeeze %dma_start3A_228 : memref<1x32x80xi32, #tpu.memory_space<hbm>> -> memref<32x80xi32, #tpu.memory_space<hbm>>
        %dma_start3A_230 = arith.constant 0 : i32
        %dma_start3A_231 = tpu.memref_slice %arg7[%mul3A_206, %dma_start3A_230] : memref<64x80xi32, #tpu.memory_space<vmem>> -> memref<32x80xi32, #tpu.memory_space<vmem>>
        %dma_start3A_232 = arith.constant 0 : i32
        %dma_start3A_233 = tpu.memref_slice %arg4[%arg1, %mul3A_224, %dma_start3A_232] : memref<16x256x80xi32, #tpu.memory_space<hbm>> -> memref<1x32x80xi32, #tpu.memory_space<hbm>>
        %dma_start3A_234 = tpu.memref_squeeze %dma_start3A_233 : memref<1x32x80xi32, #tpu.memory_space<hbm>> -> memref<32x80xi32, #tpu.memory_space<hbm>>
        tpu.enqueue_dma source(%dma_start3A_234 : memref<32x80xi32, #tpu.memory_space<hbm>>) target(%dma_start3A_231 : memref<32x80xi32, #tpu.memory_space<vmem>>) target_semaphore(%arg14 : memref<!tpu.dma_semaphore, #tpu.memory_space<semaphore_mem>>)
      } else {
      }
      %add3A_78 = arith.constant 0 : i32
      %add3A_79 = arith.addi %mul3A_65, %add3A_78 : i32
      %and3A_80 = arith.constant 63 : i32
      %and3A_81 = arith.andi %add3A_79, %and3A_80 : i32
      %dma_wait3A_82 = arith.constant 0 : i32
      %dma_wait3A_83 = tpu.memref_slice %arg6[%and3A_81, %dma_wait3A_82] : memref<64x80xi32, #tpu.memory_space<vmem>> -> memref<1x80xi32, #tpu.memory_space<vmem>>
      %dma_wait3A_84 = tpu.memref_squeeze %dma_wait3A_83 : memref<1x80xi32, #tpu.memory_space<vmem>> -> memref<80xi32, #tpu.memory_space<vmem>>
      %dma_wait3A_85 = arith.constant 0 : i32
      %dma_wait3A_86 = arith.constant 0 : i32
      %dma_wait3A_87 = tpu.memref_slice %arg2[%dma_wait3A_85, %dma_wait3A_86] : memref<20480x128xf32, #tpu.memory_space<hbm>> -> memref<20480x128xf32, #tpu.memory_space<hbm>>
      tpu.wait_indirect_dma semaphore(%arg11 : memref<!tpu.dma_semaphore, #tpu.memory_space<semaphore_mem>>) src(%dma_wait3A_87 : memref<20480x128xf32, #tpu.memory_space<hbm>>) dst(%arg8 : memref<80x128xf32, #tpu.memory_space<vmem>>)
      %and3A_88 = arith.constant 63 : i32
      %and3A_89 = arith.andi %add3A_79, %and3A_88 : i32
      %dma_start3A_90 = arith.constant 0 : i32
      %dma_start3A_91 = tpu.memref_slice %arg7[%and3A_89, %dma_start3A_90] : memref<64x80xi32, #tpu.memory_space<vmem>> -> memref<1x80xi32, #tpu.memory_space<vmem>>
      %dma_start3A_92 = tpu.memref_squeeze %dma_start3A_91 : memref<1x80xi32, #tpu.memory_space<vmem>> -> memref<80xi32, #tpu.memory_space<vmem>>
      %dma_start3A_93 = arith.constant 0 : i32
      %dma_start3A_94 = arith.constant 0 : i32
      %dma_start3A_95 = tpu.memref_slice %arg15[%dma_start3A_93, %dma_start3A_94] : memref<10240x128xf32, #tpu.memory_space<vmem_shared>> -> memref<10240x128xf32, #tpu.memory_space<vmem_shared>>
      tpu.enqueue_indirect_dma source(%arg8 : memref<80x128xf32, #tpu.memory_space<vmem>>) target(%dma_start3A_95 : memref<10240x128xf32, #tpu.memory_space<vmem_shared>>) offsets(%dma_start3A_92 : memref<80xi32, #tpu.memory_space<vmem>>) semaphore(%arg11 : memref<!tpu.dma_semaphore, #tpu.memory_space<semaphore_mem>>) {add = true}
      %add3A_96 = arith.constant 1 : i32
      %add3A_97 = arith.addi %mul3A_65, %add3A_96 : i32
      %and3A_98 = arith.constant 63 : i32
      %and3A_99 = arith.andi %add3A_97, %and3A_98 : i32
      %dma_wait3A_100 = arith.constant 0 : i32
      %dma_wait3A_101 = tpu.memref_slice %arg6[%and3A_99, %dma_wait3A_100] : memref<64x80xi32, #tpu.memory_space<vmem>> -> memref<1x80xi32, #tpu.memory_space<vmem>>
      %dma_wait3A_102 = tpu.memref_squeeze %dma_wait3A_101 : memref<1x80xi32, #tpu.memory_space<vmem>> -> memref<80xi32, #tpu.memory_space<vmem>>
      %dma_wait3A_103 = arith.constant 0 : i32
      %dma_wait3A_104 = arith.constant 0 : i32
      %dma_wait3A_105 = tpu.memref_slice %arg2[%dma_wait3A_103, %dma_wait3A_104] : memref<20480x128xf32, #tpu.memory_space<hbm>> -> memref<20480x128xf32, #tpu.memory_space<hbm>>
      tpu.wait_indirect_dma semaphore(%arg12 : memref<!tpu.dma_semaphore, #tpu.memory_space<semaphore_mem>>) src(%dma_wait3A_105 : memref<20480x128xf32, #tpu.memory_space<hbm>>) dst(%arg9 : memref<80x128xf32, #tpu.memory_space<vmem>>)
      %and3A_106 = arith.constant 63 : i32
      %and3A_107 = arith.andi %add3A_97, %and3A_106 : i32
      %dma_start3A_108 = arith.constant 0 : i32
      %dma_start3A_109 = tpu.memref_slice %arg7[%and3A_107, %dma_start3A_108] : memref<64x80xi32, #tpu.memory_space<vmem>> -> memref<1x80xi32, #tpu.memory_space<vmem>>
      %dma_start3A_110 = tpu.memref_squeeze %dma_start3A_109 : memref<1x80xi32, #tpu.memory_space<vmem>> -> memref<80xi32, #tpu.memory_space<vmem>>
      %dma_start3A_111 = arith.constant 0 : i32
      %dma_start3A_112 = arith.constant 0 : i32
      %dma_start3A_113 = tpu.memref_slice %arg15[%dma_start3A_111, %dma_start3A_112] : memref<10240x128xf32, #tpu.memory_space<vmem_shared>> -> memref<10240x128xf32, #tpu.memory_space<vmem_shared>>
      tpu.enqueue_indirect_dma source(%arg9 : memref<80x128xf32, #tpu.memory_space<vmem>>) target(%dma_start3A_113 : memref<10240x128xf32, #tpu.memory_space<vmem_shared>>) offsets(%dma_start3A_110 : memref<80xi32, #tpu.memory_space<vmem>>) semaphore(%arg12 : memref<!tpu.dma_semaphore, #tpu.memory_space<semaphore_mem>>) {add = true}
      %add3A_114 = arith.constant 2 : i32
      %add3A_115 = arith.addi %mul3A_65, %add3A_114 : i32
      %and3A_116 = arith.constant 63 : i32
      %and3A_117 = arith.andi %add3A_115, %and3A_116 : i32
      %dma_wait3A_118 = arith.constant 0 : i32
      %dma_wait3A_119 = tpu.memref_slice %arg6[%and3A_117, %dma_wait3A_118] : memref<64x80xi32, #tpu.memory_space<vmem>> -> memref<1x80xi32, #tpu.memory_space<vmem>>
      %dma_wait3A_120 = tpu.memref_squeeze %dma_wait3A_119 : memref<1x80xi32, #tpu.memory_space<vmem>> -> memref<80xi32, #tpu.memory_space<vmem>>
      %dma_wait3A_121 = arith.constant 0 : i32
      %dma_wait3A_122 = arith.constant 0 : i32
      %dma_wait3A_123 = tpu.memref_slice %arg2[%dma_wait3A_121, %dma_wait3A_122] : memref<20480x128xf32, #tpu.memory_space<hbm>> -> memref<20480x128xf32, #tpu.memory_space<hbm>>
      tpu.wait_indirect_dma semaphore(%arg13 : memref<!tpu.dma_semaphore, #tpu.memory_space<semaphore_mem>>) src(%dma_wait3A_123 : memref<20480x128xf32, #tpu.memory_space<hbm>>) dst(%arg10 : memref<80x128xf32, #tpu.memory_space<vmem>>)
      %and3A_124 = arith.constant 63 : i32
      %and3A_125 = arith.andi %add3A_115, %and3A_124 : i32
      %dma_start3A_126 = arith.constant 0 : i32
      %dma_start3A_127 = tpu.memref_slice %arg7[%and3A_125, %dma_start3A_126] : memref<64x80xi32, #tpu.memory_space<vmem>> -> memref<1x80xi32, #tpu.memory_space<vmem>>
      %dma_start3A_128 = tpu.memref_squeeze %dma_start3A_127 : memref<1x80xi32, #tpu.memory_space<vmem>> -> memref<80xi32, #tpu.memory_space<vmem>>
      %dma_start3A_129 = arith.constant 0 : i32
      %dma_start3A_130 = arith.constant 0 : i32
      %dma_start3A_131 = tpu.memref_slice %arg15[%dma_start3A_129, %dma_start3A_130] : memref<10240x128xf32, #tpu.memory_space<vmem_shared>> -> memref<10240x128xf32, #tpu.memory_space<vmem_shared>>
      tpu.enqueue_indirect_dma source(%arg10 : memref<80x128xf32, #tpu.memory_space<vmem>>) target(%dma_start3A_131 : memref<10240x128xf32, #tpu.memory_space<vmem_shared>>) offsets(%dma_start3A_128 : memref<80xi32, #tpu.memory_space<vmem>>) semaphore(%arg13 : memref<!tpu.dma_semaphore, #tpu.memory_space<semaphore_mem>>) {add = true}
      %ge3A_132 = arith.constant 24 : i32
      %ge3A_133 = arith.cmpi sge, %and3A_66, %ge3A_132 : i32
      %lt3A_134 = arith.constant 27 : i32
      %lt3A_135 = arith.cmpi slt, %and3A_66, %lt3A_134 : i32
      %and3A_136 = arith.andi %ge3A_133, %lt3A_135 : i1
      %and3A_137 = arith.andi %and3A_136, %and3A_70 : i1
      %convert_element_type3A_138 = arith.extui %and3A_137 : i1 to i32
      %cond3A_139 = arith.constant 0 : i32
      %cond3A_140 = arith.cmpi ne, %convert_element_type3A_138, %cond3A_139 : i32
      scf.if %cond3A_140 {
        %add3A_201 = arith.constant 1 : i32
        %add3A_202 = arith.addi %shift_right_arithmetic3A_67, %add3A_201 : i32
        %and3A_203 = arith.constant 1 : i32
        %and3A_204 = arith.andi %add3A_202, %and3A_203 : i32
        %mul3A_205 = arith.constant 32 : i32
        %mul3A_206 = arith.muli %and3A_204, %mul3A_205 : i32
        %add3A_207 = arith.constant 1 : i32
        %add3A_208 = arith.addi %shift_right_arithmetic3A_67, %add3A_207 : i32
        %mul3A_209 = arith.constant 32 : i32
        %mul3A_210 = arith.muli %add3A_208, %mul3A_209 : i32
        %dma_wait3A_211 = arith.constant 0 : i32
        %dma_wait3A_212 = tpu.memref_slice %arg6[%mul3A_206, %dma_wait3A_211] : memref<64x80xi32, #tpu.memory_space<vmem>> -> memref<32x80xi32, #tpu.memory_space<vmem>>
        %dma_wait3A_213 = arith.constant 0 : i32
        %dma_wait3A_214 = tpu.memref_slice %arg3[%arg0, %arg1, %mul3A_210, %dma_wait3A_213] : memref<2x16x256x80xi32, #tpu.memory_space<hbm>> -> memref<1x1x32x80xi32, #tpu.memory_space<hbm>>
        %dma_wait3A_215 = tpu.memref_squeeze %dma_wait3A_214 : memref<1x1x32x80xi32, #tpu.memory_space<hbm>> -> memref<32x80xi32, #tpu.memory_space<hbm>>
        %dma_wait3A_216 = arith.constant 0 : i32
        %dma_wait3A_217 = tpu.memref_slice %arg6[%mul3A_206, %dma_wait3A_216] : memref<64x80xi32, #tpu.memory_space<vmem>> -> memref<32x80xi32, #tpu.memory_space<vmem>>
        %dma_wait3A_218 = arith.constant 0 : i32
        %dma_wait3A_219 = tpu.memref_slice %arg3[%arg0, %arg1, %mul3A_210, %dma_wait3A_218] : memref<2x16x256x80xi32, #tpu.memory_space<hbm>> -> memref<1x1x32x80xi32, #tpu.memory_space<hbm>>
        %dma_wait3A_220 = tpu.memref_squeeze %dma_wait3A_219 : memref<1x1x32x80xi32, #tpu.memory_space<hbm>> -> memref<32x80xi32, #tpu.memory_space<hbm>>
        tpu.wait_dma2 semaphore(%arg14 : memref<!tpu.dma_semaphore, #tpu.memory_space<semaphore_mem>>) src(%dma_wait3A_220 : memref<32x80xi32, #tpu.memory_space<hbm>>) dst(%dma_wait3A_217 : memref<32x80xi32, #tpu.memory_space<vmem>>)
        %add3A_221 = arith.constant 1 : i32
        %add3A_222 = arith.addi %shift_right_arithmetic3A_67, %add3A_221 : i32
        %mul3A_223 = arith.constant 32 : i32
        %mul3A_224 = arith.muli %add3A_222, %mul3A_223 : i32
        %dma_wait3A_225 = arith.constant 0 : i32
        %dma_wait3A_226 = tpu.memref_slice %arg7[%mul3A_206, %dma_wait3A_225] : memref<64x80xi32, #tpu.memory_space<vmem>> -> memref<32x80xi32, #tpu.memory_space<vmem>>
        %dma_wait3A_227 = arith.constant 0 : i32
        %dma_wait3A_228 = tpu.memref_slice %arg4[%arg1, %mul3A_224, %dma_wait3A_227] : memref<16x256x80xi32, #tpu.memory_space<hbm>> -> memref<1x32x80xi32, #tpu.memory_space<hbm>>
        %dma_wait3A_229 = tpu.memref_squeeze %dma_wait3A_228 : memref<1x32x80xi32, #tpu.memory_space<hbm>> -> memref<32x80xi32, #tpu.memory_space<hbm>>
        %dma_wait3A_230 = arith.constant 0 : i32
        %dma_wait3A_231 = tpu.memref_slice %arg7[%mul3A_206, %dma_wait3A_230] : memref<64x80xi32, #tpu.memory_space<vmem>> -> memref<32x80xi32, #tpu.memory_space<vmem>>
        %dma_wait3A_232 = arith.constant 0 : i32
        %dma_wait3A_233 = tpu.memref_slice %arg4[%arg1, %mul3A_224, %dma_wait3A_232] : memref<16x256x80xi32, #tpu.memory_space<hbm>> -> memref<1x32x80xi32, #tpu.memory_space<hbm>>
        %dma_wait3A_234 = tpu.memref_squeeze %dma_wait3A_233 : memref<1x32x80xi32, #tpu.memory_space<hbm>> -> memref<32x80xi32, #tpu.memory_space<hbm>>
        tpu.wait_dma2 semaphore(%arg14 : memref<!tpu.dma_semaphore, #tpu.memory_space<semaphore_mem>>) src(%dma_wait3A_234 : memref<32x80xi32, #tpu.memory_space<hbm>>) dst(%dma_wait3A_231 : memref<32x80xi32, #tpu.memory_space<vmem>>)
      } else {
      }
      %add3A_141 = arith.constant 0 : i32
      %add3A_142 = arith.addi %mul3A_65, %add3A_141 : i32
      %and3A_143 = arith.constant 63 : i32
      %and3A_144 = arith.andi %add3A_142, %and3A_143 : i32
      %dma_wait3A_145 = arith.constant 0 : i32
      %dma_wait3A_146 = tpu.memref_slice %arg7[%and3A_144, %dma_wait3A_145] : memref<64x80xi32, #tpu.memory_space<vmem>> -> memref<1x80xi32, #tpu.memory_space<vmem>>
      %dma_wait3A_147 = tpu.memref_squeeze %dma_wait3A_146 : memref<1x80xi32, #tpu.memory_space<vmem>> -> memref<80xi32, #tpu.memory_space<vmem>>
      %dma_wait3A_148 = arith.constant 0 : i32
      %dma_wait3A_149 = arith.constant 0 : i32
      %dma_wait3A_150 = tpu.memref_slice %arg15[%dma_wait3A_148, %dma_wait3A_149] : memref<10240x128xf32, #tpu.memory_space<vmem_shared>> -> memref<10240x128xf32, #tpu.memory_space<vmem_shared>>
      tpu.wait_indirect_dma semaphore(%arg11 : memref<!tpu.dma_semaphore, #tpu.memory_space<semaphore_mem>>) src(%arg8 : memref<80x128xf32, #tpu.memory_space<vmem>>) dst(%dma_wait3A_150 : memref<10240x128xf32, #tpu.memory_space<vmem_shared>>)
      %add3A_151 = arith.constant 3 : i32
      %add3A_152 = arith.addi %add3A_142, %add3A_151 : i32
      %and3A_153 = arith.constant 63 : i32
      %and3A_154 = arith.andi %add3A_152, %and3A_153 : i32
      %dma_start3A_155 = arith.constant 0 : i32
      %dma_start3A_156 = tpu.memref_slice %arg6[%and3A_154, %dma_start3A_155] : memref<64x80xi32, #tpu.memory_space<vmem>> -> memref<1x80xi32, #tpu.memory_space<vmem>>
      %dma_start3A_157 = tpu.memref_squeeze %dma_start3A_156 : memref<1x80xi32, #tpu.memory_space<vmem>> -> memref<80xi32, #tpu.memory_space<vmem>>
      %dma_start3A_158 = arith.constant 0 : i32
      %dma_start3A_159 = arith.constant 0 : i32
      %dma_start3A_160 = tpu.memref_slice %arg2[%dma_start3A_158, %dma_start3A_159] : memref<20480x128xf32, #tpu.memory_space<hbm>> -> memref<20480x128xf32, #tpu.memory_space<hbm>>
      tpu.enqueue_indirect_dma source(%dma_start3A_160 : memref<20480x128xf32, #tpu.memory_space<hbm>>) target(%arg8 : memref<80x128xf32, #tpu.memory_space<vmem>>) offsets(%dma_start3A_157 : memref<80xi32, #tpu.memory_space<vmem>>) semaphore(%arg11 : memref<!tpu.dma_semaphore, #tpu.memory_space<semaphore_mem>>)
      %add3A_161 = arith.constant 1 : i32
      %add3A_162 = arith.addi %mul3A_65, %add3A_161 : i32
      %and3A_163 = arith.constant 63 : i32
      %and3A_164 = arith.andi %add3A_162, %and3A_163 : i32
      %dma_wait3A_165 = arith.constant 0 : i32
      %dma_wait3A_166 = tpu.memref_slice %arg7[%and3A_164, %dma_wait3A_165] : memref<64x80xi32, #tpu.memory_space<vmem>> -> memref<1x80xi32, #tpu.memory_space<vmem>>
      %dma_wait3A_167 = tpu.memref_squeeze %dma_wait3A_166 : memref<1x80xi32, #tpu.memory_space<vmem>> -> memref<80xi32, #tpu.memory_space<vmem>>
      %dma_wait3A_168 = arith.constant 0 : i32
      %dma_wait3A_169 = arith.constant 0 : i32
      %dma_wait3A_170 = tpu.memref_slice %arg15[%dma_wait3A_168, %dma_wait3A_169] : memref<10240x128xf32, #tpu.memory_space<vmem_shared>> -> memref<10240x128xf32, #tpu.memory_space<vmem_shared>>
      tpu.wait_indirect_dma semaphore(%arg12 : memref<!tpu.dma_semaphore, #tpu.memory_space<semaphore_mem>>) src(%arg9 : memref<80x128xf32, #tpu.memory_space<vmem>>) dst(%dma_wait3A_170 : memref<10240x128xf32, #tpu.memory_space<vmem_shared>>)
      %add3A_171 = arith.constant 3 : i32
      %add3A_172 = arith.addi %add3A_162, %add3A_171 : i32
      %and3A_173 = arith.constant 63 : i32
      %and3A_174 = arith.andi %add3A_172, %and3A_173 : i32
      %dma_start3A_175 = arith.constant 0 : i32
      %dma_start3A_176 = tpu.memref_slice %arg6[%and3A_174, %dma_start3A_175] : memref<64x80xi32, #tpu.memory_space<vmem>> -> memref<1x80xi32, #tpu.memory_space<vmem>>
      %dma_start3A_177 = tpu.memref_squeeze %dma_start3A_176 : memref<1x80xi32, #tpu.memory_space<vmem>> -> memref<80xi32, #tpu.memory_space<vmem>>
      %dma_start3A_178 = arith.constant 0 : i32
      %dma_start3A_179 = arith.constant 0 : i32
      %dma_start3A_180 = tpu.memref_slice %arg2[%dma_start3A_178, %dma_start3A_179] : memref<20480x128xf32, #tpu.memory_space<hbm>> -> memref<20480x128xf32, #tpu.memory_space<hbm>>
      tpu.enqueue_indirect_dma source(%dma_start3A_180 : memref<20480x128xf32, #tpu.memory_space<hbm>>) target(%arg9 : memref<80x128xf32, #tpu.memory_space<vmem>>) offsets(%dma_start3A_177 : memref<80xi32, #tpu.memory_space<vmem>>) semaphore(%arg12 : memref<!tpu.dma_semaphore, #tpu.memory_space<semaphore_mem>>)
      %add3A_181 = arith.constant 2 : i32
      %add3A_182 = arith.addi %mul3A_65, %add3A_181 : i32
      %and3A_183 = arith.constant 63 : i32
      %and3A_184 = arith.andi %add3A_182, %and3A_183 : i32
      %dma_wait3A_185 = arith.constant 0 : i32
      %dma_wait3A_186 = tpu.memref_slice %arg7[%and3A_184, %dma_wait3A_185] : memref<64x80xi32, #tpu.memory_space<vmem>> -> memref<1x80xi32, #tpu.memory_space<vmem>>
      %dma_wait3A_187 = tpu.memref_squeeze %dma_wait3A_186 : memref<1x80xi32, #tpu.memory_space<vmem>> -> memref<80xi32, #tpu.memory_space<vmem>>
      %dma_wait3A_188 = arith.constant 0 : i32
      %dma_wait3A_189 = arith.constant 0 : i32
      %dma_wait3A_190 = tpu.memref_slice %arg15[%dma_wait3A_188, %dma_wait3A_189] : memref<10240x128xf32, #tpu.memory_space<vmem_shared>> -> memref<10240x128xf32, #tpu.memory_space<vmem_shared>>
      tpu.wait_indirect_dma semaphore(%arg13 : memref<!tpu.dma_semaphore, #tpu.memory_space<semaphore_mem>>) src(%arg10 : memref<80x128xf32, #tpu.memory_space<vmem>>) dst(%dma_wait3A_190 : memref<10240x128xf32, #tpu.memory_space<vmem_shared>>)
      %add3A_191 = arith.constant 3 : i32
      %add3A_192 = arith.addi %add3A_182, %add3A_191 : i32
      %and3A_193 = arith.constant 63 : i32
      %and3A_194 = arith.andi %add3A_192, %and3A_193 : i32
      %dma_start3A_195 = arith.constant 0 : i32
      %dma_start3A_196 = tpu.memref_slice %arg6[%and3A_194, %dma_start3A_195] : memref<64x80xi32, #tpu.memory_space<vmem>> -> memref<1x80xi32, #tpu.memory_space<vmem>>
      %dma_start3A_197 = tpu.memref_squeeze %dma_start3A_196 : memref<1x80xi32, #tpu.memory_space<vmem>> -> memref<80xi32, #tpu.memory_space<vmem>>
      %dma_start3A_198 = arith.constant 0 : i32
      %dma_start3A_199 = arith.constant 0 : i32
      %dma_start3A_200 = tpu.memref_slice %arg2[%dma_start3A_198, %dma_start3A_199] : memref<20480x128xf32, #tpu.memory_space<hbm>> -> memref<20480x128xf32, #tpu.memory_space<hbm>>
      tpu.enqueue_indirect_dma source(%dma_start3A_200 : memref<20480x128xf32, #tpu.memory_space<hbm>>) target(%arg10 : memref<80x128xf32, #tpu.memory_space<vmem>>) offsets(%dma_start3A_197 : memref<80xi32, #tpu.memory_space<vmem>>) semaphore(%arg13 : memref<!tpu.dma_semaphore, #tpu.memory_space<semaphore_mem>>)
    }
    %scan3A_36 = arith.constant 84 : i32
    %dma_wait3A = arith.constant 60 : i32
    %dma_wait3A_37 = arith.constant 0 : i32
    %dma_wait3A_38 = tpu.memref_slice %arg6[%dma_wait3A, %dma_wait3A_37] : memref<64x80xi32, #tpu.memory_space<vmem>> -> memref<1x80xi32, #tpu.memory_space<vmem>>
    %dma_wait3A_39 = tpu.memref_squeeze %dma_wait3A_38 : memref<1x80xi32, #tpu.memory_space<vmem>> -> memref<80xi32, #tpu.memory_space<vmem>>
    %dma_wait3A_40 = arith.constant 0 : i32
    %dma_wait3A_41 = arith.constant 0 : i32
    %dma_wait3A_42 = tpu.memref_slice %arg2[%dma_wait3A_40, %dma_wait3A_41] : memref<20480x128xf32, #tpu.memory_space<hbm>> -> memref<20480x128xf32, #tpu.memory_space<hbm>>
    tpu.wait_indirect_dma semaphore(%arg11 : memref<!tpu.dma_semaphore, #tpu.memory_space<semaphore_mem>>) src(%dma_wait3A_42 : memref<20480x128xf32, #tpu.memory_space<hbm>>) dst(%arg8 : memref<80x128xf32, #tpu.memory_space<vmem>>)
    %dma_wait3A_43 = arith.constant 61 : i32
    %dma_wait3A_44 = arith.constant 0 : i32
    %dma_wait3A_45 = tpu.memref_slice %arg6[%dma_wait3A_43, %dma_wait3A_44] : memref<64x80xi32, #tpu.memory_space<vmem>> -> memref<1x80xi32, #tpu.memory_space<vmem>>
    %dma_wait3A_46 = tpu.memref_squeeze %dma_wait3A_45 : memref<1x80xi32, #tpu.memory_space<vmem>> -> memref<80xi32, #tpu.memory_space<vmem>>
    %dma_wait3A_47 = arith.constant 0 : i32
    %dma_wait3A_48 = arith.constant 0 : i32
    %dma_wait3A_49 = tpu.memref_slice %arg2[%dma_wait3A_47, %dma_wait3A_48] : memref<20480x128xf32, #tpu.memory_space<hbm>> -> memref<20480x128xf32, #tpu.memory_space<hbm>>
    tpu.wait_indirect_dma semaphore(%arg12 : memref<!tpu.dma_semaphore, #tpu.memory_space<semaphore_mem>>) src(%dma_wait3A_49 : memref<20480x128xf32, #tpu.memory_space<hbm>>) dst(%arg9 : memref<80x128xf32, #tpu.memory_space<vmem>>)
    %dma_wait3A_50 = arith.constant 62 : i32
    %dma_wait3A_51 = arith.constant 0 : i32
    %dma_wait3A_52 = tpu.memref_slice %arg6[%dma_wait3A_50, %dma_wait3A_51] : memref<64x80xi32, #tpu.memory_space<vmem>> -> memref<1x80xi32, #tpu.memory_space<vmem>>
    %dma_wait3A_53 = tpu.memref_squeeze %dma_wait3A_52 : memref<1x80xi32, #tpu.memory_space<vmem>> -> memref<80xi32, #tpu.memory_space<vmem>>
    %dma_wait3A_54 = arith.constant 0 : i32
    %dma_wait3A_55 = arith.constant 0 : i32
    %dma_wait3A_56 = tpu.memref_slice %arg2[%dma_wait3A_54, %dma_wait3A_55] : memref<20480x128xf32, #tpu.memory_space<hbm>> -> memref<20480x128xf32, #tpu.memory_space<hbm>>
    tpu.wait_indirect_dma semaphore(%arg13 : memref<!tpu.dma_semaphore, #tpu.memory_space<semaphore_mem>>) src(%dma_wait3A_56 : memref<20480x128xf32, #tpu.memory_space<hbm>>) dst(%arg10 : memref<80x128xf32, #tpu.memory_space<vmem>>)
    %barrier3A_57 = arith.constant 0 : index
    tpu.barrier barrier_id(%barrier3A_57)
    %mul3A = arith.constant 640 : i32
    %mul3A_58 = arith.muli %arg1, %mul3A : i32
    %mul3A_59 = arith.constant 10240 : i32
    %mul3A_60 = arith.muli %arg0, %mul3A_59 : i32
    %mul3A_61 = arith.constant 640 : i32
    %mul3A_62 = arith.muli %arg1, %mul3A_61 : i32
    %add3A = arith.addi %mul3A_60, %mul3A_62 : i32
    "tpu.region"() ({
      %run_scoped3A = tpu.sem_alloc : memref<!tpu.dma_semaphore, #tpu.memory_space<semaphore_mem>>
      %dma_start3A_63 = arith.constant 0 : i32
      %dma_start3A_64 = tpu.memref_slice %arg5[%add3A, %dma_start3A_63] : memref<20480x128xf32, #tpu.memory_space<hbm>> -> memref<640x128xf32, #tpu.memory_space<hbm>>
      %dma_start3A_65 = arith.constant 0 : i32
      %dma_start3A_66 = tpu.memref_slice %arg15[%mul3A_58, %dma_start3A_65] : memref<10240x128xf32, #tpu.memory_space<vmem_shared>> -> memref<640x128xf32, #tpu.memory_space<vmem_shared>>
      tpu.enqueue_dma source(%dma_start3A_66 : memref<640x128xf32, #tpu.memory_space<vmem_shared>>) target(%dma_start3A_64 : memref<640x128xf32, #tpu.memory_space<hbm>>) target_semaphore(%run_scoped3A : memref<!tpu.dma_semaphore, #tpu.memory_space<semaphore_mem>>)
      %dma_wait3A_67 = arith.constant 0 : i32
      %dma_wait3A_68 = tpu.memref_slice %arg5[%add3A, %dma_wait3A_67] : memref<20480x128xf32, #tpu.memory_space<hbm>> -> memref<640x128xf32, #tpu.memory_space<hbm>>
      %dma_wait3A_69 = arith.constant 0 : i32
      %dma_wait3A_70 = tpu.memref_slice %arg15[%mul3A_58, %dma_wait3A_69] : memref<10240x128xf32, #tpu.memory_space<vmem_shared>> -> memref<640x128xf32, #tpu.memory_space<vmem_shared>>
      tpu.wait_dma2 semaphore(%run_scoped3A : memref<!tpu.dma_semaphore, #tpu.memory_space<semaphore_mem>>) src(%dma_wait3A_70 : memref<640x128xf32, #tpu.memory_space<vmem_shared>>) dst(%dma_wait3A_68 : memref<640x128xf32, #tpu.memory_space<hbm>>)
      tpu.yield
    }) : () -> ()
    return
  }
}

#map = affine_map<(d0, d1) -> (0, 0)>
#map1 = affine_map<(d0, d1) -> (0)>
#map2 = affine_map<(d0, d1) -> (0, 0, 0)>
module attributes {stable_mosaic.version = 14 : i64} {
  func.func @_prep_body(%arg0: i32, %arg1: i32, %arg2: memref<10000x128xf32, #tpu.memory_space<hbm>>, %arg3: memref<10240xi32, #tpu.memory_space<hbm>>, %arg4: memref<32x79x128xi32, #tpu.memory_space<hbm>>, %arg5: memref<2x10240xf32, #tpu.memory_space<hbm>>, %arg6: memref<10240x128xf32, #tpu.memory_space<hbm>>, %arg7: memref<64xi32, #tpu.memory_space<vmem>>, %arg8: memref<64x128xf32, #tpu.memory_space<vmem>>, %arg9: memref<128xf32, #tpu.memory_space<vmem>>, %arg10: memref<79x128xi32, #tpu.memory_space<vmem>>, %arg11: memref<640xf32, #tpu.memory_space<vmem>>, %arg12: memref<!tpu.dma_semaphore, #tpu.memory_space<semaphore_mem>>, %arg13: memref<10240xf32, #tpu.memory_space<vmem_shared>>) attributes {dimension_semantics = [#tpu.dimension_semantics<core_parallel>, #tpu.dimension_semantics<subcore_parallel>], iteration_bounds = array<i64: 2, 16>, scalar_prefetch = 0 : i64, scratch_operands = 7 : i64, tpu.core_type = #tpu.core_type<sc_vector_subcore>, window_params = [{transform_indices = #map}, {transform_indices = #map1}, {transform_indices = #map2}, {transform_indices = #map}, {transform_indices = #map}]} {
    %mul3A = arith.constant 16 : i32
    %mul3A_0 = arith.muli %arg0, %mul3A : i32
    %add3A = arith.addi %mul3A_0, %arg1 : i32
    %scan3A = arith.constant 0 : i32
    %scan3A_1 = arith.constant 0 : i32
    %scan3A_2 = arith.constant 40 : i32
    %scan3A_3 = arith.addi %scan3A_1, %scan3A_2 : i32
    %scan3A_4 = arith.constant 1 : i32
    scf.for %scan3A_37 = %scan3A_1 to %scan3A_3 step %scan3A_4  : i32 {
      %broadcast_in_dim3A = arith.constant 0.000000e+00 : f32
      %broadcast_in_dim3A_38 = vector.broadcast %broadcast_in_dim3A : f32 to vector<16xf32>
      %mul3A_39 = arith.constant 16 : i32
      %mul3A_40 = arith.muli %scan3A_37, %mul3A_39 : i32
      %swap3A = arith.index_cast %mul3A_40 : i32 to index
      %swap3A_41 = tpu.vector_load %arg11[%swap3A] {strides = array<i32>} : memref<640xf32, #tpu.memory_space<vmem>>, vector<16xf32>,
      %swap3A_42 = vector.shape_cast %swap3A_41 : vector<16xf32> to vector<16xf32>
      %swap3A_43 = vector.shape_cast %broadcast_in_dim3A_38 : vector<16xf32> to vector<16xf32>
      tpu.vector_store %arg11[%swap3A], %swap3A_43 {strides = array<i32>} : memref<640xf32, #tpu.memory_space<vmem>>, vector<16xf32>,
    }
    %scan3A_5 = arith.constant 40 : i32
    %mul3A_6 = arith.constant 640 : i32
    %mul3A_7 = arith.muli %arg1, %mul3A_6 : i32
    "tpu.region"() ({
      %run_scoped3A = tpu.sem_alloc : memref<!tpu.dma_semaphore, #tpu.memory_space<semaphore_mem>>
      %dma_start3A = tpu.memref_slice %arg13[%mul3A_7] : memref<10240xf32, #tpu.memory_space<vmem_shared>> -> memref<640xf32, #tpu.memory_space<vmem_shared>>
      %dma_start3A_37 = tpu.memref_slice %arg13[%mul3A_7] : memref<10240xf32, #tpu.memory_space<vmem_shared>> -> memref<640xf32, #tpu.memory_space<vmem_shared>>
      tpu.enqueue_dma source(%arg11 : memref<640xf32, #tpu.memory_space<vmem>>) target(%dma_start3A_37 : memref<640xf32, #tpu.memory_space<vmem_shared>>) target_semaphore(%run_scoped3A : memref<!tpu.dma_semaphore, #tpu.memory_space<semaphore_mem>>)
      %dma_wait3A = tpu.memref_slice %arg13[%mul3A_7] : memref<10240xf32, #tpu.memory_space<vmem_shared>> -> memref<640xf32, #tpu.memory_space<vmem_shared>>
      %dma_wait3A_38 = tpu.memref_slice %arg13[%mul3A_7] : memref<10240xf32, #tpu.memory_space<vmem_shared>> -> memref<640xf32, #tpu.memory_space<vmem_shared>>
      tpu.wait_dma2 semaphore(%run_scoped3A : memref<!tpu.dma_semaphore, #tpu.memory_space<semaphore_mem>>) src(%arg11 : memref<640xf32, #tpu.memory_space<vmem>>) dst(%dma_wait3A_38 : memref<640xf32, #tpu.memory_space<vmem_shared>>)
      tpu.yield
    }) : () -> ()
    %scan3A_8 = arith.constant 0 : i32
    %scan3A_9 = arith.constant 0 : i32
    %scan3A_10 = arith.constant 8 : i32
    %scan3A_11 = arith.addi %scan3A_9, %scan3A_10 : i32
    %scan3A_12 = arith.constant 1 : i32
    scf.for %scan3A_37 = %scan3A_9 to %scan3A_11 step %scan3A_12  : i32 {
      %broadcast_in_dim3A = arith.constant 1.000000e+00 : f32
      %broadcast_in_dim3A_38 = vector.broadcast %broadcast_in_dim3A : f32 to vector<16xf32>
      %mul3A_39 = arith.constant 16 : i32
      %mul3A_40 = arith.muli %scan3A_37, %mul3A_39 : i32
      %swap3A = arith.index_cast %mul3A_40 : i32 to index
      %swap3A_41 = tpu.vector_load %arg9[%swap3A] {strides = array<i32>} : memref<128xf32, #tpu.memory_space<vmem>>, vector<16xf32>,
      %swap3A_42 = vector.shape_cast %swap3A_41 : vector<16xf32> to vector<16xf32>
      %swap3A_43 = vector.shape_cast %broadcast_in_dim3A_38 : vector<16xf32> to vector<16xf32>
      tpu.vector_store %arg9[%swap3A], %swap3A_43 {strides = array<i32>} : memref<128xf32, #tpu.memory_space<vmem>>, vector<16xf32>,
    }
    %scan3A_13 = arith.constant 8 : i32
    %barrier3A = arith.constant 0 : index
    tpu.barrier barrier_id(%barrier3A)
    "tpu.region"() ({
      %run_scoped3A = tpu.sem_alloc : memref<!tpu.dma_semaphore, #tpu.memory_space<semaphore_mem>>
      %dma_start3A = arith.constant 0 : i32
      %dma_start3A_37 = arith.constant 0 : i32
      %dma_start3A_38 = tpu.memref_slice %arg4[%add3A, %dma_start3A, %dma_start3A_37] : memref<32x79x128xi32, #tpu.memory_space<hbm>> -> memref<1x79x128xi32, #tpu.memory_space<hbm>>
      %dma_start3A_39 = tpu.memref_squeeze %dma_start3A_38 : memref<1x79x128xi32, #tpu.memory_space<hbm>> -> memref<79x128xi32, #tpu.memory_space<hbm>>
      %dma_start3A_40 = arith.constant 0 : i32
      %dma_start3A_41 = arith.constant 0 : i32
      %dma_start3A_42 = tpu.memref_slice %arg4[%add3A, %dma_start3A_40, %dma_start3A_41] : memref<32x79x128xi32, #tpu.memory_space<hbm>> -> memref<1x79x128xi32, #tpu.memory_space<hbm>>
      %dma_start3A_43 = tpu.memref_squeeze %dma_start3A_42 : memref<1x79x128xi32, #tpu.memory_space<hbm>> -> memref<79x128xi32, #tpu.memory_space<hbm>>
      tpu.enqueue_dma source(%dma_start3A_43 : memref<79x128xi32, #tpu.memory_space<hbm>>) target(%arg10 : memref<79x128xi32, #tpu.memory_space<vmem>>) target_semaphore(%run_scoped3A : memref<!tpu.dma_semaphore, #tpu.memory_space<semaphore_mem>>)
      %dma_wait3A = arith.constant 0 : i32
      %dma_wait3A_44 = arith.constant 0 : i32
      %dma_wait3A_45 = tpu.memref_slice %arg4[%add3A, %dma_wait3A, %dma_wait3A_44] : memref<32x79x128xi32, #tpu.memory_space<hbm>> -> memref<1x79x128xi32, #tpu.memory_space<hbm>>
      %dma_wait3A_46 = tpu.memref_squeeze %dma_wait3A_45 : memref<1x79x128xi32, #tpu.memory_space<hbm>> -> memref<79x128xi32, #tpu.memory_space<hbm>>
      %dma_wait3A_47 = arith.constant 0 : i32
      %dma_wait3A_48 = arith.constant 0 : i32
      %dma_wait3A_49 = tpu.memref_slice %arg4[%add3A, %dma_wait3A_47, %dma_wait3A_48] : memref<32x79x128xi32, #tpu.memory_space<hbm>> -> memref<1x79x128xi32, #tpu.memory_space<hbm>>
      %dma_wait3A_50 = tpu.memref_squeeze %dma_wait3A_49 : memref<1x79x128xi32, #tpu.memory_space<hbm>> -> memref<79x128xi32, #tpu.memory_space<hbm>>
      tpu.wait_dma2 semaphore(%run_scoped3A : memref<!tpu.dma_semaphore, #tpu.memory_space<semaphore_mem>>) src(%dma_wait3A_50 : memref<79x128xi32, #tpu.memory_space<hbm>>) dst(%arg10 : memref<79x128xi32, #tpu.memory_space<vmem>>)
      tpu.yield
    }) : () -> ()
    %scan3A_14 = arith.constant 0 : i32
    %scan3A_15 = arith.constant 0 : i32
    %scan3A_16 = arith.constant 79 : i32
    %scan3A_17 = arith.addi %scan3A_15, %scan3A_16 : i32
    %scan3A_18 = arith.constant 1 : i32
    scf.for %scan3A_37 = %scan3A_15 to %scan3A_17 step %scan3A_18  : i32 {
      %dma_start3A = arith.constant 0 : i32
      %dma_start3A_38 = tpu.memref_slice %arg10[%scan3A_37, %dma_start3A] : memref<79x128xi32, #tpu.memory_space<vmem>> -> memref<1x128xi32, #tpu.memory_space<vmem>>
      %dma_start3A_39 = tpu.memref_squeeze %dma_start3A_38 : memref<1x128xi32, #tpu.memory_space<vmem>> -> memref<128xi32, #tpu.memory_space<vmem>>
      %dma_start3A_40 = arith.constant 0 : i32
      %dma_start3A_41 = tpu.memref_slice %arg13[%dma_start3A_40] : memref<10240xf32, #tpu.memory_space<vmem_shared>> -> memref<10240xf32, #tpu.memory_space<vmem_shared>>
      tpu.enqueue_indirect_dma source(%arg9 : memref<128xf32, #tpu.memory_space<vmem>>) target(%dma_start3A_41 : memref<10240xf32, #tpu.memory_space<vmem_shared>>) offsets(%dma_start3A_39 : memref<128xi32, #tpu.memory_space<vmem>>) semaphore(%arg12 : memref<!tpu.dma_semaphore, #tpu.memory_space<semaphore_mem>>) {add = true}
    }
    %scan3A_19 = arith.constant 79 : i32
    %scan3A_20 = arith.constant 0 : i32
    %scan3A_21 = arith.constant 0 : i32
    %scan3A_22 = arith.constant 5 : i32
    %scan3A_23 = arith.addi %scan3A_21, %scan3A_22 : i32
    %scan3A_24 = arith.constant 1 : i32
    scf.for %scan3A_37 = %scan3A_21 to %scan3A_23 step %scan3A_24  : i32 {
      %mul3A_38 = arith.constant 320 : i32
      %mul3A_39 = arith.muli %add3A, %mul3A_38 : i32
      %mul3A_40 = arith.constant 64 : i32
      %mul3A_41 = arith.muli %scan3A_37, %mul3A_40 : i32
      %add3A_42 = arith.addi %mul3A_39, %mul3A_41 : i32
      "tpu.region"() ({
        %run_scoped3A = tpu.sem_alloc : memref<!tpu.dma_semaphore, #tpu.memory_space<semaphore_mem>>
        %dma_start3A = tpu.memref_slice %arg3[%add3A_42] : memref<10240xi32, #tpu.memory_space<hbm>> -> memref<64xi32, #tpu.memory_space<hbm>>
        %dma_start3A_43 = tpu.memref_slice %arg3[%add3A_42] : memref<10240xi32, #tpu.memory_space<hbm>> -> memref<64xi32, #tpu.memory_space<hbm>>
        tpu.enqueue_dma source(%dma_start3A_43 : memref<64xi32, #tpu.memory_space<hbm>>) target(%arg7 : memref<64xi32, #tpu.memory_space<vmem>>) target_semaphore(%run_scoped3A : memref<!tpu.dma_semaphore, #tpu.memory_space<semaphore_mem>>)
        %dma_wait3A = tpu.memref_slice %arg3[%add3A_42] : memref<10240xi32, #tpu.memory_space<hbm>> -> memref<64xi32, #tpu.memory_space<hbm>>
        %dma_wait3A_44 = tpu.memref_slice %arg3[%add3A_42] : memref<10240xi32, #tpu.memory_space<hbm>> -> memref<64xi32, #tpu.memory_space<hbm>>
        tpu.wait_dma2 semaphore(%run_scoped3A : memref<!tpu.dma_semaphore, #tpu.memory_space<semaphore_mem>>) src(%dma_wait3A_44 : memref<64xi32, #tpu.memory_space<hbm>>) dst(%arg7 : memref<64xi32, #tpu.memory_space<vmem>>)
        tpu.yield
      }) : () -> ()
      "tpu.region"() ({
        %run_scoped3A = tpu.sem_alloc : memref<!tpu.dma_semaphore, #tpu.memory_space<semaphore_mem>>
        %dma_start3A = arith.constant 0 : i32
        %dma_start3A_43 = arith.constant 0 : i32
        %dma_start3A_44 = tpu.memref_slice %arg2[%dma_start3A, %dma_start3A_43] : memref<10000x128xf32, #tpu.memory_space<hbm>> -> memref<10000x128xf32, #tpu.memory_space<hbm>>
        tpu.enqueue_indirect_dma source(%dma_start3A_44 : memref<10000x128xf32, #tpu.memory_space<hbm>>) target(%arg8 : memref<64x128xf32, #tpu.memory_space<vmem>>) offsets(%arg7 : memref<64xi32, #tpu.memory_space<vmem>>) semaphore(%run_scoped3A : memref<!tpu.dma_semaphore, #tpu.memory_space<semaphore_mem>>)
        %dma_wait3A = arith.constant 0 : i32
        %dma_wait3A_45 = arith.constant 0 : i32
        %dma_wait3A_46 = tpu.memref_slice %arg2[%dma_wait3A, %dma_wait3A_45] : memref<10000x128xf32, #tpu.memory_space<hbm>> -> memref<10000x128xf32, #tpu.memory_space<hbm>>
        tpu.wait_indirect_dma semaphore(%run_scoped3A : memref<!tpu.dma_semaphore, #tpu.memory_space<semaphore_mem>>) src(%dma_wait3A_46 : memref<10000x128xf32, #tpu.memory_space<hbm>>) dst(%arg8 : memref<64x128xf32, #tpu.memory_space<vmem>>)
        tpu.yield
      }) : () -> ()
      "tpu.region"() ({
        %run_scoped3A = tpu.sem_alloc : memref<!tpu.dma_semaphore, #tpu.memory_space<semaphore_mem>>
        %dma_start3A = arith.constant 0 : i32
        %dma_start3A_43 = tpu.memref_slice %arg6[%add3A_42, %dma_start3A] : memref<10240x128xf32, #tpu.memory_space<hbm>> -> memref<64x128xf32, #tpu.memory_space<hbm>>
        %dma_start3A_44 = arith.constant 0 : i32
        %dma_start3A_45 = tpu.memref_slice %arg6[%add3A_42, %dma_start3A_44] : memref<10240x128xf32, #tpu.memory_space<hbm>> -> memref<64x128xf32, #tpu.memory_space<hbm>>
        tpu.enqueue_dma source(%arg8 : memref<64x128xf32, #tpu.memory_space<vmem>>) target(%dma_start3A_45 : memref<64x128xf32, #tpu.memory_space<hbm>>) target_semaphore(%run_scoped3A : memref<!tpu.dma_semaphore, #tpu.memory_space<semaphore_mem>>)
        %dma_wait3A = arith.constant 0 : i32
        %dma_wait3A_46 = tpu.memref_slice %arg6[%add3A_42, %dma_wait3A] : memref<10240x128xf32, #tpu.memory_space<hbm>> -> memref<64x128xf32, #tpu.memory_space<hbm>>
        %dma_wait3A_47 = arith.constant 0 : i32
        %dma_wait3A_48 = tpu.memref_slice %arg6[%add3A_42, %dma_wait3A_47] : memref<10240x128xf32, #tpu.memory_space<hbm>> -> memref<64x128xf32, #tpu.memory_space<hbm>>
        tpu.wait_dma2 semaphore(%run_scoped3A : memref<!tpu.dma_semaphore, #tpu.memory_space<semaphore_mem>>) src(%arg8 : memref<64x128xf32, #tpu.memory_space<vmem>>) dst(%dma_wait3A_48 : memref<64x128xf32, #tpu.memory_space<hbm>>)
        tpu.yield
      }) : () -> ()
    }
    %scan3A_25 = arith.constant 5 : i32
    %scan3A_26 = arith.constant 0 : i32
    %scan3A_27 = arith.constant 0 : i32
    %scan3A_28 = arith.constant 79 : i32
    %scan3A_29 = arith.addi %scan3A_27, %scan3A_28 : i32
    %scan3A_30 = arith.constant 1 : i32
    scf.for %scan3A_37 = %scan3A_27 to %scan3A_29 step %scan3A_30  : i32 {
      %dma_wait3A = arith.constant 0 : i32
      %dma_wait3A_38 = tpu.memref_slice %arg10[%scan3A_37, %dma_wait3A] : memref<79x128xi32, #tpu.memory_space<vmem>> -> memref<1x128xi32, #tpu.memory_space<vmem>>
      %dma_wait3A_39 = tpu.memref_squeeze %dma_wait3A_38 : memref<1x128xi32, #tpu.memory_space<vmem>> -> memref<128xi32, #tpu.memory_space<vmem>>
      %dma_wait3A_40 = arith.constant 0 : i32
      %dma_wait3A_41 = tpu.memref_slice %arg13[%dma_wait3A_40] : memref<10240xf32, #tpu.memory_space<vmem_shared>> -> memref<10240xf32, #tpu.memory_space<vmem_shared>>
      tpu.wait_indirect_dma semaphore(%arg12 : memref<!tpu.dma_semaphore, #tpu.memory_space<semaphore_mem>>) src(%arg9 : memref<128xf32, #tpu.memory_space<vmem>>) dst(%dma_wait3A_41 : memref<10240xf32, #tpu.memory_space<vmem_shared>>)
    }
    %scan3A_31 = arith.constant 79 : i32
    %barrier3A_32 = arith.constant 0 : index
    tpu.barrier barrier_id(%barrier3A_32)
    %mul3A_33 = arith.constant 640 : i32
    %mul3A_34 = arith.muli %arg1, %mul3A_33 : i32
    %mul3A_35 = arith.constant 640 : i32
    %mul3A_36 = arith.muli %arg1, %mul3A_35 : i32
    "tpu.region"() ({
      %run_scoped3A = tpu.sem_alloc : memref<!tpu.dma_semaphore, #tpu.memory_space<semaphore_mem>>
      %dma_start3A = tpu.memref_slice %arg5[%arg0, %mul3A_36] : memref<2x10240xf32, #tpu.memory_space<hbm>> -> memref<1x640xf32, #tpu.memory_space<hbm>>
      %dma_start3A_37 = tpu.memref_squeeze %dma_start3A : memref<1x640xf32, #tpu.memory_space<hbm>> -> memref<640xf32, #tpu.memory_space<hbm>>
      %dma_start3A_38 = tpu.memref_slice %arg13[%mul3A_34] : memref<10240xf32, #tpu.memory_space<vmem_shared>> -> memref<640xf32, #tpu.memory_space<vmem_shared>>
      tpu.enqueue_dma source(%dma_start3A_38 : memref<640xf32, #tpu.memory_space<vmem_shared>>) target(%dma_start3A_37 : memref<640xf32, #tpu.memory_space<hbm>>) target_semaphore(%run_scoped3A : memref<!tpu.dma_semaphore, #tpu.memory_space<semaphore_mem>>)
      %dma_wait3A = tpu.memref_slice %arg5[%arg0, %mul3A_36] : memref<2x10240xf32, #tpu.memory_space<hbm>> -> memref<1x640xf32, #tpu.memory_space<hbm>>
      %dma_wait3A_39 = tpu.memref_squeeze %dma_wait3A : memref<1x640xf32, #tpu.memory_space<hbm>> -> memref<640xf32, #tpu.memory_space<hbm>>
      %dma_wait3A_40 = tpu.memref_slice %arg13[%mul3A_34] : memref<10240xf32, #tpu.memory_space<vmem_shared>> -> memref<640xf32, #tpu.memory_space<vmem_shared>>
      tpu.wait_dma2 semaphore(%run_scoped3A : memref<!tpu.dma_semaphore, #tpu.memory_space<semaphore_mem>>) src(%dma_wait3A_40 : memref<640xf32, #tpu.memory_space<vmem_shared>>) dst(%dma_wait3A_39 : memref<640xf32, #tpu.memory_space<hbm>>)
      tpu.yield
    }) : () -> ()
    return
  }
}

#map = affine_map<(d0, d1) -> (0, 0)>
#map1 = affine_map<(d0, d1) -> (0, 0, 0, 0)>
#map2 = affine_map<(d0, d1) -> (0, 0, 0)>
module attributes {stable_mosaic.version = 14 : i64} {
  func.func @_agg_body(%arg0: i32, %arg1: i32, %arg2: memref<20480x128xf32, #tpu.memory_space<hbm>>, %arg3: memref<2x16x256x80xi32, #tpu.memory_space<hbm>>, %arg4: memref<16x256x80xi32, #tpu.memory_space<hbm>>, %arg5: memref<20480x128xf32, #tpu.memory_space<hbm>>, %arg6: memref<64x80xi32, #tpu.memory_space<vmem>>, %arg7: memref<64x80xi32, #tpu.memory_space<vmem>>, %arg8: memref<80x128xf32, #tpu.memory_space<vmem>>, %arg9: memref<80x128xf32, #tpu.memory_space<vmem>>, %arg10: memref<80x128xf32, #tpu.memory_space<vmem>>, %arg11: memref<!tpu.dma_semaphore, #tpu.memory_space<semaphore_mem>>, %arg12: memref<!tpu.dma_semaphore, #tpu.memory_space<semaphore_mem>>, %arg13: memref<!tpu.dma_semaphore, #tpu.memory_space<semaphore_mem>>, %arg14: memref<!tpu.dma_semaphore, #tpu.memory_space<semaphore_mem>>, %arg15: memref<10240x128xf32, #tpu.memory_space<vmem_shared>>) attributes {dimension_semantics = [#tpu.dimension_semantics<core_parallel>, #tpu.dimension_semantics<subcore_parallel>], iteration_bounds = array<i64: 2, 16>, scalar_prefetch = 0 : i64, scratch_operands = 10 : i64, tpu.core_type = #tpu.core_type<sc_vector_subcore>, window_params = [{transform_indices = #map}, {transform_indices = #map1}, {transform_indices = #map2}, {transform_indices = #map}]} {
    %scan3A = arith.constant 0 : i32
    %scan3A_0 = arith.constant 0 : i32
    %scan3A_1 = arith.constant 80 : i32
    %scan3A_2 = arith.addi %scan3A_0, %scan3A_1 : i32
    %scan3A_3 = arith.constant 1 : i32
    scf.for %scan3A_63 = %scan3A_0 to %scan3A_2 step %scan3A_3  : i32 {
      %scan3A_64 = arith.constant 0 : i32
      %scan3A_65 = arith.constant 0 : i32
      %scan3A_66 = arith.constant 8 : i32
      %scan3A_67 = arith.addi %scan3A_65, %scan3A_66 : i32
      %scan3A_68 = arith.constant 1 : i32
      scf.for %scan3A_70 = %scan3A_65 to %scan3A_67 step %scan3A_68  : i32 {
        %broadcast_in_dim3A = arith.constant 0.000000e+00 : f32
        %broadcast_in_dim3A_71 = vector.broadcast %broadcast_in_dim3A : f32 to vector<16xf32>
        %mul3A_72 = arith.constant 16 : i32
        %mul3A_73 = arith.muli %scan3A_70, %mul3A_72 : i32
        %swap3A = arith.index_cast %scan3A_63 : i32 to index
        %swap3A_74 = arith.index_cast %mul3A_73 : i32 to index
        %swap3A_75 = tpu.vector_load %arg8[%swap3A, %swap3A_74] {strides = array<i32>} : memref<80x128xf32, #tpu.memory_space<vmem>>, vector<1x16xf32>,
        %swap3A_76 = vector.shape_cast %swap3A_75 : vector<1x16xf32> to vector<16xf32>
        %swap3A_77 = vector.shape_cast %broadcast_in_dim3A_71 : vector<16xf32> to vector<1x16xf32>
        tpu.vector_store %arg8[%swap3A, %swap3A_74], %swap3A_77 {strides = array<i32>} : memref<80x128xf32, #tpu.memory_space<vmem>>, vector<1x16xf32>,
      }
      %scan3A_69 = arith.constant 8 : i32
    }
    %scan3A_4 = arith.constant 80 : i32
    %scan3A_5 = arith.constant 0 : i32
    %scan3A_6 = arith.constant 0 : i32
    %scan3A_7 = arith.constant 8 : i32
    %scan3A_8 = arith.addi %scan3A_6, %scan3A_7 : i32
    %scan3A_9 = arith.constant 1 : i32
    scf.for %scan3A_63 = %scan3A_6 to %scan3A_8 step %scan3A_9  : i32 {
      %mul3A_64 = arith.constant 640 : i32
      %mul3A_65 = arith.muli %arg1, %mul3A_64 : i32
      %mul3A_66 = arith.constant 80 : i32
      %mul3A_67 = arith.muli %scan3A_63, %mul3A_66 : i32
      %add3A_68 = arith.addi %mul3A_65, %mul3A_67 : i32
      "tpu.region"() ({
        %run_scoped3A = tpu.sem_alloc : memref<!tpu.dma_semaphore, #tpu.memory_space<semaphore_mem>>
        %dma_start3A_69 = arith.constant 0 : i32
        %dma_start3A_70 = tpu.memref_slice %arg15[%add3A_68, %dma_start3A_69] : memref<10240x128xf32, #tpu.memory_space<vmem_shared>> -> memref<80x128xf32, #tpu.memory_space<vmem_shared>>
        %dma_start3A_71 = arith.constant 0 : i32
        %dma_start3A_72 = tpu.memref_slice %arg15[%add3A_68, %dma_start3A_71] : memref<10240x128xf32, #tpu.memory_space<vmem_shared>> -> memref<80x128xf32, #tpu.memory_space<vmem_shared>>
        tpu.enqueue_dma source(%arg8 : memref<80x128xf32, #tpu.memory_space<vmem>>) target(%dma_start3A_72 : memref<80x128xf32, #tpu.memory_space<vmem_shared>>) target_semaphore(%run_scoped3A : memref<!tpu.dma_semaphore, #tpu.memory_space<semaphore_mem>>)
        %dma_wait3A_73 = arith.constant 0 : i32
        %dma_wait3A_74 = tpu.memref_slice %arg15[%add3A_68, %dma_wait3A_73] : memref<10240x128xf32, #tpu.memory_space<vmem_shared>> -> memref<80x128xf32, #tpu.memory_space<vmem_shared>>
        %dma_wait3A_75 = arith.constant 0 : i32
        %dma_wait3A_76 = tpu.memref_slice %arg15[%add3A_68, %dma_wait3A_75] : memref<10240x128xf32, #tpu.memory_space<vmem_shared>> -> memref<80x128xf32, #tpu.memory_space<vmem_shared>>
        tpu.wait_dma2 semaphore(%run_scoped3A : memref<!tpu.dma_semaphore, #tpu.memory_space<semaphore_mem>>) src(%arg8 : memref<80x128xf32, #tpu.memory_space<vmem>>) dst(%dma_wait3A_76 : memref<80x128xf32, #tpu.memory_space<vmem_shared>>)
        tpu.yield
      }) : () -> ()
    }
    %scan3A_10 = arith.constant 8 : i32
    "tpu.region"() ({
      %run_scoped3A = tpu.sem_alloc : memref<!tpu.dma_semaphore, #tpu.memory_space<semaphore_mem>>
      %dma_start3A_63 = arith.constant 0 : i32
      %dma_start3A_64 = arith.constant 0 : i32
      %dma_start3A_65 = tpu.memref_slice %arg3[%arg0, %arg1, %dma_start3A_63, %dma_start3A_64] : memref<2x16x256x80xi32, #tpu.memory_space<hbm>> -> memref<1x1x64x80xi32, #tpu.memory_space<hbm>>
      %dma_start3A_66 = tpu.memref_squeeze %dma_start3A_65 : memref<1x1x64x80xi32, #tpu.memory_space<hbm>> -> memref<64x80xi32, #tpu.memory_space<hbm>>
      %dma_start3A_67 = arith.constant 0 : i32
      %dma_start3A_68 = arith.constant 0 : i32
      %dma_start3A_69 = tpu.memref_slice %arg3[%arg0, %arg1, %dma_start3A_67, %dma_start3A_68] : memref<2x16x256x80xi32, #tpu.memory_space<hbm>> -> memref<1x1x64x80xi32, #tpu.memory_space<hbm>>
      %dma_start3A_70 = tpu.memref_squeeze %dma_start3A_69 : memref<1x1x64x80xi32, #tpu.memory_space<hbm>> -> memref<64x80xi32, #tpu.memory_space<hbm>>
      tpu.enqueue_dma source(%dma_start3A_70 : memref<64x80xi32, #tpu.memory_space<hbm>>) target(%arg6 : memref<64x80xi32, #tpu.memory_space<vmem>>) target_semaphore(%run_scoped3A : memref<!tpu.dma_semaphore, #tpu.memory_space<semaphore_mem>>)
      %dma_wait3A_71 = arith.constant 0 : i32
      %dma_wait3A_72 = arith.constant 0 : i32
      %dma_wait3A_73 = tpu.memref_slice %arg3[%arg0, %arg1, %dma_wait3A_71, %dma_wait3A_72] : memref<2x16x256x80xi32, #tpu.memory_space<hbm>> -> memref<1x1x64x80xi32, #tpu.memory_space<hbm>>
      %dma_wait3A_74 = tpu.memref_squeeze %dma_wait3A_73 : memref<1x1x64x80xi32, #tpu.memory_space<hbm>> -> memref<64x80xi32, #tpu.memory_space<hbm>>
      %dma_wait3A_75 = arith.constant 0 : i32
      %dma_wait3A_76 = arith.constant 0 : i32
      %dma_wait3A_77 = tpu.memref_slice %arg3[%arg0, %arg1, %dma_wait3A_75, %dma_wait3A_76] : memref<2x16x256x80xi32, #tpu.memory_space<hbm>> -> memref<1x1x64x80xi32, #tpu.memory_space<hbm>>
      %dma_wait3A_78 = tpu.memref_squeeze %dma_wait3A_77 : memref<1x1x64x80xi32, #tpu.memory_space<hbm>> -> memref<64x80xi32, #tpu.memory_space<hbm>>
      tpu.wait_dma2 semaphore(%run_scoped3A : memref<!tpu.dma_semaphore, #tpu.memory_space<semaphore_mem>>) src(%dma_wait3A_78 : memref<64x80xi32, #tpu.memory_space<hbm>>) dst(%arg6 : memref<64x80xi32, #tpu.memory_space<vmem>>)
      tpu.yield
    }) : () -> ()
    "tpu.region"() ({
      %run_scoped3A = tpu.sem_alloc : memref<!tpu.dma_semaphore, #tpu.memory_space<semaphore_mem>>
      %dma_start3A_63 = arith.constant 0 : i32
      %dma_start3A_64 = arith.constant 0 : i32
      %dma_start3A_65 = tpu.memref_slice %arg4[%arg1, %dma_start3A_63, %dma_start3A_64] : memref<16x256x80xi32, #tpu.memory_space<hbm>> -> memref<1x64x80xi32, #tpu.memory_space<hbm>>
      %dma_start3A_66 = tpu.memref_squeeze %dma_start3A_65 : memref<1x64x80xi32, #tpu.memory_space<hbm>> -> memref<64x80xi32, #tpu.memory_space<hbm>>
      %dma_start3A_67 = arith.constant 0 : i32
      %dma_start3A_68 = arith.constant 0 : i32
      %dma_start3A_69 = tpu.memref_slice %arg4[%arg1, %dma_start3A_67, %dma_start3A_68] : memref<16x256x80xi32, #tpu.memory_space<hbm>> -> memref<1x64x80xi32, #tpu.memory_space<hbm>>
      %dma_start3A_70 = tpu.memref_squeeze %dma_start3A_69 : memref<1x64x80xi32, #tpu.memory_space<hbm>> -> memref<64x80xi32, #tpu.memory_space<hbm>>
      tpu.enqueue_dma source(%dma_start3A_70 : memref<64x80xi32, #tpu.memory_space<hbm>>) target(%arg7 : memref<64x80xi32, #tpu.memory_space<vmem>>) target_semaphore(%run_scoped3A : memref<!tpu.dma_semaphore, #tpu.memory_space<semaphore_mem>>)
      %dma_wait3A_71 = arith.constant 0 : i32
      %dma_wait3A_72 = arith.constant 0 : i32
      %dma_wait3A_73 = tpu.memref_slice %arg4[%arg1, %dma_wait3A_71, %dma_wait3A_72] : memref<16x256x80xi32, #tpu.memory_space<hbm>> -> memref<1x64x80xi32, #tpu.memory_space<hbm>>
      %dma_wait3A_74 = tpu.memref_squeeze %dma_wait3A_73 : memref<1x64x80xi32, #tpu.memory_space<hbm>> -> memref<64x80xi32, #tpu.memory_space<hbm>>
      %dma_wait3A_75 = arith.constant 0 : i32
      %dma_wait3A_76 = arith.constant 0 : i32
      %dma_wait3A_77 = tpu.memref_slice %arg4[%arg1, %dma_wait3A_75, %dma_wait3A_76] : memref<16x256x80xi32, #tpu.memory_space<hbm>> -> memref<1x64x80xi32, #tpu.memory_space<hbm>>
      %dma_wait3A_78 = tpu.memref_squeeze %dma_wait3A_77 : memref<1x64x80xi32, #tpu.memory_space<hbm>> -> memref<64x80xi32, #tpu.memory_space<hbm>>
      tpu.wait_dma2 semaphore(%run_scoped3A : memref<!tpu.dma_semaphore, #tpu.memory_space<semaphore_mem>>) src(%dma_wait3A_78 : memref<64x80xi32, #tpu.memory_space<hbm>>) dst(%arg7 : memref<64x80xi32, #tpu.memory_space<vmem>>)
      tpu.yield
    }) : () -> ()
    %barrier3A = arith.constant 0 : index
    tpu.barrier barrier_id(%barrier3A)
    %dma_start3A = arith.constant 0 : i32
    %dma_start3A_11 = arith.constant 0 : i32
    %dma_start3A_12 = tpu.memref_slice %arg6[%dma_start3A, %dma_start3A_11] : memref<64x80xi32, #tpu.memory_space<vmem>> -> memref<1x80xi32, #tpu.memory_space<vmem>>
    %dma_start3A_13 = tpu.memref_squeeze %dma_start3A_12 : memref<1x80xi32, #tpu.memory_space<vmem>> -> memref<80xi32, #tpu.memory_space<vmem>>
    %dma_start3A_14 = arith.constant 0 : i32
    %dma_start3A_15 = arith.constant 0 : i32
    %dma_start3A_16 = tpu.memref_slice %arg2[%dma_start3A_14, %dma_start3A_15] : memref<20480x128xf32, #tpu.memory_space<hbm>> -> memref<20480x128xf32, #tpu.memory_space<hbm>>
    tpu.enqueue_indirect_dma source(%dma_start3A_16 : memref<20480x128xf32, #tpu.memory_space<hbm>>) target(%arg8 : memref<80x128xf32, #tpu.memory_space<vmem>>) offsets(%dma_start3A_13 : memref<80xi32, #tpu.memory_space<vmem>>) semaphore(%arg11 : memref<!tpu.dma_semaphore, #tpu.memory_space<semaphore_mem>>)
    %dma_start3A_17 = arith.constant 1 : i32
    %dma_start3A_18 = arith.constant 0 : i32
    %dma_start3A_19 = tpu.memref_slice %arg6[%dma_start3A_17, %dma_start3A_18] : memref<64x80xi32, #tpu.memory_space<vmem>> -> memref<1x80xi32, #tpu.memory_space<vmem>>
    %dma_start3A_20 = tpu.memref_squeeze %dma_start3A_19 : memref<1x80xi32, #tpu.memory_space<vmem>> -> memref<80xi32, #tpu.memory_space<vmem>>
    %dma_start3A_21 = arith.constant 0 : i32
    %dma_start3A_22 = arith.constant 0 : i32
    %dma_start3A_23 = tpu.memref_slice %arg2[%dma_start3A_21, %dma_start3A_22] : memref<20480x128xf32, #tpu.memory_space<hbm>> -> memref<20480x128xf32, #tpu.memory_space<hbm>>
    tpu.enqueue_indirect_dma source(%dma_start3A_23 : memref<20480x128xf32, #tpu.memory_space<hbm>>) target(%arg9 : memref<80x128xf32, #tpu.memory_space<vmem>>) offsets(%dma_start3A_20 : memref<80xi32, #tpu.memory_space<vmem>>) semaphore(%arg12 : memref<!tpu.dma_semaphore, #tpu.memory_space<semaphore_mem>>)
    %dma_start3A_24 = arith.constant 2 : i32
    %dma_start3A_25 = arith.constant 0 : i32
    %dma_start3A_26 = tpu.memref_slice %arg6[%dma_start3A_24, %dma_start3A_25] : memref<64x80xi32, #tpu.memory_space<vmem>> -> memref<1x80xi32, #tpu.memory_space<vmem>>
    %dma_start3A_27 = tpu.memref_squeeze %dma_start3A_26 : memref<1x80xi32, #tpu.memory_space<vmem>> -> memref<80xi32, #tpu.memory_space<vmem>>
    %dma_start3A_28 = arith.constant 0 : i32
    %dma_start3A_29 = arith.constant 0 : i32
    %dma_start3A_30 = tpu.memref_slice %arg2[%dma_start3A_28, %dma_start3A_29] : memref<20480x128xf32, #tpu.memory_space<hbm>> -> memref<20480x128xf32, #tpu.memory_space<hbm>>
    tpu.enqueue_indirect_dma source(%dma_start3A_30 : memref<20480x128xf32, #tpu.memory_space<hbm>>) target(%arg10 : memref<80x128xf32, #tpu.memory_space<vmem>>) offsets(%dma_start3A_27 : memref<80xi32, #tpu.memory_space<vmem>>) semaphore(%arg13 : memref<!tpu.dma_semaphore, #tpu.memory_space<semaphore_mem>>)
    %scan3A_31 = arith.constant 0 : i32
    %scan3A_32 = arith.constant 0 : i32
    %scan3A_33 = arith.constant 84 : i32
    %scan3A_34 = arith.addi %scan3A_32, %scan3A_33 : i32
    %scan3A_35 = arith.constant 1 : i32
    scf.for %scan3A_63 = %scan3A_32 to %scan3A_34 step %scan3A_35  : i32 {
      %mul3A_64 = arith.constant 3 : i32
      %mul3A_65 = arith.muli %mul3A_64, %scan3A_63 : i32
      %and3A = arith.constant 31 : i32
      %and3A_66 = arith.andi %mul3A_65, %and3A : i32
      %shift_right_arithmetic3A = arith.constant 5 : i32
      %shift_right_arithmetic3A_67 = arith.shrsi %mul3A_65, %shift_right_arithmetic3A : i32
      %ge3A = arith.constant 32 : i32
      %ge3A_68 = arith.cmpi sge, %mul3A_65, %ge3A : i32
      %lt3A = arith.constant 224 : i32
      %lt3A_69 = arith.cmpi slt, %mul3A_65, %lt3A : i32
      %and3A_70 = arith.andi %ge3A_68, %lt3A_69 : i1
      %ge3A_71 = arith.constant 3 : i32
      %ge3A_72 = arith.cmpi sge, %and3A_66, %ge3A_71 : i32
      %lt3A_73 = arith.constant 6 : i32
      %lt3A_74 = arith.cmpi slt, %and3A_66, %lt3A_73 : i32
      %and3A_75 = arith.andi %ge3A_72, %lt3A_74 : i1
      %and3A_76 = arith.andi %and3A_75, %and3A_70 : i1
      %convert_element_type3A = arith.extui %and3A_76 : i1 to i32
      %cond3A = arith.constant 0 : i32
      %cond3A_77 = arith.cmpi ne, %convert_element_type3A, %cond3A : i32
      scf.if %cond3A_77 {
        %add3A_201 = arith.constant 1 : i32
        %add3A_202 = arith.addi %shift_right_arithmetic3A_67, %add3A_201 : i32
        %and3A_203 = arith.constant 1 : i32
        %and3A_204 = arith.andi %add3A_202, %and3A_203 : i32
        %mul3A_205 = arith.constant 32 : i32
        %mul3A_206 = arith.muli %and3A_204, %mul3A_205 : i32
        %add3A_207 = arith.constant 1 : i32
        %add3A_208 = arith.addi %shift_right_arithmetic3A_67, %add3A_207 : i32
        %mul3A_209 = arith.constant 32 : i32
        %mul3A_210 = arith.muli %add3A_208, %mul3A_209 : i32
        %dma_start3A_211 = arith.constant 0 : i32
        %dma_start3A_212 = tpu.memref_slice %arg6[%mul3A_206, %dma_start3A_211] : memref<64x80xi32, #tpu.memory_space<vmem>> -> memref<32x80xi32, #tpu.memory_space<vmem>>
        %dma_start3A_213 = arith.constant 0 : i32
        %dma_start3A_214 = tpu.memref_slice %arg3[%arg0, %arg1, %mul3A_210, %dma_start3A_213] : memref<2x16x256x80xi32, #tpu.memory_space<hbm>> -> memref<1x1x32x80xi32, #tpu.memory_space<hbm>>
        %dma_start3A_215 = tpu.memref_squeeze %dma_start3A_214 : memref<1x1x32x80xi32, #tpu.memory_space<hbm>> -> memref<32x80xi32, #tpu.memory_space<hbm>>
        %dma_start3A_216 = arith.constant 0 : i32
        %dma_start3A_217 = tpu.memref_slice %arg6[%mul3A_206, %dma_start3A_216] : memref<64x80xi32, #tpu.memory_space<vmem>> -> memref<32x80xi32, #tpu.memory_space<vmem>>
        %dma_start3A_218 = arith.constant 0 : i32
        %dma_start3A_219 = tpu.memref_slice %arg3[%arg0, %arg1, %mul3A_210, %dma_start3A_218] : memref<2x16x256x80xi32, #tpu.memory_space<hbm>> -> memref<1x1x32x80xi32, #tpu.memory_space<hbm>>
        %dma_start3A_220 = tpu.memref_squeeze %dma_start3A_219 : memref<1x1x32x80xi32, #tpu.memory_space<hbm>> -> memref<32x80xi32, #tpu.memory_space<hbm>>
        tpu.enqueue_dma source(%dma_start3A_220 : memref<32x80xi32, #tpu.memory_space<hbm>>) target(%dma_start3A_217 : memref<32x80xi32, #tpu.memory_space<vmem>>) target_semaphore(%arg14 : memref<!tpu.dma_semaphore, #tpu.memory_space<semaphore_mem>>)
        %add3A_221 = arith.constant 1 : i32
        %add3A_222 = arith.addi %shift_right_arithmetic3A_67, %add3A_221 : i32
        %mul3A_223 = arith.constant 32 : i32
        %mul3A_224 = arith.muli %add3A_222, %mul3A_223 : i32
        %dma_start3A_225 = arith.constant 0 : i32
        %dma_start3A_226 = tpu.memref_slice %arg7[%mul3A_206, %dma_start3A_225] : memref<64x80xi32, #tpu.memory_space<vmem>> -> memref<32x80xi32, #tpu.memory_space<vmem>>
        %dma_start3A_227 = arith.constant 0 : i32
        %dma_start3A_228 = tpu.memref_slice %arg4[%arg1, %mul3A_224, %dma_start3A_227] : memref<16x256x80xi32, #tpu.memory_space<hbm>> -> memref<1x32x80xi32, #tpu.memory_space<hbm>>
        %dma_start3A_229 = tpu.memref_squeeze %dma_start3A_228 : memref<1x32x80xi32, #tpu.memory_space<hbm>> -> memref<32x80xi32, #tpu.memory_space<hbm>>
        %dma_start3A_230 = arith.constant 0 : i32
        %dma_start3A_231 = tpu.memref_slice %arg7[%mul3A_206, %dma_start3A_230] : memref<64x80xi32, #tpu.memory_space<vmem>> -> memref<32x80xi32, #tpu.memory_space<vmem>>
        %dma_start3A_232 = arith.constant 0 : i32
        %dma_start3A_233 = tpu.memref_slice %arg4[%arg1, %mul3A_224, %dma_start3A_232] : memref<16x256x80xi32, #tpu.memory_space<hbm>> -> memref<1x32x80xi32, #tpu.memory_space<hbm>>
        %dma_start3A_234 = tpu.memref_squeeze %dma_start3A_233 : memref<1x32x80xi32, #tpu.memory_space<hbm>> -> memref<32x80xi32, #tpu.memory_space<hbm>>
        tpu.enqueue_dma source(%dma_start3A_234 : memref<32x80xi32, #tpu.memory_space<hbm>>) target(%dma_start3A_231 : memref<32x80xi32, #tpu.memory_space<vmem>>) target_semaphore(%arg14 : memref<!tpu.dma_semaphore, #tpu.memory_space<semaphore_mem>>)
      } else {
      }
      %add3A_78 = arith.constant 0 : i32
      %add3A_79 = arith.addi %mul3A_65, %add3A_78 : i32
      %and3A_80 = arith.constant 63 : i32
      %and3A_81 = arith.andi %add3A_79, %and3A_80 : i32
      %dma_wait3A_82 = arith.constant 0 : i32
      %dma_wait3A_83 = tpu.memref_slice %arg6[%and3A_81, %dma_wait3A_82] : memref<64x80xi32, #tpu.memory_space<vmem>> -> memref<1x80xi32, #tpu.memory_space<vmem>>
      %dma_wait3A_84 = tpu.memref_squeeze %dma_wait3A_83 : memref<1x80xi32, #tpu.memory_space<vmem>> -> memref<80xi32, #tpu.memory_space<vmem>>
      %dma_wait3A_85 = arith.constant 0 : i32
      %dma_wait3A_86 = arith.constant 0 : i32
      %dma_wait3A_87 = tpu.memref_slice %arg2[%dma_wait3A_85, %dma_wait3A_86] : memref<20480x128xf32, #tpu.memory_space<hbm>> -> memref<20480x128xf32, #tpu.memory_space<hbm>>
      tpu.wait_indirect_dma semaphore(%arg11 : memref<!tpu.dma_semaphore, #tpu.memory_space<semaphore_mem>>) src(%dma_wait3A_87 : memref<20480x128xf32, #tpu.memory_space<hbm>>) dst(%arg8 : memref<80x128xf32, #tpu.memory_space<vmem>>)
      %and3A_88 = arith.constant 63 : i32
      %and3A_89 = arith.andi %add3A_79, %and3A_88 : i32
      %dma_start3A_90 = arith.constant 0 : i32
      %dma_start3A_91 = tpu.memref_slice %arg7[%and3A_89, %dma_start3A_90] : memref<64x80xi32, #tpu.memory_space<vmem>> -> memref<1x80xi32, #tpu.memory_space<vmem>>
      %dma_start3A_92 = tpu.memref_squeeze %dma_start3A_91 : memref<1x80xi32, #tpu.memory_space<vmem>> -> memref<80xi32, #tpu.memory_space<vmem>>
      %dma_start3A_93 = arith.constant 0 : i32
      %dma_start3A_94 = arith.constant 0 : i32
      %dma_start3A_95 = tpu.memref_slice %arg15[%dma_start3A_93, %dma_start3A_94] : memref<10240x128xf32, #tpu.memory_space<vmem_shared>> -> memref<10240x128xf32, #tpu.memory_space<vmem_shared>>
      tpu.enqueue_indirect_dma source(%arg8 : memref<80x128xf32, #tpu.memory_space<vmem>>) target(%dma_start3A_95 : memref<10240x128xf32, #tpu.memory_space<vmem_shared>>) offsets(%dma_start3A_92 : memref<80xi32, #tpu.memory_space<vmem>>) semaphore(%arg11 : memref<!tpu.dma_semaphore, #tpu.memory_space<semaphore_mem>>) {add = true}
      %add3A_96 = arith.constant 1 : i32
      %add3A_97 = arith.addi %mul3A_65, %add3A_96 : i32
      %and3A_98 = arith.constant 63 : i32
      %and3A_99 = arith.andi %add3A_97, %and3A_98 : i32
      %dma_wait3A_100 = arith.constant 0 : i32
      %dma_wait3A_101 = tpu.memref_slice %arg6[%and3A_99, %dma_wait3A_100] : memref<64x80xi32, #tpu.memory_space<vmem>> -> memref<1x80xi32, #tpu.memory_space<vmem>>
      %dma_wait3A_102 = tpu.memref_squeeze %dma_wait3A_101 : memref<1x80xi32, #tpu.memory_space<vmem>> -> memref<80xi32, #tpu.memory_space<vmem>>
      %dma_wait3A_103 = arith.constant 0 : i32
      %dma_wait3A_104 = arith.constant 0 : i32
      %dma_wait3A_105 = tpu.memref_slice %arg2[%dma_wait3A_103, %dma_wait3A_104] : memref<20480x128xf32, #tpu.memory_space<hbm>> -> memref<20480x128xf32, #tpu.memory_space<hbm>>
      tpu.wait_indirect_dma semaphore(%arg12 : memref<!tpu.dma_semaphore, #tpu.memory_space<semaphore_mem>>) src(%dma_wait3A_105 : memref<20480x128xf32, #tpu.memory_space<hbm>>) dst(%arg9 : memref<80x128xf32, #tpu.memory_space<vmem>>)
      %and3A_106 = arith.constant 63 : i32
      %and3A_107 = arith.andi %add3A_97, %and3A_106 : i32
      %dma_start3A_108 = arith.constant 0 : i32
      %dma_start3A_109 = tpu.memref_slice %arg7[%and3A_107, %dma_start3A_108] : memref<64x80xi32, #tpu.memory_space<vmem>> -> memref<1x80xi32, #tpu.memory_space<vmem>>
      %dma_start3A_110 = tpu.memref_squeeze %dma_start3A_109 : memref<1x80xi32, #tpu.memory_space<vmem>> -> memref<80xi32, #tpu.memory_space<vmem>>
      %dma_start3A_111 = arith.constant 0 : i32
      %dma_start3A_112 = arith.constant 0 : i32
      %dma_start3A_113 = tpu.memref_slice %arg15[%dma_start3A_111, %dma_start3A_112] : memref<10240x128xf32, #tpu.memory_space<vmem_shared>> -> memref<10240x128xf32, #tpu.memory_space<vmem_shared>>
      tpu.enqueue_indirect_dma source(%arg9 : memref<80x128xf32, #tpu.memory_space<vmem>>) target(%dma_start3A_113 : memref<10240x128xf32, #tpu.memory_space<vmem_shared>>) offsets(%dma_start3A_110 : memref<80xi32, #tpu.memory_space<vmem>>) semaphore(%arg12 : memref<!tpu.dma_semaphore, #tpu.memory_space<semaphore_mem>>) {add = true}
      %add3A_114 = arith.constant 2 : i32
      %add3A_115 = arith.addi %mul3A_65, %add3A_114 : i32
      %and3A_116 = arith.constant 63 : i32
      %and3A_117 = arith.andi %add3A_115, %and3A_116 : i32
      %dma_wait3A_118 = arith.constant 0 : i32
      %dma_wait3A_119 = tpu.memref_slice %arg6[%and3A_117, %dma_wait3A_118] : memref<64x80xi32, #tpu.memory_space<vmem>> -> memref<1x80xi32, #tpu.memory_space<vmem>>
      %dma_wait3A_120 = tpu.memref_squeeze %dma_wait3A_119 : memref<1x80xi32, #tpu.memory_space<vmem>> -> memref<80xi32, #tpu.memory_space<vmem>>
      %dma_wait3A_121 = arith.constant 0 : i32
      %dma_wait3A_122 = arith.constant 0 : i32
      %dma_wait3A_123 = tpu.memref_slice %arg2[%dma_wait3A_121, %dma_wait3A_122] : memref<20480x128xf32, #tpu.memory_space<hbm>> -> memref<20480x128xf32, #tpu.memory_space<hbm>>
      tpu.wait_indirect_dma semaphore(%arg13 : memref<!tpu.dma_semaphore, #tpu.memory_space<semaphore_mem>>) src(%dma_wait3A_123 : memref<20480x128xf32, #tpu.memory_space<hbm>>) dst(%arg10 : memref<80x128xf32, #tpu.memory_space<vmem>>)
      %and3A_124 = arith.constant 63 : i32
      %and3A_125 = arith.andi %add3A_115, %and3A_124 : i32
      %dma_start3A_126 = arith.constant 0 : i32
      %dma_start3A_127 = tpu.memref_slice %arg7[%and3A_125, %dma_start3A_126] : memref<64x80xi32, #tpu.memory_space<vmem>> -> memref<1x80xi32, #tpu.memory_space<vmem>>
      %dma_start3A_128 = tpu.memref_squeeze %dma_start3A_127 : memref<1x80xi32, #tpu.memory_space<vmem>> -> memref<80xi32, #tpu.memory_space<vmem>>
      %dma_start3A_129 = arith.constant 0 : i32
      %dma_start3A_130 = arith.constant 0 : i32
      %dma_start3A_131 = tpu.memref_slice %arg15[%dma_start3A_129, %dma_start3A_130] : memref<10240x128xf32, #tpu.memory_space<vmem_shared>> -> memref<10240x128xf32, #tpu.memory_space<vmem_shared>>
      tpu.enqueue_indirect_dma source(%arg10 : memref<80x128xf32, #tpu.memory_space<vmem>>) target(%dma_start3A_131 : memref<10240x128xf32, #tpu.memory_space<vmem_shared>>) offsets(%dma_start3A_128 : memref<80xi32, #tpu.memory_space<vmem>>) semaphore(%arg13 : memref<!tpu.dma_semaphore, #tpu.memory_space<semaphore_mem>>) {add = true}
      %ge3A_132 = arith.constant 24 : i32
      %ge3A_133 = arith.cmpi sge, %and3A_66, %ge3A_132 : i32
      %lt3A_134 = arith.constant 27 : i32
      %lt3A_135 = arith.cmpi slt, %and3A_66, %lt3A_134 : i32
      %and3A_136 = arith.andi %ge3A_133, %lt3A_135 : i1
      %and3A_137 = arith.andi %and3A_136, %and3A_70 : i1
      %convert_element_type3A_138 = arith.extui %and3A_137 : i1 to i32
      %cond3A_139 = arith.constant 0 : i32
      %cond3A_140 = arith.cmpi ne, %convert_element_type3A_138, %cond3A_139 : i32
      scf.if %cond3A_140 {
        %add3A_201 = arith.constant 1 : i32
        %add3A_202 = arith.addi %shift_right_arithmetic3A_67, %add3A_201 : i32
        %and3A_203 = arith.constant 1 : i32
        %and3A_204 = arith.andi %add3A_202, %and3A_203 : i32
        %mul3A_205 = arith.constant 32 : i32
        %mul3A_206 = arith.muli %and3A_204, %mul3A_205 : i32
        %add3A_207 = arith.constant 1 : i32
        %add3A_208 = arith.addi %shift_right_arithmetic3A_67, %add3A_207 : i32
        %mul3A_209 = arith.constant 32 : i32
        %mul3A_210 = arith.muli %add3A_208, %mul3A_209 : i32
        %dma_wait3A_211 = arith.constant 0 : i32
        %dma_wait3A_212 = tpu.memref_slice %arg6[%mul3A_206, %dma_wait3A_211] : memref<64x80xi32, #tpu.memory_space<vmem>> -> memref<32x80xi32, #tpu.memory_space<vmem>>
        %dma_wait3A_213 = arith.constant 0 : i32
        %dma_wait3A_214 = tpu.memref_slice %arg3[%arg0, %arg1, %mul3A_210, %dma_wait3A_213] : memref<2x16x256x80xi32, #tpu.memory_space<hbm>> -> memref<1x1x32x80xi32, #tpu.memory_space<hbm>>
        %dma_wait3A_215 = tpu.memref_squeeze %dma_wait3A_214 : memref<1x1x32x80xi32, #tpu.memory_space<hbm>> -> memref<32x80xi32, #tpu.memory_space<hbm>>
        %dma_wait3A_216 = arith.constant 0 : i32
        %dma_wait3A_217 = tpu.memref_slice %arg6[%mul3A_206, %dma_wait3A_216] : memref<64x80xi32, #tpu.memory_space<vmem>> -> memref<32x80xi32, #tpu.memory_space<vmem>>
        %dma_wait3A_218 = arith.constant 0 : i32
        %dma_wait3A_219 = tpu.memref_slice %arg3[%arg0, %arg1, %mul3A_210, %dma_wait3A_218] : memref<2x16x256x80xi32, #tpu.memory_space<hbm>> -> memref<1x1x32x80xi32, #tpu.memory_space<hbm>>
        %dma_wait3A_220 = tpu.memref_squeeze %dma_wait3A_219 : memref<1x1x32x80xi32, #tpu.memory_space<hbm>> -> memref<32x80xi32, #tpu.memory_space<hbm>>
        tpu.wait_dma2 semaphore(%arg14 : memref<!tpu.dma_semaphore, #tpu.memory_space<semaphore_mem>>) src(%dma_wait3A_220 : memref<32x80xi32, #tpu.memory_space<hbm>>) dst(%dma_wait3A_217 : memref<32x80xi32, #tpu.memory_space<vmem>>)
        %add3A_221 = arith.constant 1 : i32
        %add3A_222 = arith.addi %shift_right_arithmetic3A_67, %add3A_221 : i32
        %mul3A_223 = arith.constant 32 : i32
        %mul3A_224 = arith.muli %add3A_222, %mul3A_223 : i32
        %dma_wait3A_225 = arith.constant 0 : i32
        %dma_wait3A_226 = tpu.memref_slice %arg7[%mul3A_206, %dma_wait3A_225] : memref<64x80xi32, #tpu.memory_space<vmem>> -> memref<32x80xi32, #tpu.memory_space<vmem>>
        %dma_wait3A_227 = arith.constant 0 : i32
        %dma_wait3A_228 = tpu.memref_slice %arg4[%arg1, %mul3A_224, %dma_wait3A_227] : memref<16x256x80xi32, #tpu.memory_space<hbm>> -> memref<1x32x80xi32, #tpu.memory_space<hbm>>
        %dma_wait3A_229 = tpu.memref_squeeze %dma_wait3A_228 : memref<1x32x80xi32, #tpu.memory_space<hbm>> -> memref<32x80xi32, #tpu.memory_space<hbm>>
        %dma_wait3A_230 = arith.constant 0 : i32
        %dma_wait3A_231 = tpu.memref_slice %arg7[%mul3A_206, %dma_wait3A_230] : memref<64x80xi32, #tpu.memory_space<vmem>> -> memref<32x80xi32, #tpu.memory_space<vmem>>
        %dma_wait3A_232 = arith.constant 0 : i32
        %dma_wait3A_233 = tpu.memref_slice %arg4[%arg1, %mul3A_224, %dma_wait3A_232] : memref<16x256x80xi32, #tpu.memory_space<hbm>> -> memref<1x32x80xi32, #tpu.memory_space<hbm>>
        %dma_wait3A_234 = tpu.memref_squeeze %dma_wait3A_233 : memref<1x32x80xi32, #tpu.memory_space<hbm>> -> memref<32x80xi32, #tpu.memory_space<hbm>>
        tpu.wait_dma2 semaphore(%arg14 : memref<!tpu.dma_semaphore, #tpu.memory_space<semaphore_mem>>) src(%dma_wait3A_234 : memref<32x80xi32, #tpu.memory_space<hbm>>) dst(%dma_wait3A_231 : memref<32x80xi32, #tpu.memory_space<vmem>>)
      } else {
      }
      %add3A_141 = arith.constant 0 : i32
      %add3A_142 = arith.addi %mul3A_65, %add3A_141 : i32
      %and3A_143 = arith.constant 63 : i32
      %and3A_144 = arith.andi %add3A_142, %and3A_143 : i32
      %dma_wait3A_145 = arith.constant 0 : i32
      %dma_wait3A_146 = tpu.memref_slice %arg7[%and3A_144, %dma_wait3A_145] : memref<64x80xi32, #tpu.memory_space<vmem>> -> memref<1x80xi32, #tpu.memory_space<vmem>>
      %dma_wait3A_147 = tpu.memref_squeeze %dma_wait3A_146 : memref<1x80xi32, #tpu.memory_space<vmem>> -> memref<80xi32, #tpu.memory_space<vmem>>
      %dma_wait3A_148 = arith.constant 0 : i32
      %dma_wait3A_149 = arith.constant 0 : i32
      %dma_wait3A_150 = tpu.memref_slice %arg15[%dma_wait3A_148, %dma_wait3A_149] : memref<10240x128xf32, #tpu.memory_space<vmem_shared>> -> memref<10240x128xf32, #tpu.memory_space<vmem_shared>>
      tpu.wait_indirect_dma semaphore(%arg11 : memref<!tpu.dma_semaphore, #tpu.memory_space<semaphore_mem>>) src(%arg8 : memref<80x128xf32, #tpu.memory_space<vmem>>) dst(%dma_wait3A_150 : memref<10240x128xf32, #tpu.memory_space<vmem_shared>>)
      %add3A_151 = arith.constant 3 : i32
      %add3A_152 = arith.addi %add3A_142, %add3A_151 : i32
      %and3A_153 = arith.constant 63 : i32
      %and3A_154 = arith.andi %add3A_152, %and3A_153 : i32
      %dma_start3A_155 = arith.constant 0 : i32
      %dma_start3A_156 = tpu.memref_slice %arg6[%and3A_154, %dma_start3A_155] : memref<64x80xi32, #tpu.memory_space<vmem>> -> memref<1x80xi32, #tpu.memory_space<vmem>>
      %dma_start3A_157 = tpu.memref_squeeze %dma_start3A_156 : memref<1x80xi32, #tpu.memory_space<vmem>> -> memref<80xi32, #tpu.memory_space<vmem>>
      %dma_start3A_158 = arith.constant 0 : i32
      %dma_start3A_159 = arith.constant 0 : i32
      %dma_start3A_160 = tpu.memref_slice %arg2[%dma_start3A_158, %dma_start3A_159] : memref<20480x128xf32, #tpu.memory_space<hbm>> -> memref<20480x128xf32, #tpu.memory_space<hbm>>
      tpu.enqueue_indirect_dma source(%dma_start3A_160 : memref<20480x128xf32, #tpu.memory_space<hbm>>) target(%arg8 : memref<80x128xf32, #tpu.memory_space<vmem>>) offsets(%dma_start3A_157 : memref<80xi32, #tpu.memory_space<vmem>>) semaphore(%arg11 : memref<!tpu.dma_semaphore, #tpu.memory_space<semaphore_mem>>)
      %add3A_161 = arith.constant 1 : i32
      %add3A_162 = arith.addi %mul3A_65, %add3A_161 : i32
      %and3A_163 = arith.constant 63 : i32
      %and3A_164 = arith.andi %add3A_162, %and3A_163 : i32
      %dma_wait3A_165 = arith.constant 0 : i32
      %dma_wait3A_166 = tpu.memref_slice %arg7[%and3A_164, %dma_wait3A_165] : memref<64x80xi32, #tpu.memory_space<vmem>> -> memref<1x80xi32, #tpu.memory_space<vmem>>
      %dma_wait3A_167 = tpu.memref_squeeze %dma_wait3A_166 : memref<1x80xi32, #tpu.memory_space<vmem>> -> memref<80xi32, #tpu.memory_space<vmem>>
      %dma_wait3A_168 = arith.constant 0 : i32
      %dma_wait3A_169 = arith.constant 0 : i32
      %dma_wait3A_170 = tpu.memref_slice %arg15[%dma_wait3A_168, %dma_wait3A_169] : memref<10240x128xf32, #tpu.memory_space<vmem_shared>> -> memref<10240x128xf32, #tpu.memory_space<vmem_shared>>
      tpu.wait_indirect_dma semaphore(%arg12 : memref<!tpu.dma_semaphore, #tpu.memory_space<semaphore_mem>>) src(%arg9 : memref<80x128xf32, #tpu.memory_space<vmem>>) dst(%dma_wait3A_170 : memref<10240x128xf32, #tpu.memory_space<vmem_shared>>)
      %add3A_171 = arith.constant 3 : i32
      %add3A_172 = arith.addi %add3A_162, %add3A_171 : i32
      %and3A_173 = arith.constant 63 : i32
      %and3A_174 = arith.andi %add3A_172, %and3A_173 : i32
      %dma_start3A_175 = arith.constant 0 : i32
      %dma_start3A_176 = tpu.memref_slice %arg6[%and3A_174, %dma_start3A_175] : memref<64x80xi32, #tpu.memory_space<vmem>> -> memref<1x80xi32, #tpu.memory_space<vmem>>
      %dma_start3A_177 = tpu.memref_squeeze %dma_start3A_176 : memref<1x80xi32, #tpu.memory_space<vmem>> -> memref<80xi32, #tpu.memory_space<vmem>>
      %dma_start3A_178 = arith.constant 0 : i32
      %dma_start3A_179 = arith.constant 0 : i32
      %dma_start3A_180 = tpu.memref_slice %arg2[%dma_start3A_178, %dma_start3A_179] : memref<20480x128xf32, #tpu.memory_space<hbm>> -> memref<20480x128xf32, #tpu.memory_space<hbm>>
      tpu.enqueue_indirect_dma source(%dma_start3A_180 : memref<20480x128xf32, #tpu.memory_space<hbm>>) target(%arg9 : memref<80x128xf32, #tpu.memory_space<vmem>>) offsets(%dma_start3A_177 : memref<80xi32, #tpu.memory_space<vmem>>) semaphore(%arg12 : memref<!tpu.dma_semaphore, #tpu.memory_space<semaphore_mem>>)
      %add3A_181 = arith.constant 2 : i32
      %add3A_182 = arith.addi %mul3A_65, %add3A_181 : i32
      %and3A_183 = arith.constant 63 : i32
      %and3A_184 = arith.andi %add3A_182, %and3A_183 : i32
      %dma_wait3A_185 = arith.constant 0 : i32
      %dma_wait3A_186 = tpu.memref_slice %arg7[%and3A_184, %dma_wait3A_185] : memref<64x80xi32, #tpu.memory_space<vmem>> -> memref<1x80xi32, #tpu.memory_space<vmem>>
      %dma_wait3A_187 = tpu.memref_squeeze %dma_wait3A_186 : memref<1x80xi32, #tpu.memory_space<vmem>> -> memref<80xi32, #tpu.memory_space<vmem>>
      %dma_wait3A_188 = arith.constant 0 : i32
      %dma_wait3A_189 = arith.constant 0 : i32
      %dma_wait3A_190 = tpu.memref_slice %arg15[%dma_wait3A_188, %dma_wait3A_189] : memref<10240x128xf32, #tpu.memory_space<vmem_shared>> -> memref<10240x128xf32, #tpu.memory_space<vmem_shared>>
      tpu.wait_indirect_dma semaphore(%arg13 : memref<!tpu.dma_semaphore, #tpu.memory_space<semaphore_mem>>) src(%arg10 : memref<80x128xf32, #tpu.memory_space<vmem>>) dst(%dma_wait3A_190 : memref<10240x128xf32, #tpu.memory_space<vmem_shared>>)
      %add3A_191 = arith.constant 3 : i32
      %add3A_192 = arith.addi %add3A_182, %add3A_191 : i32
      %and3A_193 = arith.constant 63 : i32
      %and3A_194 = arith.andi %add3A_192, %and3A_193 : i32
      %dma_start3A_195 = arith.constant 0 : i32
      %dma_start3A_196 = tpu.memref_slice %arg6[%and3A_194, %dma_start3A_195] : memref<64x80xi32, #tpu.memory_space<vmem>> -> memref<1x80xi32, #tpu.memory_space<vmem>>
      %dma_start3A_197 = tpu.memref_squeeze %dma_start3A_196 : memref<1x80xi32, #tpu.memory_space<vmem>> -> memref<80xi32, #tpu.memory_space<vmem>>
      %dma_start3A_198 = arith.constant 0 : i32
      %dma_start3A_199 = arith.constant 0 : i32
      %dma_start3A_200 = tpu.memref_slice %arg2[%dma_start3A_198, %dma_start3A_199] : memref<20480x128xf32, #tpu.memory_space<hbm>> -> memref<20480x128xf32, #tpu.memory_space<hbm>>
      tpu.enqueue_indirect_dma source(%dma_start3A_200 : memref<20480x128xf32, #tpu.memory_space<hbm>>) target(%arg10 : memref<80x128xf32, #tpu.memory_space<vmem>>) offsets(%dma_start3A_197 : memref<80xi32, #tpu.memory_space<vmem>>) semaphore(%arg13 : memref<!tpu.dma_semaphore, #tpu.memory_space<semaphore_mem>>)
    }
    %scan3A_36 = arith.constant 84 : i32
    %dma_wait3A = arith.constant 60 : i32
    %dma_wait3A_37 = arith.constant 0 : i32
    %dma_wait3A_38 = tpu.memref_slice %arg6[%dma_wait3A, %dma_wait3A_37] : memref<64x80xi32, #tpu.memory_space<vmem>> -> memref<1x80xi32, #tpu.memory_space<vmem>>
    %dma_wait3A_39 = tpu.memref_squeeze %dma_wait3A_38 : memref<1x80xi32, #tpu.memory_space<vmem>> -> memref<80xi32, #tpu.memory_space<vmem>>
    %dma_wait3A_40 = arith.constant 0 : i32
    %dma_wait3A_41 = arith.constant 0 : i32
    %dma_wait3A_42 = tpu.memref_slice %arg2[%dma_wait3A_40, %dma_wait3A_41] : memref<20480x128xf32, #tpu.memory_space<hbm>> -> memref<20480x128xf32, #tpu.memory_space<hbm>>
    tpu.wait_indirect_dma semaphore(%arg11 : memref<!tpu.dma_semaphore, #tpu.memory_space<semaphore_mem>>) src(%dma_wait3A_42 : memref<20480x128xf32, #tpu.memory_space<hbm>>) dst(%arg8 : memref<80x128xf32, #tpu.memory_space<vmem>>)
    %dma_wait3A_43 = arith.constant 61 : i32
    %dma_wait3A_44 = arith.constant 0 : i32
    %dma_wait3A_45 = tpu.memref_slice %arg6[%dma_wait3A_43, %dma_wait3A_44] : memref<64x80xi32, #tpu.memory_space<vmem>> -> memref<1x80xi32, #tpu.memory_space<vmem>>
    %dma_wait3A_46 = tpu.memref_squeeze %dma_wait3A_45 : memref<1x80xi32, #tpu.memory_space<vmem>> -> memref<80xi32, #tpu.memory_space<vmem>>
    %dma_wait3A_47 = arith.constant 0 : i32
    %dma_wait3A_48 = arith.constant 0 : i32
    %dma_wait3A_49 = tpu.memref_slice %arg2[%dma_wait3A_47, %dma_wait3A_48] : memref<20480x128xf32, #tpu.memory_space<hbm>> -> memref<20480x128xf32, #tpu.memory_space<hbm>>
    tpu.wait_indirect_dma semaphore(%arg12 : memref<!tpu.dma_semaphore, #tpu.memory_space<semaphore_mem>>) src(%dma_wait3A_49 : memref<20480x128xf32, #tpu.memory_space<hbm>>) dst(%arg9 : memref<80x128xf32, #tpu.memory_space<vmem>>)
    %dma_wait3A_50 = arith.constant 62 : i32
    %dma_wait3A_51 = arith.constant 0 : i32
    %dma_wait3A_52 = tpu.memref_slice %arg6[%dma_wait3A_50, %dma_wait3A_51] : memref<64x80xi32, #tpu.memory_space<vmem>> -> memref<1x80xi32, #tpu.memory_space<vmem>>
    %dma_wait3A_53 = tpu.memref_squeeze %dma_wait3A_52 : memref<1x80xi32, #tpu.memory_space<vmem>> -> memref<80xi32, #tpu.memory_space<vmem>>
    %dma_wait3A_54 = arith.constant 0 : i32
    %dma_wait3A_55 = arith.constant 0 : i32
    %dma_wait3A_56 = tpu.memref_slice %arg2[%dma_wait3A_54, %dma_wait3A_55] : memref<20480x128xf32, #tpu.memory_space<hbm>> -> memref<20480x128xf32, #tpu.memory_space<hbm>>
    tpu.wait_indirect_dma semaphore(%arg13 : memref<!tpu.dma_semaphore, #tpu.memory_space<semaphore_mem>>) src(%dma_wait3A_56 : memref<20480x128xf32, #tpu.memory_space<hbm>>) dst(%arg10 : memref<80x128xf32, #tpu.memory_space<vmem>>)
    %barrier3A_57 = arith.constant 0 : index
    tpu.barrier barrier_id(%barrier3A_57)
    %mul3A = arith.constant 640 : i32
    %mul3A_58 = arith.muli %arg1, %mul3A : i32
    %mul3A_59 = arith.constant 10240 : i32
    %mul3A_60 = arith.muli %arg0, %mul3A_59 : i32
    %mul3A_61 = arith.constant 640 : i32
    %mul3A_62 = arith.muli %arg1, %mul3A_61 : i32
    %add3A = arith.addi %mul3A_60, %mul3A_62 : i32
    "tpu.region"() ({
      %run_scoped3A = tpu.sem_alloc : memref<!tpu.dma_semaphore, #tpu.memory_space<semaphore_mem>>
      %dma_start3A_63 = arith.constant 0 : i32
      %dma_start3A_64 = tpu.memref_slice %arg5[%add3A, %dma_start3A_63] : memref<20480x128xf32, #tpu.memory_space<hbm>> -> memref<640x128xf32, #tpu.memory_space<hbm>>
      %dma_start3A_65 = arith.constant 0 : i32
      %dma_start3A_66 = tpu.memref_slice %arg15[%mul3A_58, %dma_start3A_65] : memref<10240x128xf32, #tpu.memory_space<vmem_shared>> -> memref<640x128xf32, #tpu.memory_space<vmem_shared>>
      tpu.enqueue_dma source(%dma_start3A_66 : memref<640x128xf32, #tpu.memory_space<vmem_shared>>) target(%dma_start3A_64 : memref<640x128xf32, #tpu.memory_space<hbm>>) target_semaphore(%run_scoped3A : memref<!tpu.dma_semaphore, #tpu.memory_space<semaphore_mem>>)
      %dma_wait3A_67 = arith.constant 0 : i32
      %dma_wait3A_68 = tpu.memref_slice %arg5[%add3A, %dma_wait3A_67] : memref<20480x128xf32, #tpu.memory_space<hbm>> -> memref<640x128xf32, #tpu.memory_space<hbm>>
      %dma_wait3A_69 = arith.constant 0 : i32
      %dma_wait3A_70 = tpu.memref_slice %arg15[%mul3A_58, %dma_wait3A_69] : memref<10240x128xf32, #tpu.memory_space<vmem_shared>> -> memref<640x128xf32, #tpu.memory_space<vmem_shared>>
      tpu.wait_dma2 semaphore(%run_scoped3A : memref<!tpu.dma_semaphore, #tpu.memory_space<semaphore_mem>>) src(%dma_wait3A_70 : memref<640x128xf32, #tpu.memory_space<vmem_shared>>) dst(%dma_wait3A_68 : memref<640x128xf32, #tpu.memory_space<hbm>>)
      tpu.yield
    }) : () -> ()
    return
  }
}

module attributes {stable_mosaic.version = 14 : i64} {
  func.func @_t2_body(%arg0: i32, %arg1: memref<2x1000x1xf32, #tpu.memory_space<vmem>>, %arg2: memref<1000x128xf32, #tpu.memory_space<vmem>>, %arg3: memref<1000x128xf32, #tpu.memory_space<vmem>>, %arg4: memref<1000x1xf32, #tpu.memory_space<vmem>>, %arg5: memref<2x1000x128xf32, #tpu.memory_space<vmem>>) attributes {dimension_semantics = [#tpu.dimension_semantics<arbitrary>], iteration_bounds = array<i64: 10>, scalar_prefetch = 0 : i64, scratch_operands = 0 : i64, tpu.core_type = #tpu.core_type<tc>, window_params = [{transform_indices = @transform_0, window_bounds = array<i64: 2, 1000, 1>}, {transform_indices = @transform_1, window_bounds = array<i64: 1000, 128>}, {transform_indices = @transform_2, window_bounds = array<i64: 1000, 128>}, {transform_indices = @transform_3, window_bounds = array<i64: 1000, 1>}, {transform_indices = @transform_4, window_bounds = array<i64: 2, 1000, 128>}]} {
    %get3A = arith.constant 0 : index
    %get3A_0 = arith.constant 0 : index
    %get3A_1 = arith.constant 0 : index
    %get3A_2 = vector.load %arg1[%get3A, %get3A_0, %get3A_1] : memref<2x1000x1xf32, #tpu.memory_space<vmem>>, vector<1x1000x1xf32>
    %get3A_3 = vector.shape_cast %get3A_2 : vector<1x1000x1xf32> to vector<1000x1xf32>
    %get3A_4 = arith.constant 1 : index
    %get3A_5 = arith.constant 0 : index
    %get3A_6 = arith.constant 0 : index
    %get3A_7 = vector.load %arg1[%get3A_4, %get3A_5, %get3A_6] : memref<2x1000x1xf32, #tpu.memory_space<vmem>>, vector<1x1000x1xf32>
    %get3A_8 = vector.shape_cast %get3A_7 : vector<1x1000x1xf32> to vector<1000x1xf32>
    %add3A = arith.addf %get3A_3, %get3A_8 : vector<1000x1xf32>
    %gt3A = arith.constant 0.000000e+00 : f32
    %gt3A_9 = vector.broadcast %gt3A : f32 to vector<1000x1xf32>
    %gt3A_10 = arith.cmpf ogt, %add3A, %gt3A_9 : vector<1000x1xf32>
    %rsqrt3A = math.rsqrt %add3A : vector<1000x1xf32>
    %jit3A = arith.constant 0.000000e+00 : f32
    %broadcast_in_dim3A = vector.broadcast %jit3A : f32 to vector<1000x1xf32>
    %select_n3A = arith.select %gt3A_10, %rsqrt3A, %broadcast_in_dim3A : vector<1000x1xi1>, vector<1000x1xf32>
    %swap3A = arith.constant 0 : index
    %swap3A_11 = arith.constant 0 : index
    %swap3A_12 = vector.load %arg4[%swap3A, %swap3A_11] : memref<1000x1xf32, #tpu.memory_space<vmem>>, vector<1000x1xf32>
    tpu.vector_store %arg4[%swap3A, %swap3A_11], %select_n3A {strides = array<i32>} : memref<1000x1xf32, #tpu.memory_space<vmem>>, vector<1000x1xf32>,
    %get3A_13 = arith.constant 0 : index
    %get3A_14 = arith.constant 0 : index
    %get3A_15 = vector.load %arg2[%get3A_13, %get3A_14] : memref<1000x128xf32, #tpu.memory_space<vmem>>, vector<1000x128xf32>
    %mul3A = vector.broadcast %select_n3A : vector<1000x1xf32> to vector<1000x128xf32>
    %mul3A_16 = arith.mulf %get3A_15, %mul3A : vector<1000x128xf32>
    %swap3A_17 = arith.constant 0 : index
    %swap3A_18 = arith.constant 0 : index
    %swap3A_19 = arith.constant 0 : index
    %swap3A_20 = vector.load %arg5[%swap3A_17, %swap3A_18, %swap3A_19] : memref<2x1000x128xf32, #tpu.memory_space<vmem>>, vector<1x1000x128xf32>
    %swap3A_21 = vector.shape_cast %swap3A_20 : vector<1x1000x128xf32> to vector<1000x128xf32>
    %swap3A_22 = vector.shape_cast %mul3A_16 : vector<1000x128xf32> to vector<1x1000x128xf32>
    tpu.vector_store %arg5[%swap3A_17, %swap3A_18, %swap3A_19], %swap3A_22 {strides = array<i32>} : memref<2x1000x128xf32, #tpu.memory_space<vmem>>, vector<1x1000x128xf32>,
    %get3A_23 = arith.constant 0 : index
    %get3A_24 = arith.constant 0 : index
    %get3A_25 = vector.load %arg3[%get3A_23, %get3A_24] : memref<1000x128xf32, #tpu.memory_space<vmem>>, vector<1000x128xf32>
    %mul3A_26 = vector.broadcast %select_n3A : vector<1000x1xf32> to vector<1000x128xf32>
    %mul3A_27 = arith.mulf %get3A_25, %mul3A_26 : vector<1000x128xf32>
    %swap3A_28 = arith.constant 1 : index
    %swap3A_29 = arith.constant 0 : index
    %swap3A_30 = arith.constant 0 : index
    %swap3A_31 = vector.load %arg5[%swap3A_28, %swap3A_29, %swap3A_30] : memref<2x1000x128xf32, #tpu.memory_space<vmem>>, vector<1x1000x128xf32>
    %swap3A_32 = vector.shape_cast %swap3A_31 : vector<1x1000x128xf32> to vector<1000x128xf32>
    %swap3A_33 = vector.shape_cast %mul3A_27 : vector<1000x128xf32> to vector<1x1000x128xf32>
    tpu.vector_store %arg5[%swap3A_28, %swap3A_29, %swap3A_30], %swap3A_33 {strides = array<i32>} : memref<2x1000x128xf32, #tpu.memory_space<vmem>>, vector<1x1000x128xf32>,
    return
  }
  func.func @transform_0(%arg0: i32) -> (i32, i32, i32) {
    %c0_i32 = arith.constant 0 : i32
    %c0_i32_0 = arith.constant 0 : i32
    %c0_i32_1 = arith.constant 0 : i32
    return %c0_i32, %arg0, %c0_i32_0 : i32, i32, i32
  }
  func.func @transform_1(%arg0: i32) -> (i32, i32) {
    %c0_i32 = arith.constant 0 : i32
    %c0_i32_0 = arith.constant 0 : i32
    return %arg0, %c0_i32 : i32, i32
  }
  func.func @transform_2(%arg0: i32) -> (i32, i32) {
    %c0_i32 = arith.constant 0 : i32
    %c0_i32_0 = arith.constant 0 : i32
    return %arg0, %c0_i32 : i32, i32
  }
  func.func @transform_3(%arg0: i32) -> (i32, i32) {
    %c0_i32 = arith.constant 0 : i32
    %c0_i32_0 = arith.constant 0 : i32
    return %arg0, %c0_i32 : i32, i32
  }
  func.func @transform_4(%arg0: i32) -> (i32, i32, i32) {
    %c0_i32 = arith.constant 0 : i32
    %c0_i32_0 = arith.constant 0 : i32
    %c0_i32_1 = arith.constant 0 : i32
    return %c0_i32, %arg0, %c0_i32_0 : i32, i32, i32
  }
}

module attributes {stable_mosaic.version = 14 : i64} {
  func.func @_layer1_body(%arg0: i32, %arg1: memref<2x1000x128xf32, #tpu.memory_space<vmem>>, %arg2: memref<1000x1xf32, #tpu.memory_space<vmem>>, %arg3: memref<128x128xf32, #tpu.memory_space<vmem>>, %arg4: memref<1x128xf32, #tpu.memory_space<vmem>>, %arg5: memref<2x1000x128xf32, #tpu.memory_space<vmem>>) attributes {dimension_semantics = [#tpu.dimension_semantics<arbitrary>], iteration_bounds = array<i64: 10>, scalar_prefetch = 0 : i64, scratch_operands = 0 : i64, tpu.core_type = #tpu.core_type<tc>, window_params = [{transform_indices = @transform_0, window_bounds = array<i64: 2, 1000, 128>}, {transform_indices = @transform_1, window_bounds = array<i64: 1000, 1>}, {pipeline_mode = #tpu.pipeline_mode<synchronous>, transform_indices = @transform_2, window_bounds = array<i64: 128, 128>}, {pipeline_mode = #tpu.pipeline_mode<synchronous>, transform_indices = @transform_3, window_bounds = array<i64: 1, 128>}, {transform_indices = @transform_4, window_bounds = array<i64: 2, 1000, 128>}]} {
    %get3A = arith.constant 0 : index
    %get3A_0 = arith.constant 0 : index
    %get3A_1 = vector.load %arg2[%get3A, %get3A_0] : memref<1000x1xf32, #tpu.memory_space<vmem>>, vector<1000x1xf32>
    %get3A_2 = arith.constant 0 : index
    %get3A_3 = arith.constant 0 : index
    %get3A_4 = vector.load %arg3[%get3A_2, %get3A_3] : memref<128x128xf32, #tpu.memory_space<vmem>>, vector<128x128xf32>
    %get3A_5 = arith.constant 0 : index
    %get3A_6 = arith.constant 0 : index
    %get3A_7 = vector.load %arg4[%get3A_5, %get3A_6] : memref<1x128xf32, #tpu.memory_space<vmem>>, vector<1x128xf32>
    %get3A_8 = arith.constant 0 : index
    %get3A_9 = arith.constant 0 : index
    %get3A_10 = arith.constant 0 : index
    %get3A_11 = vector.load %arg1[%get3A_8, %get3A_9, %get3A_10] : memref<2x1000x128xf32, #tpu.memory_space<vmem>>, vector<1x1000x128xf32>
    %get3A_12 = vector.shape_cast %get3A_11 : vector<1x1000x128xf32> to vector<1000x128xf32>
    %mul3A = vector.broadcast %get3A_1 : vector<1000x1xf32> to vector<1000x128xf32>
    %mul3A_13 = arith.mulf %get3A_12, %mul3A : vector<1000x128xf32>
    %dot_general3A = arith.constant dense<0.000000e+00> : vector<1000x128xf32>
    %dot_general3A_14 = tpu.matmul %mul3A_13, %get3A_4, %dot_general3A {dimension_numbers = #tpu.dot_dimension_numbers<[1], [0], [0], [1], [0, 0, 1, 1], [], []>, transpose_lhs_hint = false} : vector<1000x128xf32>, vector<128x128xf32>, vector<1000x128xf32> -> vector<1000x128xf32>
    %add3A = vector.broadcast %get3A_7 : vector<1x128xf32> to vector<1000x128xf32>
    %add3A_15 = arith.addf %dot_general3A_14, %add3A : vector<1000x128xf32>
    %max3A = arith.constant 0.000000e+00 : f32
    %max3A_16 = vector.broadcast %max3A : f32 to vector<1000x128xf32>
    %max3A_17 = arith.maximumf %add3A_15, %max3A_16 : vector<1000x128xf32>
    %mul3A_18 = vector.broadcast %get3A_1 : vector<1000x1xf32> to vector<1000x128xf32>
    %mul3A_19 = arith.mulf %max3A_17, %mul3A_18 : vector<1000x128xf32>
    %swap3A = arith.constant 0 : index
    %swap3A_20 = arith.constant 0 : index
    %swap3A_21 = arith.constant 0 : index
    %swap3A_22 = vector.load %arg5[%swap3A, %swap3A_20, %swap3A_21] : memref<2x1000x128xf32, #tpu.memory_space<vmem>>, vector<1x1000x128xf32>
    %swap3A_23 = vector.shape_cast %swap3A_22 : vector<1x1000x128xf32> to vector<1000x128xf32>
    %swap3A_24 = vector.shape_cast %mul3A_19 : vector<1000x128xf32> to vector<1x1000x128xf32>
    tpu.vector_store %arg5[%swap3A, %swap3A_20, %swap3A_21], %swap3A_24 {strides = array<i32>} : memref<2x1000x128xf32, #tpu.memory_space<vmem>>, vector<1x1000x128xf32>,
    %get3A_25 = arith.constant 1 : index
    %get3A_26 = arith.constant 0 : index
    %get3A_27 = arith.constant 0 : index
    %get3A_28 = vector.load %arg1[%get3A_25, %get3A_26, %get3A_27] : memref<2x1000x128xf32, #tpu.memory_space<vmem>>, vector<1x1000x128xf32>
    %get3A_29 = vector.shape_cast %get3A_28 : vector<1x1000x128xf32> to vector<1000x128xf32>
    %mul3A_30 = vector.broadcast %get3A_1 : vector<1000x1xf32> to vector<1000x128xf32>
    %mul3A_31 = arith.mulf %get3A_29, %mul3A_30 : vector<1000x128xf32>
    %dot_general3A_32 = arith.constant dense<0.000000e+00> : vector<1000x128xf32>
    %dot_general3A_33 = tpu.matmul %mul3A_31, %get3A_4, %dot_general3A_32 {dimension_numbers = #tpu.dot_dimension_numbers<[1], [0], [0], [1], [0, 0, 1, 1], [], []>, transpose_lhs_hint = false} : vector<1000x128xf32>, vector<128x128xf32>, vector<1000x128xf32> -> vector<1000x128xf32>
    %add3A_34 = vector.broadcast %get3A_7 : vector<1x128xf32> to vector<1000x128xf32>
    %add3A_35 = arith.addf %dot_general3A_33, %add3A_34 : vector<1000x128xf32>
    %max3A_36 = arith.constant 0.000000e+00 : f32
    %max3A_37 = vector.broadcast %max3A_36 : f32 to vector<1000x128xf32>
    %max3A_38 = arith.maximumf %add3A_35, %max3A_37 : vector<1000x128xf32>
    %mul3A_39 = vector.broadcast %get3A_1 : vector<1000x1xf32> to vector<1000x128xf32>
    %mul3A_40 = arith.mulf %max3A_38, %mul3A_39 : vector<1000x128xf32>
    %swap3A_41 = arith.constant 1 : index
    %swap3A_42 = arith.constant 0 : index
    %swap3A_43 = arith.constant 0 : index
    %swap3A_44 = vector.load %arg5[%swap3A_41, %swap3A_42, %swap3A_43] : memref<2x1000x128xf32, #tpu.memory_space<vmem>>, vector<1x1000x128xf32>
    %swap3A_45 = vector.shape_cast %swap3A_44 : vector<1x1000x128xf32> to vector<1000x128xf32>
    %swap3A_46 = vector.shape_cast %mul3A_40 : vector<1000x128xf32> to vector<1x1000x128xf32>
    tpu.vector_store %arg5[%swap3A_41, %swap3A_42, %swap3A_43], %swap3A_46 {strides = array<i32>} : memref<2x1000x128xf32, #tpu.memory_space<vmem>>, vector<1x1000x128xf32>,
    return
  }
  func.func @transform_0(%arg0: i32) -> (i32, i32, i32) {
    %c0_i32 = arith.constant 0 : i32
    %c0_i32_0 = arith.constant 0 : i32
    %c0_i32_1 = arith.constant 0 : i32
    return %c0_i32, %arg0, %c0_i32_0 : i32, i32, i32
  }
  func.func @transform_1(%arg0: i32) -> (i32, i32) {
    %c0_i32 = arith.constant 0 : i32
    %c0_i32_0 = arith.constant 0 : i32
    return %arg0, %c0_i32 : i32, i32
  }
  func.func @transform_2(%arg0: i32) -> (i32, i32) {
    %c0_i32 = arith.constant 0 : i32
    %c0_i32_0 = arith.constant 0 : i32
    %c0_i32_1 = arith.constant 0 : i32
    return %c0_i32, %c0_i32_0 : i32, i32
  }
  func.func @transform_3(%arg0: i32) -> (i32, i32) {
    %c0_i32 = arith.constant 0 : i32
    %c0_i32_0 = arith.constant 0 : i32
    %c0_i32_1 = arith.constant 0 : i32
    return %c0_i32, %c0_i32_0 : i32, i32
  }
  func.func @transform_4(%arg0: i32) -> (i32, i32, i32) {
    %c0_i32 = arith.constant 0 : i32
    %c0_i32_0 = arith.constant 0 : i32
    %c0_i32_1 = arith.constant 0 : i32
    return %c0_i32, %arg0, %c0_i32_0 : i32, i32, i32
  }
}

module attributes {stable_mosaic.version = 14 : i64} {
  func.func @_layer2_body(%arg0: i32, %arg1: memref<2x1000x128xf32, #tpu.memory_space<vmem>>, %arg2: memref<1000x1xf32, #tpu.memory_space<vmem>>, %arg3: memref<128x128xf32, #tpu.memory_space<vmem>>, %arg4: memref<1x128xf32, #tpu.memory_space<vmem>>, %arg5: memref<2x1000x128xf32, #tpu.memory_space<vmem>>, %arg6: memref<1x128xf32, #tpu.memory_space<vmem>>) attributes {dimension_semantics = [#tpu.dimension_semantics<arbitrary>], iteration_bounds = array<i64: 10>, scalar_prefetch = 0 : i64, scratch_operands = 0 : i64, tpu.core_type = #tpu.core_type<tc>, window_params = [{transform_indices = @transform_0, window_bounds = array<i64: 2, 1000, 128>}, {transform_indices = @transform_1, window_bounds = array<i64: 1000, 1>}, {pipeline_mode = #tpu.pipeline_mode<synchronous>, transform_indices = @transform_2, window_bounds = array<i64: 128, 128>}, {pipeline_mode = #tpu.pipeline_mode<synchronous>, transform_indices = @transform_3, window_bounds = array<i64: 1, 128>}, {transform_indices = @transform_4, window_bounds = array<i64: 2, 1000, 128>}, {pipeline_mode = #tpu.pipeline_mode<synchronous>, transform_indices = @transform_5, window_bounds = array<i64: 1, 128>}]} {
    %get3A = arith.constant 0 : index
    %get3A_0 = arith.constant 0 : index
    %get3A_1 = vector.load %arg2[%get3A, %get3A_0] : memref<1000x1xf32, #tpu.memory_space<vmem>>, vector<1000x1xf32>
    %get3A_2 = arith.constant 0 : index
    %get3A_3 = arith.constant 0 : index
    %get3A_4 = vector.load %arg3[%get3A_2, %get3A_3] : memref<128x128xf32, #tpu.memory_space<vmem>>, vector<128x128xf32>
    %get3A_5 = arith.constant 0 : index
    %get3A_6 = arith.constant 0 : index
    %get3A_7 = vector.load %arg4[%get3A_5, %get3A_6] : memref<1x128xf32, #tpu.memory_space<vmem>>, vector<1x128xf32>
    %get3A_8 = arith.constant 0 : index
    %get3A_9 = arith.constant 0 : index
    %get3A_10 = arith.constant 0 : index
    %get3A_11 = vector.load %arg1[%get3A_8, %get3A_9, %get3A_10] : memref<2x1000x128xf32, #tpu.memory_space<vmem>>, vector<1x1000x128xf32>
    %get3A_12 = vector.shape_cast %get3A_11 : vector<1x1000x128xf32> to vector<1000x128xf32>
    %mul3A = vector.broadcast %get3A_1 : vector<1000x1xf32> to vector<1000x128xf32>
    %mul3A_13 = arith.mulf %get3A_12, %mul3A : vector<1000x128xf32>
    %dot_general3A = arith.constant dense<0.000000e+00> : vector<1000x128xf32>
    %dot_general3A_14 = tpu.matmul %mul3A_13, %get3A_4, %dot_general3A {dimension_numbers = #tpu.dot_dimension_numbers<[1], [0], [0], [1], [0, 0, 1, 1], [], []>, transpose_lhs_hint = false} : vector<1000x128xf32>, vector<128x128xf32>, vector<1000x128xf32> -> vector<1000x128xf32>
    %add3A = vector.broadcast %get3A_7 : vector<1x128xf32> to vector<1000x128xf32>
    %add3A_15 = arith.addf %dot_general3A_14, %add3A : vector<1000x128xf32>
    %get3A_16 = arith.constant 1 : index
    %get3A_17 = arith.constant 0 : index
    %get3A_18 = arith.constant 0 : index
    %get3A_19 = vector.load %arg1[%get3A_16, %get3A_17, %get3A_18] : memref<2x1000x128xf32, #tpu.memory_space<vmem>>, vector<1x1000x128xf32>
    %get3A_20 = vector.shape_cast %get3A_19 : vector<1x1000x128xf32> to vector<1000x128xf32>
    %mul3A_21 = vector.broadcast %get3A_1 : vector<1000x1xf32> to vector<1000x128xf32>
    %mul3A_22 = arith.mulf %get3A_20, %mul3A_21 : vector<1000x128xf32>
    %dot_general3A_23 = arith.constant dense<0.000000e+00> : vector<1000x128xf32>
    %dot_general3A_24 = tpu.matmul %mul3A_22, %get3A_4, %dot_general3A_23 {dimension_numbers = #tpu.dot_dimension_numbers<[1], [0], [0], [1], [0, 0, 1, 1], [], []>, transpose_lhs_hint = false} : vector<1000x128xf32>, vector<128x128xf32>, vector<1000x128xf32> -> vector<1000x128xf32>
    %add3A_25 = vector.broadcast %get3A_7 : vector<1x128xf32> to vector<1000x128xf32>
    %add3A_26 = arith.addf %dot_general3A_24, %add3A_25 : vector<1000x128xf32>
    %swap3A = arith.constant 0 : index
    %swap3A_27 = arith.constant 0 : index
    %swap3A_28 = arith.constant 0 : index
    %swap3A_29 = vector.load %arg5[%swap3A, %swap3A_27, %swap3A_28] : memref<2x1000x128xf32, #tpu.memory_space<vmem>>, vector<1x1000x128xf32>
    %swap3A_30 = vector.shape_cast %swap3A_29 : vector<1x1000x128xf32> to vector<1000x128xf32>
    %swap3A_31 = vector.shape_cast %add3A_15 : vector<1000x128xf32> to vector<1x1000x128xf32>
    tpu.vector_store %arg5[%swap3A, %swap3A_27, %swap3A_28], %swap3A_31 {strides = array<i32>} : memref<2x1000x128xf32, #tpu.memory_space<vmem>>, vector<1x1000x128xf32>,
    %swap3A_32 = arith.constant 1 : index
    %swap3A_33 = arith.constant 0 : index
    %swap3A_34 = arith.constant 0 : index
    %swap3A_35 = vector.load %arg5[%swap3A_32, %swap3A_33, %swap3A_34] : memref<2x1000x128xf32, #tpu.memory_space<vmem>>, vector<1x1000x128xf32>
    %swap3A_36 = vector.shape_cast %swap3A_35 : vector<1x1000x128xf32> to vector<1000x128xf32>
    %swap3A_37 = vector.shape_cast %add3A_26 : vector<1000x128xf32> to vector<1x1000x128xf32>
    tpu.vector_store %arg5[%swap3A_32, %swap3A_33, %swap3A_34], %swap3A_37 {strides = array<i32>} : memref<2x1000x128xf32, #tpu.memory_space<vmem>>, vector<1x1000x128xf32>,
    %eq3A = arith.constant 0 : i32
    %eq3A_38 = arith.cmpi eq, %arg0, %eq3A : i32
    %convert_element_type3A = arith.extui %eq3A_38 : i1 to i32
    %cond3A = arith.constant 0 : i32
    %cond3A_39 = arith.cmpi ne, %convert_element_type3A, %cond3A : i32
    scf.if %cond3A_39 {
      %broadcast_in_dim3A_48 = arith.constant 0.000000e+00 : f32
      %broadcast_in_dim3A_49 = vector.broadcast %broadcast_in_dim3A_48 : f32 to vector<1x128xf32>
      %swap3A_50 = arith.constant 0 : index
      %swap3A_51 = arith.constant 0 : index
      %swap3A_52 = vector.load %arg6[%swap3A_50, %swap3A_51] : memref<1x128xf32, #tpu.memory_space<vmem>>, vector<1x128xf32>
      tpu.vector_store %arg6[%swap3A_50, %swap3A_51], %broadcast_in_dim3A_49 {strides = array<i32>} : memref<1x128xf32, #tpu.memory_space<vmem>>, vector<1x128xf32>,
    } else {
    }
    %get3A_40 = arith.constant 0 : index
    %get3A_41 = arith.constant 0 : index
    %get3A_42 = vector.load %arg6[%get3A_40, %get3A_41] : memref<1x128xf32, #tpu.memory_space<vmem>>, vector<1x128xf32>
    %reduce_sum3A = arith.constant dense<0.000000e+00> : vector<128xf32>
    %reduce_sum3A_43 = vector.multi_reduction <add>, %add3A_15, %reduce_sum3A [0] : vector<1000x128xf32> to vector<128xf32>
    %broadcast_in_dim3A = vector.shape_cast %reduce_sum3A_43 : vector<128xf32> to vector<1x128xf32>
    %add3A_44 = arith.addf %get3A_42, %broadcast_in_dim3A : vector<1x128xf32>
    %swap3A_45 = arith.constant 0 : index
    %swap3A_46 = arith.constant 0 : index
    %swap3A_47 = vector.load %arg6[%swap3A_45, %swap3A_46] : memref<1x128xf32, #tpu.memory_space<vmem>>, vector<1x128xf32>
    tpu.vector_store %arg6[%swap3A_45, %swap3A_46], %add3A_44 {strides = array<i32>} : memref<1x128xf32, #tpu.memory_space<vmem>>, vector<1x128xf32>,
    return
  }
  func.func @transform_0(%arg0: i32) -> (i32, i32, i32) {
    %c0_i32 = arith.constant 0 : i32
    %c0_i32_0 = arith.constant 0 : i32
    %c0_i32_1 = arith.constant 0 : i32
    return %c0_i32, %arg0, %c0_i32_0 : i32, i32, i32
  }
  func.func @transform_1(%arg0: i32) -> (i32, i32) {
    %c0_i32 = arith.constant 0 : i32
    %c0_i32_0 = arith.constant 0 : i32
    return %arg0, %c0_i32 : i32, i32
  }
  func.func @transform_2(%arg0: i32) -> (i32, i32) {
    %c0_i32 = arith.constant 0 : i32
    %c0_i32_0 = arith.constant 0 : i32
    %c0_i32_1 = arith.constant 0 : i32
    return %c0_i32, %c0_i32_0 : i32, i32
  }
  func.func @transform_3(%arg0: i32) -> (i32, i32) {
    %c0_i32 = arith.constant 0 : i32
    %c0_i32_0 = arith.constant 0 : i32
    %c0_i32_1 = arith.constant 0 : i32
    return %c0_i32, %c0_i32_0 : i32, i32
  }
  func.func @transform_4(%arg0: i32) -> (i32, i32, i32) {
    %c0_i32 = arith.constant 0 : i32
    %c0_i32_0 = arith.constant 0 : i32
    %c0_i32_1 = arith.constant 0 : i32
    return %c0_i32, %arg0, %c0_i32_0 : i32, i32, i32
  }
  func.func @transform_5(%arg0: i32) -> (i32, i32) {
    %c0_i32 = arith.constant 0 : i32
    %c0_i32_0 = arith.constant 0 : i32
    %c0_i32_1 = arith.constant 0 : i32
    return %c0_i32, %c0_i32_0 : i32, i32
  }
}

module attributes {stable_mosaic.version = 14 : i64} {
  func.func @_s_body(%arg0: memref<1x128xf32, #tpu.memory_space<vmem>>, %arg1: memref<128x128xf32, #tpu.memory_space<vmem>>, %arg2: memref<1x128xf32, #tpu.memory_space<vmem>>) attributes {dimension_semantics = [], scalar_prefetch = 0 : i64, scratch_operands = 0 : i64, tpu.core_type = #tpu.core_type<tc>} {
    %get3A = arith.constant 0 : index
    %get3A_0 = arith.constant 0 : index
    %get3A_1 = vector.load %arg0[%get3A, %get3A_0] : memref<1x128xf32, #tpu.memory_space<vmem>>, vector<1x128xf32>
    %div3A = arith.constant 1.000000e+04 : f32
    %div3A_2 = vector.broadcast %div3A : f32 to vector<1x128xf32>
    %div3A_3 = arith.divf %get3A_1, %div3A_2 : vector<1x128xf32>
    %logistic3A = arith.negf %div3A_3 : vector<1x128xf32>
    %logistic3A_4 = math.exp %logistic3A : vector<1x128xf32>
    %logistic3A_5 = arith.constant 1.000000e+00 : f32
    %logistic3A_6 = vector.broadcast %logistic3A_5 : f32 to vector<1x128xf32>
    %logistic3A_7 = arith.addf %logistic3A_6, %logistic3A_4 : vector<1x128xf32>
    %logistic3A_8 = arith.divf %logistic3A_6, %logistic3A_7 : vector<1x128xf32>
    %get3A_9 = arith.constant 0 : index
    %get3A_10 = arith.constant 0 : index
    %get3A_11 = vector.load %arg1[%get3A_9, %get3A_10] : memref<128x128xf32, #tpu.memory_space<vmem>>, vector<128x128xf32>
    %dot_general3A = arith.constant dense<0.000000e+00> : vector<1x128xf32>
    %dot_general3A_12 = tpu.matmul %logistic3A_8, %get3A_11, %dot_general3A {dimension_numbers = #tpu.dot_dimension_numbers<[1], [1], [0], [0], [0, 0, 1, 0], [], []>, transpose_lhs_hint = false} : vector<1x128xf32>, vector<128x128xf32>, vector<1x128xf32> -> vector<1x128xf32>
    %swap3A = arith.constant 0 : index
    %swap3A_13 = arith.constant 0 : index
    %swap3A_14 = vector.load %arg2[%swap3A, %swap3A_13] : memref<1x128xf32, #tpu.memory_space<vmem>>, vector<1x128xf32>
    tpu.vector_store %arg2[%swap3A, %swap3A_13], %dot_general3A_12 {strides = array<i32>} : memref<1x128xf32, #tpu.memory_space<vmem>>, vector<1x128xf32>,
    return
  }
}

module attributes {stable_mosaic.version = 14 : i64} {
  func.func @_loss_body(%arg0: i32, %arg1: memref<2x1000x128xf32, #tpu.memory_space<vmem>>, %arg2: memref<1x128xf32, #tpu.memory_space<vmem>>, %arg3: memref<1x1xf32, #tpu.memory_space<vmem>>) attributes {dimension_semantics = [#tpu.dimension_semantics<arbitrary>], iteration_bounds = array<i64: 10>, scalar_prefetch = 0 : i64, scratch_operands = 0 : i64, tpu.core_type = #tpu.core_type<tc>, window_params = [{transform_indices = @transform_0, window_bounds = array<i64: 2, 1000, 128>}, {pipeline_mode = #tpu.pipeline_mode<synchronous>, transform_indices = @transform_1, window_bounds = array<i64: 1, 128>}, {pipeline_mode = #tpu.pipeline_mode<synchronous>, transform_indices = @transform_2, window_bounds = array<i64: 1, 1>}]} {
    %get3A = arith.constant 0 : index
    %get3A_0 = arith.constant 0 : index
    %get3A_1 = vector.load %arg2[%get3A, %get3A_0] : memref<1x128xf32, #tpu.memory_space<vmem>>, vector<1x128xf32>
    %get3A_2 = arith.constant 0 : index
    %get3A_3 = arith.constant 0 : index
    %get3A_4 = arith.constant 0 : index
    %get3A_5 = vector.load %arg1[%get3A_2, %get3A_3, %get3A_4] : memref<2x1000x128xf32, #tpu.memory_space<vmem>>, vector<1x1000x128xf32>
    %get3A_6 = vector.shape_cast %get3A_5 : vector<1x1000x128xf32> to vector<1000x128xf32>
    %dot_general3A = arith.constant dense<0.000000e+00> : vector<1000x1xf32>
    %dot_general3A_7 = tpu.matmul %get3A_6, %get3A_1, %dot_general3A {dimension_numbers = #tpu.dot_dimension_numbers<[1], [1], [0], [0], [0, 0, 1, 0], [], []>, transpose_lhs_hint = false} : vector<1000x128xf32>, vector<1x128xf32>, vector<1000x1xf32> -> vector<1000x1xf32>
    %get3A_8 = arith.constant 1 : index
    %get3A_9 = arith.constant 0 : index
    %get3A_10 = arith.constant 0 : index
    %get3A_11 = vector.load %arg1[%get3A_8, %get3A_9, %get3A_10] : memref<2x1000x128xf32, #tpu.memory_space<vmem>>, vector<1x1000x128xf32>
    %get3A_12 = vector.shape_cast %get3A_11 : vector<1x1000x128xf32> to vector<1000x128xf32>
    %dot_general3A_13 = arith.constant dense<0.000000e+00> : vector<1000x1xf32>
    %dot_general3A_14 = tpu.matmul %get3A_12, %get3A_1, %dot_general3A_13 {dimension_numbers = #tpu.dot_dimension_numbers<[1], [1], [0], [0], [0, 0, 1, 0], [], []>, transpose_lhs_hint = false} : vector<1000x128xf32>, vector<1x128xf32>, vector<1000x1xf32> -> vector<1000x1xf32>
    %neg3A = arith.constant 0.000000e+00 : f32
    %neg3A_15 = vector.broadcast %neg3A : f32 to vector<1000x1xf32>
    %neg3A_16 = arith.subf %neg3A_15, %dot_general3A_7 : vector<1000x1xf32>
    %max3A = arith.constant 0.000000e+00 : f32
    %max3A_17 = vector.broadcast %max3A : f32 to vector<1000x1xf32>
    %max3A_18 = arith.maximumf %neg3A_16, %max3A_17 : vector<1000x1xf32>
    %abs3A = math.absf %neg3A_16 : vector<1000x1xf32>
    %neg3A_19 = arith.constant 0.000000e+00 : f32
    %neg3A_20 = vector.broadcast %neg3A_19 : f32 to vector<1000x1xf32>
    %neg3A_21 = arith.subf %neg3A_20, %abs3A : vector<1000x1xf32>
    %exp3A = math.exp %neg3A_21 : vector<1000x1xf32>
    %log1p3A = math.log1p %exp3A : vector<1000x1xf32>
    %add3A = arith.addf %max3A_18, %log1p3A : vector<1000x1xf32>
    %reduce_sum3A = vector.shape_cast %add3A : vector<1000x1xf32> to vector<1x1000x1xf32>
    %reduce_sum3A_22 = arith.constant dense<0.000000e+00> : vector<1xf32>
    %reduce_sum3A_23 = vector.multi_reduction <add>, %reduce_sum3A, %reduce_sum3A_22 [1, 2] : vector<1x1000x1xf32> to vector<1xf32>
    %reduce_sum3A_24 = vector.shape_cast %reduce_sum3A_23 : vector<1xf32> to vector<1x1x1xf32>
    %reduce_sum3A_25 = vector.extract %reduce_sum3A_24[0, 0, 0] : f32 from vector<1x1x1xf32>
    %max3A_26 = arith.constant 0.000000e+00 : f32
    %max3A_27 = vector.broadcast %max3A_26 : f32 to vector<1000x1xf32>
    %max3A_28 = arith.maximumf %dot_general3A_14, %max3A_27 : vector<1000x1xf32>
    %abs3A_29 = math.absf %dot_general3A_14 : vector<1000x1xf32>
    %neg3A_30 = arith.constant 0.000000e+00 : f32
    %neg3A_31 = vector.broadcast %neg3A_30 : f32 to vector<1000x1xf32>
    %neg3A_32 = arith.subf %neg3A_31, %abs3A_29 : vector<1000x1xf32>
    %exp3A_33 = math.exp %neg3A_32 : vector<1000x1xf32>
    %log1p3A_34 = math.log1p %exp3A_33 : vector<1000x1xf32>
    %add3A_35 = arith.addf %max3A_28, %log1p3A_34 : vector<1000x1xf32>
    %reduce_sum3A_36 = vector.shape_cast %add3A_35 : vector<1000x1xf32> to vector<1x1000x1xf32>
    %reduce_sum3A_37 = arith.constant dense<0.000000e+00> : vector<1xf32>
    %reduce_sum3A_38 = vector.multi_reduction <add>, %reduce_sum3A_36, %reduce_sum3A_37 [1, 2] : vector<1x1000x1xf32> to vector<1xf32>
    %reduce_sum3A_39 = vector.shape_cast %reduce_sum3A_38 : vector<1xf32> to vector<1x1x1xf32>
    %reduce_sum3A_40 = vector.extract %reduce_sum3A_39[0, 0, 0] : f32 from vector<1x1x1xf32>
    %add3A_41 = arith.addf %reduce_sum3A_25, %reduce_sum3A_40 : f32
    %eq3A = arith.constant 0 : i32
    %eq3A_42 = arith.cmpi eq, %arg0, %eq3A : i32
    %convert_element_type3A = arith.extui %eq3A_42 : i1 to i32
    %cond3A = arith.constant 0 : i32
    %cond3A_43 = arith.cmpi ne, %convert_element_type3A, %cond3A : i32
    scf.if %cond3A_43 {
      %broadcast_in_dim3A = arith.constant 0.000000e+00 : f32
      %broadcast_in_dim3A_56 = vector.broadcast %broadcast_in_dim3A : f32 to vector<1x1xf32>
      %swap3A_57 = arith.constant 0 : index
      %swap3A_58 = arith.constant 0 : index
      %swap3A_59 = vector.load %arg3[%swap3A_57, %swap3A_58] : memref<1x1xf32, #tpu.memory_space<vmem>>, vector<1x1xf32>
      tpu.vector_store %arg3[%swap3A_57, %swap3A_58], %broadcast_in_dim3A_56 {strides = array<i32>} : memref<1x1xf32, #tpu.memory_space<vmem>>, vector<1x1xf32>,
    } else {
    }
    %get3A_44 = arith.constant 0 : index
    %get3A_45 = arith.constant 0 : index
    %get3A_46 = vector.load %arg3[%get3A_44, %get3A_45] : memref<1x1xf32, #tpu.memory_space<vmem>>, vector<1x1xf32>
    %add3A_47 = vector.broadcast %add3A_41 : f32 to vector<1x1xf32>
    %add3A_48 = arith.addf %get3A_46, %add3A_47 : vector<1x1xf32>
    %swap3A = arith.constant 0 : index
    %swap3A_49 = arith.constant 0 : index
    %swap3A_50 = vector.load %arg3[%swap3A, %swap3A_49] : memref<1x1xf32, #tpu.memory_space<vmem>>, vector<1x1xf32>
    tpu.vector_store %arg3[%swap3A, %swap3A_49], %add3A_48 {strides = array<i32>} : memref<1x1xf32, #tpu.memory_space<vmem>>, vector<1x1xf32>,
    %eq3A_51 = arith.constant 9 : i32
    %eq3A_52 = arith.cmpi eq, %arg0, %eq3A_51 : i32
    %convert_element_type3A_53 = arith.extui %eq3A_52 : i1 to i32
    %cond3A_54 = arith.constant 0 : i32
    %cond3A_55 = arith.cmpi ne, %convert_element_type3A_53, %cond3A_54 : i32
    scf.if %cond3A_55 {
      %get3A_56 = arith.constant 0 : index
      %get3A_57 = arith.constant 0 : index
      %get3A_58 = vector.load %arg3[%get3A_56, %get3A_57] : memref<1x1xf32, #tpu.memory_space<vmem>>, vector<1x1xf32>
      %div3A = arith.constant 1.000000e+04 : f32
      %div3A_59 = vector.broadcast %div3A : f32 to vector<1x1xf32>
      %div3A_60 = arith.divf %get3A_58, %div3A_59 : vector<1x1xf32>
      %swap3A_61 = arith.constant 0 : index
      %swap3A_62 = arith.constant 0 : index
      %swap3A_63 = vector.load %arg3[%swap3A_61, %swap3A_62] : memref<1x1xf32, #tpu.memory_space<vmem>>, vector<1x1xf32>
      tpu.vector_store %arg3[%swap3A_61, %swap3A_62], %div3A_60 {strides = array<i32>} : memref<1x1xf32, #tpu.memory_space<vmem>>, vector<1x1xf32>,
    } else {
    }
    return
  }
  func.func @transform_0(%arg0: i32) -> (i32, i32, i32) {
    %c0_i32 = arith.constant 0 : i32
    %c0_i32_0 = arith.constant 0 : i32
    %c0_i32_1 = arith.constant 0 : i32
    return %c0_i32, %arg0, %c0_i32_0 : i32, i32, i32
  }
  func.func @transform_1(%arg0: i32) -> (i32, i32) {
    %c0_i32 = arith.constant 0 : i32
    %c0_i32_0 = arith.constant 0 : i32
    %c0_i32_1 = arith.constant 0 : i32
    return %c0_i32, %c0_i32_0 : i32, i32
  }
  func.func @transform_2(%arg0: i32) -> (i32, i32) {
    %c0_i32 = arith.constant 0 : i32
    %c0_i32_0 = arith.constant 0 : i32
    %c0_i32_1 = arith.constant 0 : i32
    return %c0_i32, %c0_i32_0 : i32, i32
  }
}

</mosaic_0001>

<sc_bundles>
// kernel: kernel.10.cloned.1.call-start
scs
__scs_entry_jumppad:
0x0: {  	(pc) =	sbr.rel $0x88, $3  }
0x1: {  	(tag) =	ssettag $0x0;
	lr =	simm.s32 $0x1  }
0x2: {  	[smem:$0x3F99] =	sst lr;
	_ =	strace $0xD0000000  }
0x3: {  	_ = 	snop  }
0x4: {  	_ = 	snop  }
0x5: {  	_ = 	snop  }
0x6: {  	_ = 	snop  }
0x7: {  	_ = 	snop  }
__scs_overlays_trampoline_lowered:
0x8: {  	[smem:$0x3FA8] =	sst s0  }
0x9: {  	[smem:$0x3FA9] =	sst s1  }
0xa: {  	[smem:$0x3FAA] =	sst s2  }
0xb: {  	[smem:$0x3FAB] =	sst s3  }
0xc: {  	[smem:$0x3FAC] =	sst s4  }
0xd: {  	[smem:$0x3FAD] =	sst s5  }
0xe: {  	[smem:$0x3FAE] =	sst s6  }
0xf: {  	[smem:$0x3FAF] =	sst s7  }
0x10: {  	[smem:$0x3FB0] =	sst s8  }
0x11: {  	[smem:$0x3FB1] =	sst s9;
	s0 =	simm.s32 @!p0 $0x0  }
0x12: {  	s1 =	sld [smem:$0x3F97];
	s0 =	simm.s32 @p0 $0x1  }
0x13: {  	[smem:$0x3FB2] =	sst s0;
	s0 =	simm.s32 @!p1 $0x0  }
0x14: {  	s2 =	sld [smem:$0x3F96];
	s0 =	simm.s32 @p1 $0x1  }
0x15: {  	[smem:$0x3FB3] =	sst s0;
	s0 =	simm.s32 @!p2 $0x0  }
0x16: {  	s3 =	sld [smem:$0x3FDB];
	s0 =	simm.s32 @p2 $0x1  }
0x17: {  	s4 =	simm.s32 $0x1BF5;
	[smem:$0x3FB5] =	sst s0  }
0x18: {  	s0 =	sld [smem:$0x3F98];
	_ =	swait.ge [sflag:s4], $0x0  }
0x19: {  	s7 =	sld [smem:$0x3F99]  }
0x1a: {  	s8 =	sadd.s32 $0xFFFFE003, lr  }
0x1b: {  	s9 =	sadd.s32 $0xFFFFFEF7, lr;
	s5 =	simm.s32 $0xFFFFFFFF;
	p2 =	slt.u32 s8, $0xFFFFF086  }
0x1c: {  	p1 =	slt.u32 s9, $0xF7A;
	s5 =	simm.s32 @!p2 $0x0  }
0x1d: {  	s5 =	simm.s32 @p1 $0x1;
	p0 =	seq.s32 s7, s2  }
0x1e: {  	s7 =	smul.u32 @!p0 $0xF7A, s2;
	p2 =	seq.s32 @!p0 s5, $0x0  }
0x1f: {  	s9 =	smul.u32 $0xF7A, s1;
	s8 =	simm.s32 @!p0 $0x1BF5;
	p2 =	por !p2, p0  }
0x20: {  	[sflag:s8] =	ssyncset.s32 @!p0 $0xFFFFF086;
	s6 =	sadd.s32 @!p0 s3, s7;
	s7 =	simm.s32 @!p0 $0x108  }
0x21: {  	s3 =	sadd.s32 s3, s9;
	s6 =	sadd.s32 @!p0 $0x88, s6;
	s7 =	simm.s32 @p2 $0x1082  }
0x22: {  	[simem:s7], [sflag:s8] =	dma.local @!p0 [hbm:s6], $0xF7A  }
0x23: {  	s9 =	sor.u32 $0xD0000000, s2;
	s6 =	simm.s32 $0x108;
	_ =	swait.ge @!p0 [sflag:s8], $0x0  }
0x24: {  	s3 =	sadd.s32 $0x88, s3;
	s6 =	simm.s32 @!p1 $0x1082;
	[sflag:s4] =	ssyncset.s32 $0xFFFFF086  }
0x25: {  	[simem:s6], [sflag:s4] =	dma.local [hbm:s3], $0xF7A  }
0x26: {  	[smem:$0x3F99] =	sst s1;
	(tag) =	ssettag s2;
	_ =	strace s9  }
0x27: {  	s1 =	sld [smem:$0x3FA9]  }
0x28: {  	s2 =	sld [smem:$0x3FAA]  }
0x29: {  	s4 =	sld [smem:$0x3FAC]  }
0x2a: {  	p0 =	seq.s32 s5, $0x0;
	s5 =	sld [smem:$0x3FAD]  }
0x2b: {  	s6 =	sld [smem:$0x3FAE]  }
0x2c: {  	s7 =	sld [smem:$0x3FAF]  }
0x2d: {  	s3 =	simm.s32 $0x108;
	s8 =	sld [smem:$0x3FB0]  }
0x2e: {  	s3 =	simm.s32 @!p0 $0x1082;
	s9 =	sld [smem:$0x3FB1]  }
0x2f: {  	lr =	sadd.s32 s0, s3;
	s0 =	sld [smem:$0x3FA8]  }
0x30: {  	s3 =	sld [smem:$0x3FAB]  }
0x31: {  	[smem:$0x3FB4] =	sst s10  }
0x32: {  	s10 =	sld [smem:$0x3FB2];
	_ =	sdelay $0x3  }
0x33: {  	p0 =	seq.s32 s10, $0x1;
	s10 =	sld [smem:$0x3FB4];
	_ =	sdelay $0x3  }
0x34: {  	[smem:$0x3FB4] =	sst s10  }
0x35: {  	s10 =	sld [smem:$0x3FB3];
	_ =	sdelay $0x3  }
0x36: {  	p1 =	seq.s32 s10, $0x1;
	s10 =	sld [smem:$0x3FB4];
	_ =	sdelay $0x3  }
0x37: {  	[smem:$0x3FB4] =	sst s10  }
0x38: {  	s10 =	sld [smem:$0x3FB5]  }
0x39: {  	_ = 	snop;
	(pc) =	sbr.ind lr, $3  }
0x3a: {  	_ = 	snop  }
0x3b: {  	_ = 	snop  }
0x3c: {  	p2 =	seq.s32 s10, $0x1;
	s10 =	sld [smem:$0x3FB4]  }
0x3d: {  	_ =	shalt  }
0x3e: {  	_ =	shalt  }
0x3f: {  	_ =	shalt  }
0x40: {  	_ =	shalt  }
0x41: {  	_ =	shalt  }
0x42: {  	_ =	shalt  }
0x43: {  	_ =	shalt  }
0x44: {  	_ =	shalt  }
0x45: {  	_ =	shalt  }
0x46: {  	_ =	shalt  }
0x47: {  	_ =	shalt  }
0x48: {  	_ =	shalt  }
0x49: {  	_ =	shalt  }
0x4a: {  	_ =	shalt  }
0x4b: {  	_ =	shalt  }
0x4c: {  	_ =	shalt  }
0x4d: {  	_ =	shalt  }
0x4e: {  	_ =	shalt  }
0x4f: {  	_ =	shalt  }
0x50: {  	_ =	shalt  }
0x51: {  	_ =	shalt  }
0x52: {  	_ =	shalt  }
0x53: {  	_ =	shalt  }
0x54: {  	_ =	shalt  }
0x55: {  	_ =	shalt  }
0x56: {  	_ =	shalt  }
0x57: {  	_ =	shalt  }
0x58: {  	_ =	shalt  }
0x59: {  	_ =	shalt  }
0x5a: {  	_ =	shalt  }
0x5b: {  	_ =	shalt  }
0x5c: {  	_ =	shalt  }
0x5d: {  	_ =	shalt  }
0x5e: {  	_ =	shalt  }
0x5f: {  	_ =	shalt  }
0x60: {  	_ =	shalt  }
0x61: {  	_ =	shalt  }
0x62: {  	_ =	shalt  }
0x63: {  	_ =	shalt  }
0x64: {  	_ =	shalt  }
0x65: {  	_ =	shalt  }
0x66: {  	_ =	shalt  }
0x67: {  	_ =	shalt  }
0x68: {  	_ =	shalt  }
0x69: {  	_ =	shalt  }
0x6a: {  	_ =	shalt  }
0x6b: {  	_ =	shalt  }
0x6c: {  	_ =	shalt  }
0x6d: {  	_ =	shalt  }
0x6e: {  	_ =	shalt  }
0x6f: {  	_ =	shalt  }
0x70: {  	_ =	shalt  }
0x71: {  	_ =	shalt  }
0x72: {  	_ =	shalt  }
0x73: {  	_ =	shalt  }
0x74: {  	_ =	shalt  }
0x75: {  	_ =	shalt  }
0x76: {  	_ =	shalt  }
0x77: {  	_ =	shalt  }
0x78: {  	_ =	shalt  }
0x79: {  	_ =	shalt  }
0x7a: {  	_ =	shalt  }
0x7b: {  	_ =	shalt  }
0x7c: {  	_ =	shalt  }
0x7d: {  	_ =	shalt  }
0x7e: {  	_ =	shalt  }
0x7f: {  	_ =	shalt  }
0x80: {  	_ =	shalt  }
0x81: {  	_ =	shalt  }
0x82: {  	_ =	shalt  }
0x83: {  	_ =	shalt  }
0x84: {  	_ =	shalt  }
0x85: {  	_ =	shalt  }
0x86: {  	_ =	shalt  }
0x87: {  	_ =	shalt  }
.Lfunc_end0:
.L_simem_size_0:
called_computation_lowered:
.L_overlay_start_0:
0x88: {  	s2 =	sld [smem:$0x3FD9]  }
0x89: {  	s3 =	sld [smem:$0x3FFE];
	_ =	sdelay $0x1  }
0x8a: {  	s1 =	srdreg.scid  }
0x8b: {  	s0 =	sand.u32 $0x1, s1  }
0x8c: {  	s17 =	sshll.u32 s0, $0xA;
	s2 =	sadd.s32 s3, s2  }
0x8d: {  	s2 =	sadd.s32 s2, s17  }
0x8e: {  	[smem:$0x3FC0] =	sst s2  }
0x8f: {  	_ = 	snop  }
0x90: {  	s2 =	sld [smem:$0x3FC9];
	(tm) =	ssettm $0x1  }
0x91: {  	s18 =	sld [smem:$0x3FFB];
	_ =	sdelay $0x3  }
0x92: {  	_ =	strace s18  }
0x93: {  	s3 =	sld [smem:$0x3FFC];
	_ =	sdelay $0x3  }
0x94: {  	_ =	strace s3  }
0x95: {  	s3 =	sld [smem:$0x3FFD];
	_ =	sdelay $0x3  }
0x96: {  	_ =	strace s3  }
0x97: {  	_ =	strace $0x8FFFFFFF  }
0x98: {  	s19 =	sld [smem:$0x3FDB];
	_ =	sdelay $0x1  }
0x99: {  	s4 =	simm.s32 $_scs_section_size  }
0x9a: {  	s5 =	simm.s32 $_size__tile_overlayer_lowered;
	s6 =	simm.s32 $_tile_overlayer_lowered  }
0x9b: {  	s22 =	simm.s32 $0x1BFF;
	s21 =	sshll.u32 s6, $0x1;
	s3 =	sadd.s32 s4, s19  }
0x9c: {  	s7 =	simm.s32 $0x0;
	s20 =	sshll.u32 s5, $0x1;
	s5 =	sadd.s32 s21, s3  }
0x9d: {  	[timem:s7], [sflag:s22] =	dma.local [hbm:s5], s20  }
0x9e: {  	_ =	swait.ge [sflag:s22], s20  }
0x9f: {  	s4 =	ssub.s32 $0x0, s20;
	[sflag:s22] =	ssyncset.done $0x0  }
0xa0: {  	[sflag:s22] =	ssyncadd.s32 s4;
	_ =	sdelay $0x1  }
0xa1: {  	s23 =	simm.s32 $0x1B8B  }
0xa2: {  	_ =	swait.ge [sflag:s23], $0x1  }
0xa3: {  	[sflag:s23] =	ssyncset.done $0x0  }
0xa4: {  	s25 =	simm.s32 $0x1B8E;
	s24 =	sld [smem:$0x3FFE];
	[sflag:s23] =	ssyncadd.s32 $0xFFFFFFFF  }
0xa5: {  	s26 =	simm.s32 $execute0_lowered;
	[smem:$0x3FD2] =	sst s25  }
0xa6: {  	s5 =	sshll.u32 s26, $0x1;
	_ =	strace $0x80000046;
	[dreg:$0x1] =	wrdreg $0xFFFFFFFF  }
0xa7: {  	s28 =	simm.s32 $_size_execute0_lowered;
	s3 =	sadd.s32 s3, s5;
	[dreg:$0x0] =	wrdreg $0x0  }
0xa8: {  	s5 =	sshll.u32 s28, $0x1;
	[dreg:$0x2] =	wrdreg s3  }
0xa9: {  	[dreg:$0x3] =	wrdreg s5  }
0xaa: {  	[dreg:$0x4] =	wrdreg $0xC0  }
0xab: {  	_ =	task [dreg:s7], $0x5FFFF  }
0xac: {  	[dreg:$0x1] =	wrdreg $0xFFFFFFFF  }
0xad: {  	[dreg:$0x0] =	wrdreg $0x60  }
0xae: {  	[dreg:$0x2] =	wrdreg s2  }
0xaf: {  	[dreg:$0x3] =	wrdreg s24  }
0xb0: {  	[dreg:$0x4] =	wrdreg $0x4B800  }
0xb1: {  	[dreg:$0x5] =	wrdreg $0x9  }
0xb2: {  	_ =	task.clear_ibuf [dreg:s7], $0x6FFFF;
	_ =	strace $0x90000046  }
0xb3: {  	s29 =	simm.s32 $0x9;
	_ =	strace $0x80000048  }
0xb4: {  	_ =	swait.ge [sflag:s29], $0x1  }
0xb5: {  	[sflag:s29] =	ssyncadd.s32 $0xFFFFFFFF  }
0xb6: {  	_ =	strace $0x90000048  }
0xb7: {  	_ =	sfence  }
0xb8: {  	s30 =	sld [smem:$0x0];
	_ =	sdelay $0x2  }
0xb9: {  	s31 =	sshll.u32 s1, $0xD;
	s1 =	sshrl.u32 s1, $0x2  }
0xba: {  	s3 =	sand.u32 $0x4000, s31;
	s1 =	sadd.s32 s1, s30  }
0xbb: {  	s0 =	sor.u32 s3, s0;
	s1 =	sshll.u32 s1, $0x11  }
0xbc: {  	s0 =	sor.u32 s1, s0  }
0xbd: {  	s0 =	sadd.s32 $0x8F2B, s0  }
0xbe: {  	[sflag:s0] =	ssyncadd.remote.s32 $0x1  }
0xbf: {  	_ =	sfence.sel $0xFFFF  }
0xc0: {  	[dreg:$0x0] =	wrdreg $0xFFFFFFFF;
	(pc) =	sbr.abs _section_cstart, $3  }
0xc1: {  	[dreg:$0x1] =	wrdreg $0xFFFFFFFF  }
0xc2: {  	_ =	task.clear_ibuf [dreg:s7], $0x2FFFF;
	_ =	strace $0x9FFFFFFF  }
0xc3: {  	(tm) =	ssettm $0x7FFFFFFF  }
tec
execute0_lowered:
.L_overlay_start_1:
0x0: {  	(tag) =	ssettag $0x1  }
0x1: {  	s1 =	rddreg [dreg:$0x0]  }
0x2: {  	s5 =	rddreg [dreg:$0x1];
	s0 =	srdreg.scid  }
0x3: {  	s3 =	rddreg [dreg:$0x2];
	s2 =	stileid.u32  }
0x4: {  	s4 =	simm.s32 $0x0;
	s28 =	simm.s32 $0x10;
	s29 =	simm.s32 $0x0  }
0x5: {  	s6 =	sand.u32 $0x1, s0;
	s0 =	rddreg [dreg:$0x3];
	s20 =	smul.u32 $0x500, s2  }
0x6: {  	[smem:$0x7FF] =	sst s4;
	s17 =	sadd.s32 $0xC400, s5;
	s21 =	smul.u32 $0xA00, s2  }
0x7: {  	s18 =	sadd.s32 $0xD400, s5;
	s7 =	sshll.u32 s6, $0x4;
	s10 =	sshll.u32 s6, $0x7  }
0x8: {  	_ =	strace $0x80000047;
	s22 =	ssub.s32 $0x2, s6;
	s8 =	sor.u32 s2, s7  }
0x9: {  	s7 =	sor.u32 s10, s20;
	s6 =	sshrl.u32 s22, $0x1;
	s9 =	smul.u32 $0x500, s8  }
0xa: {  	s10 =	sshrl.u32 s21, $0x2;
	s21 =	simm.s32 $0x2100;
	s16 =	smul.u32 $0x140, s8  }
0xb: {  	s7 =	sshrl.u32 s7, $0x3;
	s11 =	ssub.s32 s22, s6;
	s24 =	smul.u32 $0x1400, s8  }
0xc: {  	s22 =	simm.s32 $0x80;
	s7 =	sadd.s32 s7, s5;
	s8 =	smax.u32 s11, $0x1  }
0xd: {  	s9 =	sadd.s32 s9, s5;
	s5 =	sadd.s32 s10, s3;
	s7 =	sadd.s32 $0xCA00, s7  }
0xe: {  	s23 =	sshrl.u32 s16, $0x3;
	s25 =	sadd.s32 $0x40, s16;
	s10 =	sadd.s32 s18, s24  }
0xf: {  	s26 =	sadd.s32 $0x80, s16;
	s19 =	sadd.s32 $0xC0, s16;
	s20 =	sadd.s32 $0x100, s16  }
0x10: {  	s24 =	simm.s32 $0x40;
	s6 =	sadd.s32 $0x2400, s9;
	s9 =	sadd.s32 s17, s23  }
0x11: {  	s12 =	sshrl.u32 s25, $0x3;
	s13 =	sshll.u32 s25, $0x4;
	s14 =	sshrl.u32 s26, $0x3  }
0x12: {  	s15 =	sshll.u32 s26, $0x4;
	s30 =	sshrl.u32 s19, $0x3;
	s19 =	sshll.u32 s19, $0x4  }
0x13: {  	s31 =	sshrl.u32 s20, $0x3;
	s20 =	sshll.u32 s20, $0x4;
	s23 =	simm.s32 $0x2080  }
0x14: {  	s25 =	simm.s32 $0x1;
	s26 =	simm.s32 $0x20;
	s11 =	sadd.s32 s17, s12  }
0x15: {  	s12 =	sadd.s32 s18, s13;
	s13 =	sadd.s32 s17, s14;
	s14 =	sadd.s32 s18, s15  }
0x16: {  	s15 =	sadd.s32 s17, s30;
	s16 =	sadd.s32 s18, s19;
	s17 =	sadd.s32 s17, s31  }
0x17: {  	v0 =	vimm.f32 $0.0e+00;
	v1 =	vimm.f32 $1.000000000e+00;
	s18 =	sadd.s32 s18, s20;
	s19 =	simm.s32 $0x4900;
	s20 =	simm.s32 $0x2  }
.LBB2_1:
0x18: {  	[tilespmem:$0x4900] =	vst v0  }
0x19: {  	[tilespmem:$0x4910] =	vst v0  }
0x1a: {  	[tilespmem:$0x4920] =	vst v0  }
0x1b: {  	[tilespmem:$0x4930] =	vst v0  }
0x1c: {  	[tilespmem:$0x4940] =	vst v0  }
0x1d: {  	[tilespmem:$0x4950] =	vst v0  }
0x1e: {  	[tilespmem:$0x4960] =	vst v0  }
0x1f: {  	[tilespmem:$0x4970] =	vst v0  }
0x20: {  	[tilespmem:$0x4980] =	vst v0  }
0x21: {  	[tilespmem:$0x4990] =	vst v0  }
0x22: {  	[tilespmem:$0x49A0] =	vst v0  }
0x23: {  	[tilespmem:$0x49B0] =	vst v0  }
0x24: {  	[tilespmem:$0x49C0] =	vst v0  }
0x25: {  	[tilespmem:$0x49D0] =	vst v0  }
0x26: {  	[tilespmem:$0x49E0] =	vst v0  }
0x27: {  	[tilespmem:$0x49F0] =	vst v0  }
0x28: {  	[tilespmem:$0x4A00] =	vst v0  }
0x29: {  	[tilespmem:$0x4A10] =	vst v0  }
0x2a: {  	[tilespmem:$0x4A20] =	vst v0  }
0x2b: {  	[tilespmem:$0x4A30] =	vst v0  }
0x2c: {  	[tilespmem:$0x4A40] =	vst v0  }
0x2d: {  	[tilespmem:$0x4A50] =	vst v0  }
0x2e: {  	[tilespmem:$0x4A60] =	vst v0  }
0x2f: {  	[tilespmem:$0x4A70] =	vst v0  }
0x30: {  	[tilespmem:$0x4A80] =	vst v0  }
0x31: {  	[tilespmem:$0x4A90] =	vst v0  }
0x32: {  	[tilespmem:$0x4AA0] =	vst v0  }
0x33: {  	[tilespmem:$0x4AB0] =	vst v0  }
0x34: {  	[tilespmem:$0x4AC0] =	vst v0  }
0x35: {  	[tilespmem:$0x4AD0] =	vst v0  }
0x36: {  	[tilespmem:$0x4AE0] =	vst v0  }
0x37: {  	[tilespmem:$0x4AF0] =	vst v0  }
0x38: {  	[tilespmem:$0x4B00] =	vst v0  }
0x39: {  	[tilespmem:$0x4B10] =	vst v0  }
0x3a: {  	[tilespmem:$0x4B20] =	vst v0  }
0x3b: {  	[tilespmem:$0x4B30] =	vst v0  }
0x3c: {  	[tilespmem:$0x4B40] =	vst v0  }
0x3d: {  	[tilespmem:$0x4B50] =	vst v0  }
0x3e: {  	[tilespmem:$0x4B60] =	vst v0  }
0x3f: {  	[tilespmem:$0x4B70] =	vst v0  }
0x40: {  	[spmem:s5] =	stream.linear.scatter [tilespmem:s19], [sflag:$0x2], $0x280, $0x38;
	[tilespmem:$0x4E00] =	vst v63  }
0x41: {  	_ =	swait.ge [sflag:s20], $0x280  }
0x42: {  	[sflag:s20] =	ssyncset.done $0x0  }
0x43: {  	[sflag:s20] =	ssyncadd.s32 $0xFFFFFD80  }
0x44: {  	[tilespmem:$0x2080] =	vst v1  }
0x45: {  	[tilespmem:$0x2090] =	vst v1  }
0x46: {  	[tilespmem:$0x20A0] =	vst v1  }
0x47: {  	[tilespmem:$0x20B0] =	vst v1  }
0x48: {  	[tilespmem:$0x20C0] =	vst v1  }
0x49: {  	[tilespmem:$0x20D0] =	vst v1  }
0x4a: {  	[tilespmem:$0x20E0] =	vst v1  }
0x4b: {  	[tilespmem:$0x20F0] =	vst v1  }
0x4c: {  	[bflag:$0x0] =	sbarrier.arrive $0xFFFF  }
0x4d: {  	[tilespmem:s21], [sflag:$0x2] =	stream.linear.gather [hbm4b:s6+s4], $0x2780, $0x38;
	[tilespmem:$0x4E00] =	vst v63  }
0x4e: {  	_ =	swait.ge [sflag:s20], $0x2780  }
0x4f: {  	[sflag:s20] =	ssyncset.done $0x0  }
0x50: {  	s30 =	simm.s32 $0x200;
	s31 =	simm.s32 $0x2100;
	[sflag:s20] =	ssyncadd.s32 $0xFFFFD880  }
.LBB2_2:
0x51: {  	[spmem:s3] =	stream.indirect.scatter.add.f32 [tilespmem:s23], [sflag:$0x1], $0x1, s31, s22, $0xb8;
	[tilespmem:$0x4E00] =	vst v63  }
0x52: {  	s31 =	smov.u32 s30;
	p0 =	sne.s32 s30, $0x9C00  }
.Ltmp0:
0x53: {  	s30 =	sadd.s32 $0x200, s30;
	(pc) =	sbr.rel @p0 .LBB2_2-.Ltmp0, $3  }
0x54: {  	_ =	sdelay $0x1  }
0x55: {  	s31 =	sshra.s32 s31, $0x2  }
0x56: {  	s31 =	sadd.s32 $0x2100, s31  }
0x57: {  	[spmem:s3] =	stream.indirect.scatter.add.f32 [tilespmem:s23], [sflag:$0x1], $0x1, s31, s22, $0xb8;
	[tilespmem:$0x4E00] =	vst v63  }
0x58: {  	_ = 	snop  }
0x59: {  	[tilespmem:s4], [sflag:$0x2] =	stream.linear.gather [hbm4b:s9+s4], $0x40, $0x38;
	[tilespmem:$0x4E00] =	vst v63  }
0x5a: {  	_ =	swait.ge [sflag:s20], $0x40  }
0x5b: {  	[sflag:s20] =	ssyncset.done $0x0  }
0x5c: {  	[sflag:s20] =	ssyncadd.s32 $0xFFFFFFC0  }
0x5d: {  	[tilespmem:s22], [sflag:$0x2] =	stream.indirect.gather [hbm4b:s1+s24], $0x80, s4, s24, $0xb8;
	[tilespmem:$0x4E00] =	vst v63  }
0x5e: {  	_ =	swait.ge [sflag:s20], $0x2000  }
0x5f: {  	[sflag:s20] =	ssyncset.done $0x0  }
0x60: {  	[sflag:s20] =	ssyncadd.s32 $0xFFFFE000  }
0x61: {  	[hbm4b:s10+s4] =	stream.linear.scatter [tilespmem:s22], [sflag:$0x2], $0x2000, $0x38;
	[tilespmem:$0x4E00] =	vst v63  }
0x62: {  	_ =	swait.ge [sflag:s20], $0x2000  }
0x63: {  	[sflag:s20] =	ssyncset.done $0x0  }
0x64: {  	[sflag:s20] =	ssyncadd.s32 $0xFFFFE000  }
0x65: {  	[tilespmem:s4], [sflag:$0x2] =	stream.linear.gather [hbm4b:s11+s4], $0x40, $0x38;
	[tilespmem:$0x4E00] =	vst v63  }
0x66: {  	_ =	swait.ge [sflag:s20], $0x40  }
0x67: {  	[sflag:s20] =	ssyncset.done $0x0  }
0x68: {  	[sflag:s20] =	ssyncadd.s32 $0xFFFFFFC0  }
0x69: {  	[tilespmem:s22], [sflag:$0x2] =	stream.indirect.gather [hbm4b:s1+s24], $0x80, s4, s24, $0xb8;
	[tilespmem:$0x4E00] =	vst v63  }
0x6a: {  	_ =	swait.ge [sflag:s20], $0x2000  }
0x6b: {  	[sflag:s20] =	ssyncset.done $0x0  }
0x6c: {  	[sflag:s20] =	ssyncadd.s32 $0xFFFFE000  }
0x6d: {  	[hbm4b:s12+s4] =	stream.linear.scatter [tilespmem:s22], [sflag:$0x2], $0x2000, $0x38;
	[tilespmem:$0x4E00] =	vst v63  }
0x6e: {  	_ =	swait.ge [sflag:s20], $0x2000  }
0x6f: {  	[sflag:s20] =	ssyncset.done $0x0  }
0x70: {  	[sflag:s20] =	ssyncadd.s32 $0xFFFFE000  }
0x71: {  	[tilespmem:s4], [sflag:$0x2] =	stream.linear.gather [hbm4b:s13+s4], $0x40, $0x38;
	[tilespmem:$0x4E00] =	vst v63  }
0x72: {  	_ =	swait.ge [sflag:s20], $0x40  }
0x73: {  	[sflag:s20] =	ssyncset.done $0x0  }
0x74: {  	[sflag:s20] =	ssyncadd.s32 $0xFFFFFFC0  }
0x75: {  	[tilespmem:s22], [sflag:$0x2] =	stream.indirect.gather [hbm4b:s1+s24], $0x80, s4, s24, $0xb8;
	[tilespmem:$0x4E00] =	vst v63  }
0x76: {  	_ =	swait.ge [sflag:s20], $0x2000  }
0x77: {  	[sflag:s20] =	ssyncset.done $0x0  }
0x78: {  	[sflag:s20] =	ssyncadd.s32 $0xFFFFE000  }
0x79: {  	[hbm4b:s14+s4] =	stream.linear.scatter [tilespmem:s22], [sflag:$0x2], $0x2000, $0x38;
	[tilespmem:$0x4E00] =	vst v63  }
0x7a: {  	_ =	swait.ge [sflag:s20], $0x2000  }
0x7b: {  	[sflag:s20] =	ssyncset.done $0x0  }
0x7c: {  	[sflag:s20] =	ssyncadd.s32 $0xFFFFE000  }
0x7d: {  	[tilespmem:s4], [sflag:$0x2] =	stream.linear.gather [hbm4b:s15+s4], $0x40, $0x38;
	[tilespmem:$0x4E00] =	vst v63  }
0x7e: {  	_ =	swait.ge [sflag:s20], $0x40  }
0x7f: {  	[sflag:s20] =	ssyncset.done $0x0  }
0x80: {  	[sflag:s20] =	ssyncadd.s32 $0xFFFFFFC0  }
0x81: {  	[tilespmem:s22], [sflag:$0x2] =	stream.indirect.gather [hbm4b:s1+s24], $0x80, s4, s24, $0xb8;
	[tilespmem:$0x4E00] =	vst v63  }
0x82: {  	_ =	swait.ge [sflag:s20], $0x2000  }
0x83: {  	[sflag:s20] =	ssyncset.done $0x0  }
0x84: {  	[sflag:s20] =	ssyncadd.s32 $0xFFFFE000  }
0x85: {  	[hbm4b:s16+s4] =	stream.linear.scatter [tilespmem:s22], [sflag:$0x2], $0x2000, $0x38;
	[tilespmem:$0x4E00] =	vst v63  }
0x86: {  	_ =	swait.ge [sflag:s20], $0x2000  }
0x87: {  	[sflag:s20] =	ssyncset.done $0x0  }
0x88: {  	[sflag:s20] =	ssyncadd.s32 $0xFFFFE000  }
0x89: {  	[tilespmem:s4], [sflag:$0x2] =	stream.linear.gather [hbm4b:s17+s4], $0x40, $0x38;
	[tilespmem:$0x4E00] =	vst v63  }
0x8a: {  	_ =	swait.ge [sflag:s20], $0x40  }
0x8b: {  	[sflag:s20] =	ssyncset.done $0x0  }
0x8c: {  	[sflag:s20] =	ssyncadd.s32 $0xFFFFFFC0  }
0x8d: {  	[tilespmem:s22], [sflag:$0x2] =	stream.indirect.gather [hbm4b:s1+s24], $0x80, s4, s24, $0xb8;
	[tilespmem:$0x4E00] =	vst v63  }
0x8e: {  	_ =	swait.ge [sflag:s20], $0x2000  }
0x8f: {  	[sflag:s20] =	ssyncset.done $0x0  }
0x90: {  	[sflag:s20] =	ssyncadd.s32 $0xFFFFE000  }
0x91: {  	[hbm4b:s18+s4] =	stream.linear.scatter [tilespmem:s22], [sflag:$0x2], $0x2000, $0x38;
	[tilespmem:$0x4E00] =	vst v63  }
0x92: {  	_ =	swait.ge [sflag:s20], $0x2000  }
0x93: {  	[sflag:s20] =	ssyncset.done $0x0  }
0x94: {  	[sflag:s20] =	ssyncadd.s32 $0xFFFFE000  }
0x95: {  	_ =	swait.ge [sflag:s25], $0x80  }
0x96: {  	s30 =	simm.s32 $0x4E;
	[sflag:s25] =	ssyncset.done $0x0  }
.LBB2_4:
0x97: {  	p0 =	sne.s32 s30, $0x1;
	s30 =	sadd.s32 $0xFFFFFFFF, s30;
	[sflag:s25] =	ssyncadd.s32 $0xFFFFFF80  }
.Ltmp1:
0x98: {  	(pc) =	sbr.rel @p0 .LBB2_4-.Ltmp1, $3  }
0x99: {  	_ =	sdelay $0x1  }
0x9a: {  	_ =	swait.ge [sflag:s25], $0x80  }
0x9b: {  	[sflag:s25] =	ssyncset.done $0x0  }
0x9c: {  	[sflag:s25] =	ssyncadd.s32 $0xFFFFFF80;
	s29 =	sadd.s32 $0x1, s29  }
0x9d: {  	s30 =	sshll.u32 s2, $0x6;
	s31 =	sshrl.u32 s5, $0x3;
	p0 =	sne.s32 s29, s8  }
.Ltmp2:
0x9e: {  	[bflag:$0x0] =	sbarrier.arrive $0xFFFF;
	s30 =	sor.u32 $0x1C02, s30;
	(pc) =	sbr.rel @p0 .LBB2_1-.Ltmp2, $4  }
0x9f: {  	[hbm:s7@s26], [sflag:s30] =	dma.strided [spmem:s31@s28], $0x50, s25, $0x10   }
0xa0: {  	_ =	swait.ge [sflag:s20], $0x50  }
0xa1: {  	[sflag:s20] =	ssyncset.done $0x0  }
0xa2: {  	[sflag:s20] =	ssyncadd.s32 $0xFFFFFFB0  }
0xa3: {  	_ =	sfence.sel $0x180000  }
0xa4: {  	[bflag:$0x0] =	sbarrier.arrive $0xFFFF  }
0xa5: {  	p0 =	sne.s32 s2, $0x0;
	_ =	strace $0x90000047  }
0xa6: {  	s0 =	sadd.s32 @!p0 $0x100000, s0;
	[bflag:$0x2] =	sbarrier.arrive $0xFFFF  }
0xa7: {  	[sflag:s0] =	ssyncadd.tile.s32 @!p0 $0x1;
	_ =	shalt  }
.Lfunc_end2:
_tile_overlayer_lowered:
.L_overlay_start_2:
0xa8: {  	(tag) =	ssettag $0x2  }
0xa9: {  	s0 =	rddreg [dreg:$0x0];
	s2 =	stileid.u32  }
0xaa: {  	s1 =	rddreg [dreg:$0x1];
	p0 =	sne.s32 s2, $0x0  }
0xab: {  	s3 =	rddreg [dreg:$0x2];
	[bflag:$0x3] =	sbarrier.arrive $0xFFFF;
	s2 =	simm.s32 @!p0 $0x1C02  }
0xac: {  	[timem:s3], [sflag:s2] =	dma.local @!p0 [hbm:s0], s1  }
0xad: {  	s0 =	simm.s32 @!p0 $0x2  }
0xae: {  	_ =	swait.ge @!p0 [sflag:s0], s1  }
0xaf: {  	s1 =	ssub.s32 @!p0 $0x0, s1;
	[sflag:s0] =	ssyncset.done @!p0 $0x0  }
0xb0: {  	[sflag:s0] =	ssyncadd.s32 @!p0 s1  }
0xb1: {  	[bflag:$0x3] =	sbarrier.arrive $0xFFFF  }
0xb2: {  	_ =	shalt  }

// kernel: kernel.13.cloned.1.call-start
scs
__scs_entry_jumppad:
0x0: {  	(pc) =	sbr.rel $0x88, $3  }
0x1: {  	(tag) =	ssettag $0x0;
	lr =	simm.s32 $0x1  }
0x2: {  	[smem:$0x3F99] =	sst lr;
	_ =	strace $0xD0000000  }
0x3: {  	_ = 	snop  }
0x4: {  	_ = 	snop  }
0x5: {  	_ = 	snop  }
0x6: {  	_ = 	snop  }
0x7: {  	_ = 	snop  }
__scs_overlays_trampoline_lowered:
0x8: {  	[smem:$0x3FA8] =	sst s0  }
0x9: {  	[smem:$0x3FA9] =	sst s1  }
0xa: {  	[smem:$0x3FAA] =	sst s2  }
0xb: {  	[smem:$0x3FAB] =	sst s3  }
0xc: {  	[smem:$0x3FAC] =	sst s4  }
0xd: {  	[smem:$0x3FAD] =	sst s5  }
0xe: {  	[smem:$0x3FAE] =	sst s6  }
0xf: {  	[smem:$0x3FAF] =	sst s7  }
0x10: {  	[smem:$0x3FB0] =	sst s8  }
0x11: {  	[smem:$0x3FB1] =	sst s9;
	s0 =	simm.s32 @!p0 $0x0  }
0x12: {  	s1 =	sld [smem:$0x3F97];
	s0 =	simm.s32 @p0 $0x1  }
0x13: {  	[smem:$0x3FB2] =	sst s0;
	s0 =	simm.s32 @!p1 $0x0  }
0x14: {  	s2 =	sld [smem:$0x3F96];
	s0 =	simm.s32 @p1 $0x1  }
0x15: {  	[smem:$0x3FB3] =	sst s0;
	s0 =	simm.s32 @!p2 $0x0  }
0x16: {  	s3 =	sld [smem:$0x3FDB];
	s0 =	simm.s32 @p2 $0x1  }
0x17: {  	s4 =	simm.s32 $0x1BF5;
	[smem:$0x3FB5] =	sst s0  }
0x18: {  	s0 =	sld [smem:$0x3F98];
	_ =	swait.ge [sflag:s4], $0x0  }
0x19: {  	s7 =	sld [smem:$0x3F99]  }
0x1a: {  	s8 =	sadd.s32 $0xFFFFE003, lr  }
0x1b: {  	s9 =	sadd.s32 $0xFFFFFEF7, lr;
	s5 =	simm.s32 $0xFFFFFFFF;
	p2 =	slt.u32 s8, $0xFFFFF086  }
0x1c: {  	p1 =	slt.u32 s9, $0xF7A;
	s5 =	simm.s32 @!p2 $0x0  }
0x1d: {  	s5 =	simm.s32 @p1 $0x1;
	p0 =	seq.s32 s7, s2  }
0x1e: {  	s7 =	smul.u32 @!p0 $0xF7A, s2;
	p2 =	seq.s32 @!p0 s5, $0x0  }
0x1f: {  	s9 =	smul.u32 $0xF7A, s1;
	s8 =	simm.s32 @!p0 $0x1BF5;
	p2 =	por !p2, p0  }
0x20: {  	[sflag:s8] =	ssyncset.s32 @!p0 $0xFFFFF086;
	s6 =	sadd.s32 @!p0 s3, s7;
	s7 =	simm.s32 @!p0 $0x108  }
0x21: {  	s3 =	sadd.s32 s3, s9;
	s6 =	sadd.s32 @!p0 $0x88, s6;
	s7 =	simm.s32 @p2 $0x1082  }
0x22: {  	[simem:s7], [sflag:s8] =	dma.local @!p0 [hbm:s6], $0xF7A  }
0x23: {  	s9 =	sor.u32 $0xD0000000, s2;
	s6 =	simm.s32 $0x108;
	_ =	swait.ge @!p0 [sflag:s8], $0x0  }
0x24: {  	s3 =	sadd.s32 $0x88, s3;
	s6 =	simm.s32 @!p1 $0x1082;
	[sflag:s4] =	ssyncset.s32 $0xFFFFF086  }
0x25: {  	[simem:s6], [sflag:s4] =	dma.local [hbm:s3], $0xF7A  }
0x26: {  	[smem:$0x3F99] =	sst s1;
	(tag) =	ssettag s2;
	_ =	strace s9  }
0x27: {  	s1 =	sld [smem:$0x3FA9]  }
0x28: {  	s2 =	sld [smem:$0x3FAA]  }
0x29: {  	s4 =	sld [smem:$0x3FAC]  }
0x2a: {  	p0 =	seq.s32 s5, $0x0;
	s5 =	sld [smem:$0x3FAD]  }
0x2b: {  	s6 =	sld [smem:$0x3FAE]  }
0x2c: {  	s7 =	sld [smem:$0x3FAF]  }
0x2d: {  	s3 =	simm.s32 $0x108;
	s8 =	sld [smem:$0x3FB0]  }
0x2e: {  	s3 =	simm.s32 @!p0 $0x1082;
	s9 =	sld [smem:$0x3FB1]  }
0x2f: {  	lr =	sadd.s32 s0, s3;
	s0 =	sld [smem:$0x3FA8]  }
0x30: {  	s3 =	sld [smem:$0x3FAB]  }
0x31: {  	[smem:$0x3FB4] =	sst s10  }
0x32: {  	s10 =	sld [smem:$0x3FB2];
	_ =	sdelay $0x3  }
0x33: {  	p0 =	seq.s32 s10, $0x1;
	s10 =	sld [smem:$0x3FB4];
	_ =	sdelay $0x3  }
0x34: {  	[smem:$0x3FB4] =	sst s10  }
0x35: {  	s10 =	sld [smem:$0x3FB3];
	_ =	sdelay $0x3  }
0x36: {  	p1 =	seq.s32 s10, $0x1;
	s10 =	sld [smem:$0x3FB4];
	_ =	sdelay $0x3  }
0x37: {  	[smem:$0x3FB4] =	sst s10  }
0x38: {  	s10 =	sld [smem:$0x3FB5]  }
0x39: {  	_ = 	snop;
	(pc) =	sbr.ind lr, $3  }
0x3a: {  	_ = 	snop  }
0x3b: {  	_ = 	snop  }
0x3c: {  	p2 =	seq.s32 s10, $0x1;
	s10 =	sld [smem:$0x3FB4]  }
0x3d: {  	_ =	shalt  }
0x3e: {  	_ =	shalt  }
0x3f: {  	_ =	shalt  }
0x40: {  	_ =	shalt  }
0x41: {  	_ =	shalt  }
0x42: {  	_ =	shalt  }
0x43: {  	_ =	shalt  }
0x44: {  	_ =	shalt  }
0x45: {  	_ =	shalt  }
0x46: {  	_ =	shalt  }
0x47: {  	_ =	shalt  }
0x48: {  	_ =	shalt  }
0x49: {  	_ =	shalt  }
0x4a: {  	_ =	shalt  }
0x4b: {  	_ =	shalt  }
0x4c: {  	_ =	shalt  }
0x4d: {  	_ =	shalt  }
0x4e: {  	_ =	shalt  }
0x4f: {  	_ =	shalt  }
0x50: {  	_ =	shalt  }
0x51: {  	_ =	shalt  }
0x52: {  	_ =	shalt  }
0x53: {  	_ =	shalt  }
0x54: {  	_ =	shalt  }
0x55: {  	_ =	shalt  }
0x56: {  	_ =	shalt  }
0x57: {  	_ =	shalt  }
0x58: {  	_ =	shalt  }
0x59: {  	_ =	shalt  }
0x5a: {  	_ =	shalt  }
0x5b: {  	_ =	shalt  }
0x5c: {  	_ =	shalt  }
0x5d: {  	_ =	shalt  }
0x5e: {  	_ =	shalt  }
0x5f: {  	_ =	shalt  }
0x60: {  	_ =	shalt  }
0x61: {  	_ =	shalt  }
0x62: {  	_ =	shalt  }
0x63: {  	_ =	shalt  }
0x64: {  	_ =	shalt  }
0x65: {  	_ =	shalt  }
0x66: {  	_ =	shalt  }
0x67: {  	_ =	shalt  }
0x68: {  	_ =	shalt  }
0x69: {  	_ =	shalt  }
0x6a: {  	_ =	shalt  }
0x6b: {  	_ =	shalt  }
0x6c: {  	_ =	shalt  }
0x6d: {  	_ =	shalt  }
0x6e: {  	_ =	shalt  }
0x6f: {  	_ =	shalt  }
0x70: {  	_ =	shalt  }
0x71: {  	_ =	shalt  }
0x72: {  	_ =	shalt  }
0x73: {  	_ =	shalt  }
0x74: {  	_ =	shalt  }
0x75: {  	_ =	shalt  }
0x76: {  	_ =	shalt  }
0x77: {  	_ =	shalt  }
0x78: {  	_ =	shalt  }
0x79: {  	_ =	shalt  }
0x7a: {  	_ =	shalt  }
0x7b: {  	_ =	shalt  }
0x7c: {  	_ =	shalt  }
0x7d: {  	_ =	shalt  }
0x7e: {  	_ =	shalt  }
0x7f: {  	_ =	shalt  }
0x80: {  	_ =	shalt  }
0x81: {  	_ =	shalt  }
0x82: {  	_ =	shalt  }
0x83: {  	_ =	shalt  }
0x84: {  	_ =	shalt  }
0x85: {  	_ =	shalt  }
0x86: {  	_ =	shalt  }
0x87: {  	_ =	shalt  }
.Lfunc_end0:
.L_simem_size_0:
called_computation.1_lowered:
.L_overlay_start_0:
0x88: {  	s2 =	sld [smem:$0x3FD9]  }
0x89: {  	s3 =	sld [smem:$0x3FFE];
	_ =	sdelay $0x1  }
0x8a: {  	s1 =	srdreg.scid  }
0x8b: {  	s0 =	sand.u32 $0x1, s1  }
0x8c: {  	s16 =	sshll.u32 s0, $0xA;
	s2 =	sadd.s32 s3, s2  }
0x8d: {  	s2 =	sadd.s32 s2, s16  }
0x8e: {  	[smem:$0x3FC0] =	sst s2  }
0x8f: {  	_ = 	snop  }
0x90: {  	(tm) =	ssettm $0x1  }
0x91: {  	s17 =	sld [smem:$0x3FFB];
	_ =	sdelay $0x3  }
0x92: {  	_ =	strace s17  }
0x93: {  	s2 =	sld [smem:$0x3FFC];
	_ =	sdelay $0x3  }
0x94: {  	_ =	strace s2  }
0x95: {  	s2 =	sld [smem:$0x3FFD];
	_ =	sdelay $0x3  }
0x96: {  	_ =	strace s2  }
0x97: {  	_ =	strace $0x8FFFFFFF  }
0x98: {  	s18 =	sld [smem:$0x3FDB];
	_ =	sdelay $0x1  }
0x99: {  	s19 =	simm.s32 $_scs_section_size  }
0x9a: {  	s4 =	simm.s32 $_size__tile_overlayer_lowered;
	s5 =	simm.s32 $_tile_overlayer_lowered  }
0x9b: {  	s22 =	simm.s32 $0x1BFF;
	s21 =	sshll.u32 s5, $0x1;
	s2 =	sadd.s32 s19, s18  }
0x9c: {  	s6 =	simm.s32 $0x0;
	s20 =	sshll.u32 s4, $0x1;
	s4 =	sadd.s32 s21, s2  }
0x9d: {  	[timem:s6], [sflag:s22] =	dma.local [hbm:s4], s20  }
0x9e: {  	_ =	swait.ge [sflag:s22], s20  }
0x9f: {  	s3 =	ssub.s32 $0x0, s20;
	[sflag:s22] =	ssyncset.done $0x0  }
0xa0: {  	[sflag:s22] =	ssyncadd.s32 s3;
	_ =	sdelay $0x1  }
0xa1: {  	s23 =	simm.s32 $0x1B8B  }
0xa2: {  	_ =	swait.ge [sflag:s23], $0x1  }
0xa3: {  	[sflag:s23] =	ssyncset.done $0x0  }
0xa4: {  	s25 =	simm.s32 $0x1B8E;
	s24 =	sld [smem:$0x3FFE];
	[sflag:s23] =	ssyncadd.s32 $0xFFFFFFFF  }
0xa5: {  	s26 =	simm.s32 $execute0_lowered;
	[smem:$0x3FD2] =	sst s25  }
0xa6: {  	s4 =	sshll.u32 s26, $0x1;
	_ =	strace $0x80000049;
	[dreg:$0x1] =	wrdreg $0xFFFFFFFF  }
0xa7: {  	s28 =	simm.s32 $_size_execute0_lowered;
	s2 =	sadd.s32 s2, s4;
	[dreg:$0x0] =	wrdreg $0x0  }
0xa8: {  	s4 =	sshll.u32 s28, $0x1;
	[dreg:$0x2] =	wrdreg s2  }
0xa9: {  	[dreg:$0x3] =	wrdreg s4  }
0xaa: {  	[dreg:$0x4] =	wrdreg $0xC0  }
0xab: {  	_ =	task [dreg:s6], $0x5FFFF  }
0xac: {  	[dreg:$0x1] =	wrdreg $0xFFFFFFFF  }
0xad: {  	[dreg:$0x0] =	wrdreg $0x60  }
0xae: {  	[dreg:$0x2] =	wrdreg s24  }
0xaf: {  	[dreg:$0x3] =	wrdreg $0xB8000  }
0xb0: {  	[dreg:$0x4] =	wrdreg $0x9  }
0xb1: {  	_ =	task.clear_ibuf [dreg:s6], $0x5FFFF;
	_ =	strace $0x90000049  }
0xb2: {  	s29 =	simm.s32 $0x9;
	_ =	strace $0x8000004B  }
0xb3: {  	_ =	swait.ge [sflag:s29], $0x1  }
0xb4: {  	[sflag:s29] =	ssyncadd.s32 $0xFFFFFFFF  }
0xb5: {  	_ =	strace $0x9000004B  }
0xb6: {  	_ =	sfence  }
0xb7: {  	s30 =	sld [smem:$0x0];
	_ =	sdelay $0x2  }
0xb8: {  	s31 =	sshll.u32 s1, $0xD;
	s1 =	sshrl.u32 s1, $0x2  }
0xb9: {  	s3 =	sand.u32 $0x4000, s31;
	s1 =	sadd.s32 s1, s30  }
0xba: {  	s0 =	sor.u32 s3, s0;
	s1 =	sshll.u32 s1, $0x11  }
0xbb: {  	s0 =	sor.u32 s1, s0  }
0xbc: {  	s0 =	sadd.s32 $0x8F2B, s0  }
0xbd: {  	[sflag:s0] =	ssyncadd.remote.s32 $0x1  }
0xbe: {  	_ =	sfence.sel $0xFFFF  }
0xbf: {  	[dreg:$0x0] =	wrdreg $0xFFFFFFFF;
	(pc) =	sbr.abs _section_cstart, $3  }
0xc0: {  	[dreg:$0x1] =	wrdreg $0xFFFFFFFF  }
0xc1: {  	_ =	task.clear_ibuf [dreg:s6], $0x2FFFF;
	_ =	strace $0x9FFFFFFF  }
0xc2: {  	(tm) =	ssettm $0x7FFFFFFF  }
0xc3: {  	_ =	shalt  }
tec
execute0_lowered:
.L_overlay_start_1:
0x0: {  	(tag) =	ssettag $0x1  }
0x1: {  	s0 =	rddreg [dreg:$0x0]  }
0x2: {  	s1 =	rddreg [dreg:$0x1];
	s3 =	simm.s32 $0x0  }
0x3: {  	s2 =	srdreg.scid;
	s12 =	stileid.u32;
	s29 =	simm.s32 $0x9000  }
0x4: {  	s30 =	simm.s32 $0x1;
	s31 =	simm.s32 $0x2;
	[smem:$0x7FF] =	sst s3  }
0x5: {  	s2 =	sand.u32 $0x1, s2;
	s8 =	smul.u32 $0x2800, s12;
	s4 =	sadd.s32 $0xB5400, s0  }
0x6: {  	s5 =	sadd.s32 $0x45400, s0;
	s6 =	sadd.s32 $0x35400, s0;
	s11 =	smul.u32 $0x50000, s12  }
0x7: {  	s21 =	sshll.u32 s12, $0xC;
	s7 =	smul.u32 $0x28000, s2;
	_ =	strace $0x8000004A  }
0x8: {  	s9 =	ssub.s32 $0x2, s2;
	s2 =	sshll.u32 s2, $0x13;
	s22 =	sadd.s32 s6, s21  }
0x9: {  	s21 =	simm.s32 $0x4000;
	s10 =	sshrl.u32 s9, $0x1;
	s11 =	sshrl.u32 s11, $0x2  }
0xa: {  	[dreg:$0x4] =	wrdreg s22;
	s22 =	simm.s32 $0x5;
	s8 =	sadd.s32 s8, s7  }
0xb: {  	s7 =	sshll.u32 s12, $0xF;
	s9 =	ssub.s32 s9, s10;
	s11 =	sadd.s32 s11, s1  }
0xc: {  	s0 =	sadd.s32 s8, s0;
	s8 =	sor.u32 s7, s2;
	s23 =	smax.u32 s9, $0x1  }
0xd: {  	s24 =	sadd.s32 $0x2800, s11;
	s25 =	sadd.s32 $0x5000, s11;
	[dreg:$0x6] =	wrdreg s23  }
0xe: {  	s26 =	sadd.s32 $0x7800, s11;
	s28 =	sadd.s32 $0xA000, s11;
	[dreg:$0x7] =	wrdreg s24  }
0xf: {  	s18 =	sadd.s32 $0xC800, s11;
	s19 =	sadd.s32 $0xF000, s11;
	[dreg:$0x8] =	wrdreg s25  }
0x10: {  	s20 =	sadd.s32 $0x11800, s11;
	s2 =	sshrl.u32 s8, $0x3;
	[dreg:$0x9] =	wrdreg s26  }
0x11: {  	s0 =	sadd.s32 $0x65400, s0;
	[dreg:$0xa] =	wrdreg s28;
	s24 =	simm.s32 $0x50  }
0x12: {  	s26 =	simm.s32 $0x6800;
	s2 =	sadd.s32 s5, s2;
	[dreg:$0x5] =	wrdreg s0  }
0x13: {  	v0 =	vimm.f32 $0.0e+00;
	s23 =	simm.s32 $0x0;
	s0 =	simm.s32 $0x3;
	[dreg:$0x3] =	wrdreg s2  }
.LBB2_1:
0x14: {  	s2 =	simm.s32 $0x70;
	s9 =	simm.s32 $0x3C0  }
.LBB2_2:
0x15: {  	p0 =	sne.s32 s9, $0x9FC0;
	[tilespmem:s2+$0x4000] =	vst v0  }
0x16: {  	[tilespmem:s2+$0x3F90] =	vst v0  }
0x17: {  	[tilespmem:s2+$0x3FA0] =	vst v0  }
.Ltmp0:
0x18: {  	[tilespmem:s2+$0x3FB0] =	vst v0;
	(pc) =	sbr.rel @p0 .LBB2_2-.Ltmp0, $4  }
0x19: {  	[tilespmem:s2+$0x3FC0] =	vst v0  }
0x1a: {  	[tilespmem:s2+$0x3FD0] =	vst v0  }
0x1b: {  	[tilespmem:s2+$0x3FE0] =	vst v0  }
0x1c: {  	[tilespmem:s2+$0x3FF0] =	vst v0;
	s2 =	sshra.s32 s9, $0x2;
	s9 =	sadd.s32 $0x200, s9  }
0x1d: {  	[tilespmem:s2+$0x4000] =	vst v0  }
0x1e: {  	[tilespmem:s2+$0x3F90] =	vst v0  }
0x1f: {  	[tilespmem:s2+$0x3FA0] =	vst v0  }
0x20: {  	[tilespmem:s2+$0x3FB0] =	vst v0  }
0x21: {  	[tilespmem:s2+$0x3FC0] =	vst v0  }
0x22: {  	[tilespmem:s2+$0x3FD0] =	vst v0  }
0x23: {  	[tilespmem:s2+$0x3FE0] =	vst v0  }
0x24: {  	[tilespmem:s2+$0x3FF0] =	vst v0  }
0x25: {  	[spmem:s11] =	stream.linear.scatter [tilespmem:s21], [sflag:$0x5], $0x2800, $0x38;
	[tilespmem:$0x1F800] =	vst v63  }
0x26: {  	_ =	swait.ge [sflag:s22], $0x2800  }
0x27: {  	[sflag:s22] =	ssyncset.done $0x0  }
0x28: {  	s15 =	rddreg [dreg:$0x7];
	[sflag:s22] =	ssyncadd.s32 $0xFFFFD800  }
0x29: {  	[spmem:s15] =	stream.linear.scatter [tilespmem:s21], [sflag:$0x5], $0x2800, $0x38;
	[tilespmem:$0x1F800] =	vst v63  }
0x2a: {  	_ =	swait.ge [sflag:s22], $0x2800  }
0x2b: {  	[sflag:s22] =	ssyncset.done $0x0  }
0x2c: {  	s16 =	rddreg [dreg:$0x8];
	[sflag:s22] =	ssyncadd.s32 $0xFFFFD800  }
0x2d: {  	[spmem:s16] =	stream.linear.scatter [tilespmem:s21], [sflag:$0x5], $0x2800, $0x38;
	[tilespmem:$0x1F800] =	vst v63  }
0x2e: {  	_ =	swait.ge [sflag:s22], $0x2800  }
0x2f: {  	[sflag:s22] =	ssyncset.done $0x0  }
0x30: {  	s17 =	rddreg [dreg:$0x9];
	[sflag:s22] =	ssyncadd.s32 $0xFFFFD800  }
0x31: {  	[spmem:s17] =	stream.linear.scatter [tilespmem:s21], [sflag:$0x5], $0x2800, $0x38;
	[tilespmem:$0x1F800] =	vst v63  }
0x32: {  	_ =	swait.ge [sflag:s22], $0x2800  }
0x33: {  	[sflag:s22] =	ssyncset.done $0x0  }
0x34: {  	s25 =	rddreg [dreg:$0xa];
	[sflag:s22] =	ssyncadd.s32 $0xFFFFD800  }
0x35: {  	[spmem:s25] =	stream.linear.scatter [tilespmem:s21], [sflag:$0x5], $0x2800, $0x38;
	[tilespmem:$0x1F800] =	vst v63  }
0x36: {  	_ =	swait.ge [sflag:s22], $0x2800  }
0x37: {  	[sflag:s22] =	ssyncset.done $0x0  }
0x38: {  	[sflag:s22] =	ssyncadd.s32 $0xFFFFD800  }
0x39: {  	[spmem:s18] =	stream.linear.scatter [tilespmem:s21], [sflag:$0x5], $0x2800, $0x38;
	[tilespmem:$0x1F800] =	vst v63  }
0x3a: {  	_ =	swait.ge [sflag:s22], $0x2800  }
0x3b: {  	[sflag:s22] =	ssyncset.done $0x0  }
0x3c: {  	[sflag:s22] =	ssyncadd.s32 $0xFFFFD800  }
0x3d: {  	[spmem:s19] =	stream.linear.scatter [tilespmem:s21], [sflag:$0x5], $0x2800, $0x38;
	[tilespmem:$0x1F800] =	vst v63  }
0x3e: {  	_ =	swait.ge [sflag:s22], $0x2800  }
0x3f: {  	[sflag:s22] =	ssyncset.done $0x0  }
0x40: {  	[sflag:s22] =	ssyncadd.s32 $0xFFFFD800  }
0x41: {  	[spmem:s20] =	stream.linear.scatter [tilespmem:s21], [sflag:$0x5], $0x2800, $0x38;
	[tilespmem:$0x1F800] =	vst v63  }
0x42: {  	_ =	swait.ge [sflag:s22], $0x2800  }
0x43: {  	[sflag:s22] =	ssyncset.done $0x0  }
0x44: {  	s9 =	rddreg [dreg:$0x3];
	[sflag:s22] =	ssyncadd.s32 $0xFFFFD800  }
0x45: {  	[tilespmem:s3], [sflag:$0x5] =	stream.linear.gather [hbm4b:s9+s3], $0x2000, $0x38;
	[tilespmem:$0x1F800] =	vst v63  }
0x46: {  	s14 =	simm.s32 $0x0;
	_ =	swait.ge [sflag:s22], $0x2000  }
0x47: {  	s2 =	sand.u32 $0x1F, s14;
	[sflag:s22] =	ssyncset.done $0x0  }
0x48: {  	s9 =	simm.s32 $0x2000;
	s10 =	rddreg [dreg:$0x4];
	[sflag:s22] =	ssyncadd.s32 $0xFFFFE000  }
0x49: {  	[tilespmem:s9], [sflag:$0x5] =	stream.linear.gather [hbm4b:s10+s3], $0x2000, $0x38;
	[tilespmem:$0x1F800] =	vst v63  }
0x4a: {  	p0 =	por $0x1, $0x1;
	s9 =	sadd.s32 $0xFFFFFFFD, s2;
	_ =	swait.ge [sflag:s22], $0x2000  }
0x4b: {  	p1 =	sgt.u32 @!p0 s9, $0x2;
	[sflag:s22] =	ssyncset.done $0x0  }
0x4c: {  	s9 =	simm.s32 $0x0;
	p1 =	por p1, p0;
	[sflag:s22] =	ssyncadd.s32 $0xFFFFE000  }
0x4d: {  	s10 =	sand.u32 @!p1 $0xF000, s9;
	[bflag:$0x0] =	sbarrier.arrive $0xFFFF  }
0x4e: {  	[tilespmem:s21], [sflag:$0x1] =	stream.indirect.gather [hbm4b:s4+s24], $0x80, s3, s24, $0xb8;
	[tilespmem:$0x1F800] =	vst v63  }
0x4f: {  	s12 =	simm.s32 $0x80;
	s10 =	sadd.s32 @!p1 $0x1000, s10  }
0x50: {  	[tilespmem:s26], [sflag:$0x2] =	stream.indirect.gather [hbm4b:s4+s24], $0x80, s12, s24, $0xb8;
	[tilespmem:$0x1F800] =	vst v63  }
0x51: {  	s13 =	simm.s32 $0x100;
	s12 =	sadd.s32 @!p1 s8, s10  }
0x52: {  	[tilespmem:s29], [sflag:$0x3] =	stream.indirect.gather [hbm4b:s4+s24], $0x80, s13, s24, $0xb8;
	[tilespmem:$0x1F800] =	vst v63  }
0x53: {  	s12 =	sshrl.u32 @!p1 s12, $0x3;
	s13 =	sand.u32 @!p1 $0x1000, s10;
	s10 =	sadd.s32 @!p1 s7, s10  }
0x54: {  	s25 =	simm.s32 @!p1 $0x0;
	s12 =	sadd.s32 @!p1 s5, s12;
	s10 =	sshrl.u32 @!p1 s10, $0x3  }
0x55: {  	[tilespmem:s13], [sflag:$0x4] =	stream.linear.gather @!p1 [hbm4b:s12+s25], $0x1000, $0x38;
	[tilespmem:$0x1F800] =	vst v63  }
0x56: {  	s12 =	sor.u32 @!p1 $0x2000, s13;
	s10 =	sadd.s32 @!p1 s6, s10  }
0x57: {  	[tilespmem:s12], [sflag:$0x4] =	stream.linear.gather @!p1 [hbm4b:s10+s25], $0x1000, $0x38;
	[tilespmem:$0x1F800] =	vst v63  }
0x58: {  	_ =	swait.ge [sflag:s30], $0x2800  }
0x59: {  	s9 =	sand.u32 $0x1F80, s9;
	[sflag:s30] =	ssyncset.done $0x0  }
0x5a: {  	s9 =	sor.u32 $0x2000, s9;
	[sflag:s30] =	ssyncadd.s32 $0xFFFFD800  }
0x5b: {  	[spmem:s1] =	stream.indirect.scatter.add.f32 [tilespmem:s21], [sflag:$0x1], $0x80, s9, s24, $0xb8;
	[tilespmem:$0x1F800] =	vst v63  }
0x5c: {  	s15 =	simm.s32 $0x80;
	_ =	swait.ge [sflag:s31], $0x2800  }
0x5d: {  	s9 =	sand.u32 $0x1F80, s15;
	[sflag:s31] =	ssyncset.done $0x0  }
0x5e: {  	s2 =	sadd.s32 $0xFFFFFFE8, s2;
	s9 =	sor.u32 $0x2000, s9;
	[sflag:s31] =	ssyncadd.s32 $0xFFFFD800  }
0x5f: {  	[spmem:s1] =	stream.indirect.scatter.add.f32 [tilespmem:s26], [sflag:$0x2], $0x80, s9, s24, $0xb8;
	[tilespmem:$0x1F800] =	vst v63  }
0x60: {  	s16 =	simm.s32 $0x100;
	p1 =	sgt.u32 @!p0 s2, $0x2;
	_ =	swait.ge [sflag:s0], $0x2800  }
0x61: {  	s2 =	sand.u32 $0x1F80, s16;
	p1 =	por p1, p0;
	[sflag:s0] =	ssyncset.done $0x0  }
0x62: {  	s2 =	sor.u32 $0x2000, s2;
	s10 =	simm.s32 @!p1 $0x4;
	[sflag:s0] =	ssyncadd.s32 $0xFFFFD800  }
0x63: {  	[spmem:s1] =	stream.indirect.scatter.add.f32 [tilespmem:s29], [sflag:$0x3], $0x80, s2, s24, $0xb8;
	[tilespmem:$0x1F800] =	vst v63  }
0x64: {  	_ =	swait.ge @!p1 [sflag:s10], $0x1000  }
0x65: {  	s28 =	simm.s32 $0x580;
	s17 =	simm.s32 $0x3;
	[sflag:s10] =	ssyncset.done @!p1 $0x0  }
0x66: {  	s25 =	simm.s32 $0x400;
	s12 =	sand.u32 $0x1F, s17;
	[sflag:s10] =	ssyncadd.s32 @!p1 $0xFFFFF000  }
0x67: {  	p0 =	por $0x1, $0x1;
	s13 =	sadd.s32 $0xFFFFFFFD, s12;
	_ =	swait.ge @!p1 [sflag:s10], $0x1000  }
0x68: {  	s12 =	sadd.s32 $0xFFFFFFE8, s12;
	p2 =	sgt.u32 @!p0 s13, $0x2;
	[sflag:s10] =	ssyncset.done @!p1 $0x0  }
0x69: {  	s13 =	simm.s32 $0x180;
	p3 =	por p2, p0;
	[sflag:s10] =	ssyncadd.s32 @!p1 $0xFFFFF000  }
0x6a: {  	s9 =	simm.s32 $0x280;
	s2 =	simm.s32 $0xFFFFFFE3;
	_ =	swait.ge [sflag:s30], $0x2800  }
0x6b: {  	p1 =	sgt.u32 @!p0 s12, $0x2;
	s10 =	simm.s32 $0x180;
	[sflag:s30] =	ssyncset.done $0x0  }
0x6c: {  	s12 =	sand.u32 @!p3 $0xF000, s10;
	s10 =	sand.u32 $0x1F80, s10;
	[sflag:s30] =	ssyncadd.s32 $0xFFFFD800  }
.LBB2_4:
0x6d: {  	s13 =	sand.u32 $0x1F80, s13;
	s14 =	smov.u32 s28;
	s28 =	sadd.s32 $0x180, s28  }
0x6e: {  	[tilespmem:s21], [sflag:$0x1] =	stream.indirect.gather [hbm4b:s4+s24], $0x80, s13, s24, $0xb8;
	[tilespmem:$0x1F800] =	vst v63  }
0x6f: {  	p2 =	sne.s32 s28, $0x8080;
	s13 =	sadd.s32 $0xFFFFFF80, s9;
	_ =	swait.ge [sflag:s31], $0x2800  }
0x70: {  	s13 =	sand.u32 $0x1F80, s13;
	[sflag:s31] =	ssyncset.done $0x0  }
0x71: {  	s12 =	sadd.s32 @!p3 $0x1000, s12;
	s9 =	sand.u32 $0x1F80, s9;
	[sflag:s31] =	ssyncadd.s32 $0xFFFFD800  }
0x72: {  	[tilespmem:s26], [sflag:$0x2] =	stream.indirect.gather [hbm4b:s4+s24], $0x80, s13, s24, $0xb8;
	[tilespmem:$0x1F800] =	vst v63  }
0x73: {  	s15 =	sand.u32 @!p3 $0x1000, s12;
	s13 =	sadd.s32 @!p3 s8, s12;
	_ =	swait.ge [sflag:s0], $0x2800  }
0x74: {  	s12 =	sadd.s32 @!p3 s7, s12;
	s13 =	sshrl.u32 @!p3 s13, $0x3;
	[sflag:s0] =	ssyncset.done $0x0  }
0x75: {  	s12 =	sshrl.u32 @!p3 s12, $0x3;
	s13 =	sadd.s32 @!p3 s5, s13;
	[sflag:s0] =	ssyncadd.s32 $0xFFFFD800  }
0x76: {  	[tilespmem:s29], [sflag:$0x3] =	stream.indirect.gather [hbm4b:s4+s24], $0x80, s9, s24, $0xb8;
	[tilespmem:$0x1F800] =	vst v63  }
0x77: {  	s16 =	simm.s32 @!p3 $0x0;
	s17 =	sor.u32 @!p3 $0x2000, s15;
	s12 =	sadd.s32 @!p3 s6, s12  }
0x78: {  	[tilespmem:s15], [sflag:$0x4] =	stream.linear.gather @!p3 [hbm4b:s13+s16], $0x1000, $0x38;
	[tilespmem:$0x1F800] =	vst v63  }
0x79: {  	s9 =	smov.u32 s25;
	s25 =	smov.u32 s14  }
0x7a: {  	[tilespmem:s17], [sflag:$0x4] =	stream.linear.gather @!p3 [hbm4b:s12+s16], $0x1000, $0x38;
	[tilespmem:$0x1F800] =	vst v63  }
0x7b: {  	_ =	swait.ge [sflag:s30], $0x2800  }
0x7c: {  	s10 =	sor.u32 $0x2000, s10;
	[sflag:s30] =	ssyncset.done $0x0  }
0x7d: {  	s12 =	sadd.s32 $0xFFFFFE00, s9;
	[sflag:s30] =	ssyncadd.s32 $0xFFFFD800  }
0x7e: {  	[spmem:s1] =	stream.indirect.scatter.add.f32 [tilespmem:s21], [sflag:$0x1], $0x80, s10, s24, $0xb8;
	[tilespmem:$0x1F800] =	vst v63  }
0x7f: {  	s10 =	sand.u32 $0x1F80, s12;
	_ =	swait.ge [sflag:s31], $0x2800  }
0x80: {  	s10 =	sor.u32 $0x2000, s10;
	[sflag:s31] =	ssyncset.done $0x0  }
0x81: {  	s12 =	sadd.s32 $0xFFFFFE80, s9;
	[sflag:s31] =	ssyncadd.s32 $0xFFFFD800  }
0x82: {  	[spmem:s1] =	stream.indirect.scatter.add.f32 [tilespmem:s26], [sflag:$0x2], $0x80, s10, s24, $0xb8;
	[tilespmem:$0x1F800] =	vst v63  }
0x83: {  	s10 =	sand.u32 $0x1F80, s12;
	_ =	swait.ge [sflag:s0], $0x2800  }
0x84: {  	p3 =	por p1, p0;
	s10 =	sor.u32 $0x2000, s10;
	[sflag:s0] =	ssyncset.done $0x0  }
0x85: {  	s12 =	simm.s32 @!p3 $0x4;
	[sflag:s0] =	ssyncadd.s32 $0xFFFFD800  }
0x86: {  	[spmem:s1] =	stream.indirect.scatter.add.f32 [tilespmem:s29], [sflag:$0x3], $0x80, s10, s24, $0xb8;
	[tilespmem:$0x1F800] =	vst v63  }
0x87: {  	s2 =	sadd.s32 $0x3, s2;
	_ =	swait.ge @!p3 [sflag:s12], $0x1000  }
0x88: {  	s10 =	sadd.s32 $0x20, s2;
	[sflag:s12] =	ssyncset.done @!p3 $0x0  }
0x89: {  	s10 =	sand.u32 $0x1F, s10;
	[sflag:s12] =	ssyncadd.s32 @!p3 $0xFFFFF000  }
0x8a: {  	p0 =	sgt.u32 s2, $0xBF;
	s13 =	sadd.s32 $0xFFFFFFFD, s10;
	_ =	swait.ge @!p3 [sflag:s12], $0x1000  }
.Ltmp1:
0x8b: {  	s10 =	sadd.s32 $0xFFFFFFE8, s10;
	[sflag:s12] =	ssyncset.done @!p3 $0x0;
	(pc) =	sbr.rel @p2 .LBB2_4-.Ltmp1, $4  }
0x8c: {  	p4 =	sgt.u32 @!p0 s13, $0x2;
	p1 =	sgt.u32 @!p0 s10, $0x2;
	[sflag:s12] =	ssyncadd.s32 @!p3 $0xFFFFF000  }
0x8d: {  	p3 =	por p4, p0;
	_ =	swait.ge [sflag:s30], $0x2800  }
0x8e: {  	s10 =	sadd.s32 $0xFFFFFD80, s25;
	s13 =	sadd.s32 $0xFFFFFF00, s9;
	[sflag:s30] =	ssyncset.done $0x0  }
0x8f: {  	s12 =	sand.u32 @!p3 $0xF000, s10;
	s10 =	sand.u32 $0x1F80, s10;
	[sflag:s30] =	ssyncadd.s32 $0xFFFFD800  }
0x90: {  	s2 =	sand.u32 $0x1F80, s13  }
0x91: {  	[tilespmem:s21], [sflag:$0x1] =	stream.indirect.gather [hbm4b:s4+s24], $0x80, s2, s24, $0xb8;
	[tilespmem:$0x1F800] =	vst v63  }
0x92: {  	_ =	swait.ge [sflag:s31], $0x2800  }
0x93: {  	s17 =	sadd.s32 $0xFFFFFF80, s9;
	[sflag:s31] =	ssyncset.done $0x0  }
0x94: {  	s2 =	sand.u32 $0x1F80, s17;
	[sflag:s31] =	ssyncadd.s32 $0xFFFFD800  }
0x95: {  	[tilespmem:s26], [sflag:$0x2] =	stream.indirect.gather [hbm4b:s4+s24], $0x80, s2, s24, $0xb8;
	[tilespmem:$0x1F800] =	vst v63  }
0x96: {  	s28 =	sand.u32 $0x1F80, s9;
	s2 =	sadd.s32 @!p3 $0x1000, s12;
	_ =	swait.ge [sflag:s0], $0x2800  }
0x97: {  	s12 =	sadd.s32 @!p3 s8, s2;
	s13 =	sand.u32 @!p3 $0x1000, s2;
	[sflag:s0] =	ssyncset.done $0x0  }
0x98: {  	s2 =	sadd.s32 @!p3 s7, s2;
	s12 =	sshrl.u32 @!p3 s12, $0x3;
	[sflag:s0] =	ssyncadd.s32 $0xFFFFD800  }
0x99: {  	[tilespmem:s29], [sflag:$0x3] =	stream.indirect.gather [hbm4b:s4+s24], $0x80, s28, s24, $0xb8;
	[tilespmem:$0x1F800] =	vst v63  }
0x9a: {  	s2 =	sshrl.u32 @!p3 s2, $0x3;
	s9 =	sadd.s32 @!p3 s5, s12;
	s12 =	simm.s32 @!p3 $0x0  }
0x9b: {  	[tilespmem:s13], [sflag:$0x4] =	stream.linear.gather @!p3 [hbm4b:s9+s12], $0x1000, $0x38;
	[tilespmem:$0x1F800] =	vst v63  }
0x9c: {  	s2 =	sadd.s32 @!p3 s6, s2;
	s9 =	sor.u32 @!p3 $0x2000, s13  }
0x9d: {  	[tilespmem:s9], [sflag:$0x4] =	stream.linear.gather @!p3 [hbm4b:s2+s12], $0x1000, $0x38;
	[tilespmem:$0x1F800] =	vst v63  }
0x9e: {  	_ =	swait.ge [sflag:s30], $0x2800  }
0x9f: {  	[sflag:s30] =	ssyncset.done $0x0  }
0xa0: {  	s9 =	sor.u32 $0x2000, s10;
	[sflag:s30] =	ssyncadd.s32 $0xFFFFD800  }
0xa1: {  	[spmem:s1] =	stream.indirect.scatter.add.f32 [tilespmem:s21], [sflag:$0x1], $0x80, s9, s24, $0xb8;
	[tilespmem:$0x1F800] =	vst v63  }
0xa2: {  	s10 =	sadd.s32 $0xFFFFFE00, s25;
	_ =	swait.ge [sflag:s31], $0x2800  }
0xa3: {  	s2 =	sand.u32 $0x1F80, s10;
	[sflag:s31] =	ssyncset.done $0x0  }
0xa4: {  	s2 =	sor.u32 $0x2000, s2;
	[sflag:s31] =	ssyncadd.s32 $0xFFFFD800  }
0xa5: {  	[spmem:s1] =	stream.indirect.scatter.add.f32 [tilespmem:s26], [sflag:$0x2], $0x80, s2, s24, $0xb8;
	[tilespmem:$0x1F800] =	vst v63  }
0xa6: {  	s12 =	sadd.s32 $0xFFFFFE80, s25;
	_ =	swait.ge [sflag:s0], $0x2800  }
0xa7: {  	p0 =	por p1, p0;
	s2 =	sand.u32 $0x1F80, s12;
	[sflag:s0] =	ssyncset.done $0x0  }
0xa8: {  	s9 =	simm.s32 @!p0 $0x4;
	s2 =	sor.u32 $0x2000, s2;
	[sflag:s0] =	ssyncadd.s32 $0xFFFFD800  }
0xa9: {  	[spmem:s1] =	stream.indirect.scatter.add.f32 [tilespmem:s29], [sflag:$0x3], $0x80, s2, s24, $0xb8;
	[tilespmem:$0x1F800] =	vst v63  }
0xaa: {  	_ =	swait.ge @!p0 [sflag:s9], $0x1000  }
0xab: {  	[sflag:s9] =	ssyncset.done @!p0 $0x0  }
0xac: {  	[sflag:s9] =	ssyncadd.s32 @!p0 $0xFFFFF000  }
0xad: {  	_ =	swait.ge @!p0 [sflag:s9], $0x1000  }
0xae: {  	[sflag:s9] =	ssyncset.done @!p0 $0x0  }
0xaf: {  	[sflag:s9] =	ssyncadd.s32 @!p0 $0xFFFFF000  }
0xb0: {  	_ =	swait.ge [sflag:s30], $0x2800  }
0xb1: {  	s13 =	sadd.s32 $0xFFFFFF00, s25;
	[sflag:s30] =	ssyncset.done $0x0  }
0xb2: {  	s2 =	sand.u32 $0x1F80, s13;
	[sflag:s30] =	ssyncadd.s32 $0xFFFFD800  }
0xb3: {  	[tilespmem:s21], [sflag:$0x1] =	stream.indirect.gather [hbm4b:s4+s24], $0x80, s2, s24, $0xb8;
	[tilespmem:$0x1F800] =	vst v63  }
0xb4: {  	_ =	swait.ge [sflag:s31], $0x2800  }
0xb5: {  	s14 =	sadd.s32 $0xFFFFFF80, s25;
	[sflag:s31] =	ssyncset.done $0x0  }
0xb6: {  	s2 =	sand.u32 $0x1F80, s14;
	[sflag:s31] =	ssyncadd.s32 $0xFFFFD800  }
0xb7: {  	[tilespmem:s26], [sflag:$0x2] =	stream.indirect.gather [hbm4b:s4+s24], $0x80, s2, s24, $0xb8;
	[tilespmem:$0x1F800] =	vst v63  }
0xb8: {  	_ =	swait.ge [sflag:s0], $0x2800  }
0xb9: {  	[sflag:s0] =	ssyncset.done $0x0  }
0xba: {  	s15 =	sand.u32 $0x1F80, s25;
	[sflag:s0] =	ssyncadd.s32 $0xFFFFD800  }
0xbb: {  	[tilespmem:s29], [sflag:$0x3] =	stream.indirect.gather [hbm4b:s4+s24], $0x80, s15, s24, $0xb8;
	[tilespmem:$0x1F800] =	vst v63  }
0xbc: {  	_ =	swait.ge [sflag:s30], $0x2800  }
0xbd: {  	[sflag:s30] =	ssyncset.done $0x0  }
0xbe: {  	[sflag:s30] =	ssyncadd.s32 $0xFFFFD800  }
0xbf: {  	_ =	swait.ge [sflag:s31], $0x2800  }
0xc0: {  	[sflag:s31] =	ssyncset.done $0x0  }
0xc1: {  	[sflag:s31] =	ssyncadd.s32 $0xFFFFD800  }
0xc2: {  	_ =	swait.ge [sflag:s0], $0x2800  }
0xc3: {  	[sflag:s0] =	ssyncset.done $0x0  }
0xc4: {  	s16 =	stileid.u32;
	[sflag:s0] =	ssyncadd.s32 $0xFFFFD800  }
0xc5: {  	s2 =	sshll.u32 s16, $0x6;
	[bflag:$0x0] =	sbarrier.arrive $0xFFFF  }
0xc6: {  	s17 =	sshrl.u32 s11, $0x3;
	s2 =	sor.u32 $0x1C05, s2;
	s25 =	rddreg [dreg:$0x5]  }
0xc7: {  	[hbm:s25], [sflag:s2] =	dma.local [spmem:s17], $0x2800  }
0xc8: {  	_ =	swait.ge [sflag:s22], $0x2800  }
0xc9: {  	s23 =	sadd.s32 $0x1, s23;
	s28 =	rddreg [dreg:$0x6]  }
0xca: {  	p0 =	sne.s32 s23, s28  }
.Ltmp2:
0xcb: {  	_ = 	snop;
	(pc) =	sbr.rel @p0 .LBB2_1-.Ltmp2, $3  }
0xcc: {  	_ =	sdelay $0x1  }
0xcd: {  	[sflag:s22] =	ssyncset.done $0x0  }
0xce: {  	[sflag:s22] =	ssyncadd.s32 $0xFFFFD800  }
0xcf: {  	_ =	sfence.sel $0x180000  }
0xd0: {  	[bflag:$0x0] =	sbarrier.arrive $0xFFFF  }
0xd1: {  	_ =	strace $0x9000004A  }
0xd2: {  	s0 =	stileid.u32;
	[bflag:$0x2] =	sbarrier.arrive $0xFFFF  }
0xd3: {  	p0 =	sne.s32 s0, $0x0;
	s0 =	rddreg [dreg:$0x2]  }
0xd4: {  	s0 =	sadd.s32 @!p0 $0x100000, s0  }
0xd5: {  	[sflag:s0] =	ssyncadd.tile.s32 @!p0 $0x1;
	_ =	shalt  }
.Lfunc_end2:
_tile_overlayer_lowered:
.L_overlay_start_2:
0xd6: {  	(tag) =	ssettag $0x2  }
0xd7: {  	s0 =	rddreg [dreg:$0x0];
	s2 =	stileid.u32  }
0xd8: {  	s1 =	rddreg [dreg:$0x1];
	p0 =	sne.s32 s2, $0x0  }
0xd9: {  	s3 =	rddreg [dreg:$0x2];
	[bflag:$0x3] =	sbarrier.arrive $0xFFFF;
	s2 =	simm.s32 @!p0 $0x1C05  }
0xda: {  	[timem:s3], [sflag:s2] =	dma.local @!p0 [hbm:s0], s1  }
0xdb: {  	s0 =	simm.s32 @!p0 $0x5  }
0xdc: {  	_ =	swait.ge @!p0 [sflag:s0], s1  }
0xdd: {  	s1 =	ssub.s32 @!p0 $0x0, s1;
	[sflag:s0] =	ssyncset.done @!p0 $0x0  }
0xde: {  	[sflag:s0] =	ssyncadd.s32 @!p0 s1  }
0xdf: {  	[bflag:$0x3] =	sbarrier.arrive $0xFFFF  }
0xe0: {  	_ =	shalt  }

// kernel: kernel.16.cloned.1.call-start
scs
__scs_entry_jumppad:
0x0: {  	(pc) =	sbr.rel $0x88, $3  }
0x1: {  	(tag) =	ssettag $0x0;
	lr =	simm.s32 $0x1  }
0x2: {  	[smem:$0x3F99] =	sst lr;
	_ =	strace $0xD0000000  }
0x3: {  	_ = 	snop  }
0x4: {  	_ = 	snop  }
0x5: {  	_ = 	snop  }
0x6: {  	_ = 	snop  }
0x7: {  	_ = 	snop  }
__scs_overlays_trampoline_lowered:
0x8: {  	[smem:$0x3FA8] =	sst s0  }
0x9: {  	[smem:$0x3FA9] =	sst s1  }
0xa: {  	[smem:$0x3FAA] =	sst s2  }
0xb: {  	[smem:$0x3FAB] =	sst s3  }
0xc: {  	[smem:$0x3FAC] =	sst s4  }
0xd: {  	[smem:$0x3FAD] =	sst s5  }
0xe: {  	[smem:$0x3FAE] =	sst s6  }
0xf: {  	[smem:$0x3FAF] =	sst s7  }
0x10: {  	[smem:$0x3FB0] =	sst s8  }
0x11: {  	[smem:$0x3FB1] =	sst s9;
	s0 =	simm.s32 @!p0 $0x0  }
0x12: {  	s1 =	sld [smem:$0x3F97];
	s0 =	simm.s32 @p0 $0x1  }
0x13: {  	[smem:$0x3FB2] =	sst s0;
	s0 =	simm.s32 @!p1 $0x0  }
0x14: {  	s2 =	sld [smem:$0x3F96];
	s0 =	simm.s32 @p1 $0x1  }
0x15: {  	[smem:$0x3FB3] =	sst s0;
	s0 =	simm.s32 @!p2 $0x0  }
0x16: {  	s3 =	sld [smem:$0x3FDB];
	s0 =	simm.s32 @p2 $0x1  }
0x17: {  	s4 =	simm.s32 $0x1BF5;
	[smem:$0x3FB5] =	sst s0  }
0x18: {  	s0 =	sld [smem:$0x3F98];
	_ =	swait.ge [sflag:s4], $0x0  }
0x19: {  	s7 =	sld [smem:$0x3F99]  }
0x1a: {  	s8 =	sadd.s32 $0xFFFFE003, lr  }
0x1b: {  	s9 =	sadd.s32 $0xFFFFFEF7, lr;
	s5 =	simm.s32 $0xFFFFFFFF;
	p2 =	slt.u32 s8, $0xFFFFF086  }
0x1c: {  	p1 =	slt.u32 s9, $0xF7A;
	s5 =	simm.s32 @!p2 $0x0  }
0x1d: {  	s5 =	simm.s32 @p1 $0x1;
	p0 =	seq.s32 s7, s2  }
0x1e: {  	s7 =	smul.u32 @!p0 $0xF7A, s2;
	p2 =	seq.s32 @!p0 s5, $0x0  }
0x1f: {  	s9 =	smul.u32 $0xF7A, s1;
	s8 =	simm.s32 @!p0 $0x1BF5;
	p2 =	por !p2, p0  }
0x20: {  	[sflag:s8] =	ssyncset.s32 @!p0 $0xFFFFF086;
	s6 =	sadd.s32 @!p0 s3, s7;
	s7 =	simm.s32 @!p0 $0x108  }
0x21: {  	s3 =	sadd.s32 s3, s9;
	s6 =	sadd.s32 @!p0 $0x88, s6;
	s7 =	simm.s32 @p2 $0x1082  }
0x22: {  	[simem:s7], [sflag:s8] =	dma.local @!p0 [hbm:s6], $0xF7A  }
0x23: {  	s9 =	sor.u32 $0xD0000000, s2;
	s6 =	simm.s32 $0x108;
	_ =	swait.ge @!p0 [sflag:s8], $0x0  }
0x24: {  	s3 =	sadd.s32 $0x88, s3;
	s6 =	simm.s32 @!p1 $0x1082;
	[sflag:s4] =	ssyncset.s32 $0xFFFFF086  }
0x25: {  	[simem:s6], [sflag:s4] =	dma.local [hbm:s3], $0xF7A  }
0x26: {  	[smem:$0x3F99] =	sst s1;
	(tag) =	ssettag s2;
	_ =	strace s9  }
0x27: {  	s1 =	sld [smem:$0x3FA9]  }
0x28: {  	s2 =	sld [smem:$0x3FAA]  }
0x29: {  	s4 =	sld [smem:$0x3FAC]  }
0x2a: {  	p0 =	seq.s32 s5, $0x0;
	s5 =	sld [smem:$0x3FAD]  }
0x2b: {  	s6 =	sld [smem:$0x3FAE]  }
0x2c: {  	s7 =	sld [smem:$0x3FAF]  }
0x2d: {  	s3 =	simm.s32 $0x108;
	s8 =	sld [smem:$0x3FB0]  }
0x2e: {  	s3 =	simm.s32 @!p0 $0x1082;
	s9 =	sld [smem:$0x3FB1]  }
0x2f: {  	lr =	sadd.s32 s0, s3;
	s0 =	sld [smem:$0x3FA8]  }
0x30: {  	s3 =	sld [smem:$0x3FAB]  }
0x31: {  	[smem:$0x3FB4] =	sst s10  }
0x32: {  	s10 =	sld [smem:$0x3FB2];
	_ =	sdelay $0x3  }
0x33: {  	p0 =	seq.s32 s10, $0x1;
	s10 =	sld [smem:$0x3FB4];
	_ =	sdelay $0x3  }
0x34: {  	[smem:$0x3FB4] =	sst s10  }
0x35: {  	s10 =	sld [smem:$0x3FB3];
	_ =	sdelay $0x3  }
0x36: {  	p1 =	seq.s32 s10, $0x1;
	s10 =	sld [smem:$0x3FB4];
	_ =	sdelay $0x3  }
0x37: {  	[smem:$0x3FB4] =	sst s10  }
0x38: {  	s10 =	sld [smem:$0x3FB5]  }
0x39: {  	_ = 	snop;
	(pc) =	sbr.ind lr, $3  }
0x3a: {  	_ = 	snop  }
0x3b: {  	_ = 	snop  }
0x3c: {  	p2 =	seq.s32 s10, $0x1;
	s10 =	sld [smem:$0x3FB4]  }
0x3d: {  	_ =	shalt  }
0x3e: {  	_ =	shalt  }
0x3f: {  	_ =	shalt  }
0x40: {  	_ =	shalt  }
0x41: {  	_ =	shalt  }
0x42: {  	_ =	shalt  }
0x43: {  	_ =	shalt  }
0x44: {  	_ =	shalt  }
0x45: {  	_ =	shalt  }
0x46: {  	_ =	shalt  }
0x47: {  	_ =	shalt  }
0x48: {  	_ =	shalt  }
0x49: {  	_ =	shalt  }
0x4a: {  	_ =	shalt  }
0x4b: {  	_ =	shalt  }
0x4c: {  	_ =	shalt  }
0x4d: {  	_ =	shalt  }
0x4e: {  	_ =	shalt  }
0x4f: {  	_ =	shalt  }
0x50: {  	_ =	shalt  }
0x51: {  	_ =	shalt  }
0x52: {  	_ =	shalt  }
0x53: {  	_ =	shalt  }
0x54: {  	_ =	shalt  }
0x55: {  	_ =	shalt  }
0x56: {  	_ =	shalt  }
0x57: {  	_ =	shalt  }
0x58: {  	_ =	shalt  }
0x59: {  	_ =	shalt  }
0x5a: {  	_ =	shalt  }
0x5b: {  	_ =	shalt  }
0x5c: {  	_ =	shalt  }
0x5d: {  	_ =	shalt  }
0x5e: {  	_ =	shalt  }
0x5f: {  	_ =	shalt  }
0x60: {  	_ =	shalt  }
0x61: {  	_ =	shalt  }
0x62: {  	_ =	shalt  }
0x63: {  	_ =	shalt  }
0x64: {  	_ =	shalt  }
0x65: {  	_ =	shalt  }
0x66: {  	_ =	shalt  }
0x67: {  	_ =	shalt  }
0x68: {  	_ =	shalt  }
0x69: {  	_ =	shalt  }
0x6a: {  	_ =	shalt  }
0x6b: {  	_ =	shalt  }
0x6c: {  	_ =	shalt  }
0x6d: {  	_ =	shalt  }
0x6e: {  	_ =	shalt  }
0x6f: {  	_ =	shalt  }
0x70: {  	_ =	shalt  }
0x71: {  	_ =	shalt  }
0x72: {  	_ =	shalt  }
0x73: {  	_ =	shalt  }
0x74: {  	_ =	shalt  }
0x75: {  	_ =	shalt  }
0x76: {  	_ =	shalt  }
0x77: {  	_ =	shalt  }
0x78: {  	_ =	shalt  }
0x79: {  	_ =	shalt  }
0x7a: {  	_ =	shalt  }
0x7b: {  	_ =	shalt  }
0x7c: {  	_ =	shalt  }
0x7d: {  	_ =	shalt  }
0x7e: {  	_ =	shalt  }
0x7f: {  	_ =	shalt  }
0x80: {  	_ =	shalt  }
0x81: {  	_ =	shalt  }
0x82: {  	_ =	shalt  }
0x83: {  	_ =	shalt  }
0x84: {  	_ =	shalt  }
0x85: {  	_ =	shalt  }
0x86: {  	_ =	shalt  }
0x87: {  	_ =	shalt  }
.Lfunc_end0:
.L_simem_size_0:
called_computation.2_lowered:
.L_overlay_start_0:
0x88: {  	s2 =	sld [smem:$0x3FD9]  }
0x89: {  	s3 =	sld [smem:$0x3FFE];
	_ =	sdelay $0x1  }
0x8a: {  	s1 =	srdreg.scid  }
0x8b: {  	s0 =	sand.u32 $0x1, s1  }
0x8c: {  	s16 =	sshll.u32 s0, $0xA;
	s2 =	sadd.s32 s3, s2  }
0x8d: {  	s2 =	sadd.s32 s2, s16  }
0x8e: {  	[smem:$0x3FC0] =	sst s2  }
0x8f: {  	_ = 	snop  }
0x90: {  	(tm) =	ssettm $0x1  }
0x91: {  	s17 =	sld [smem:$0x3FFB];
	_ =	sdelay $0x3  }
0x92: {  	_ =	strace s17  }
0x93: {  	s2 =	sld [smem:$0x3FFC];
	_ =	sdelay $0x3  }
0x94: {  	_ =	strace s2  }
0x95: {  	s2 =	sld [smem:$0x3FFD];
	_ =	sdelay $0x3  }
0x96: {  	_ =	strace s2  }
0x97: {  	_ =	strace $0x8FFFFFFF  }
0x98: {  	s18 =	sld [smem:$0x3FDB];
	_ =	sdelay $0x1  }
0x99: {  	s19 =	simm.s32 $_scs_section_size  }
0x9a: {  	s4 =	simm.s32 $_size__tile_overlayer_lowered;
	s5 =	simm.s32 $_tile_overlayer_lowered  }
0x9b: {  	s22 =	simm.s32 $0x1BFF;
	s21 =	sshll.u32 s5, $0x1;
	s2 =	sadd.s32 s19, s18  }
0x9c: {  	s6 =	simm.s32 $0x0;
	s20 =	sshll.u32 s4, $0x1;
	s4 =	sadd.s32 s21, s2  }
0x9d: {  	[timem:s6], [sflag:s22] =	dma.local [hbm:s4], s20  }
0x9e: {  	_ =	swait.ge [sflag:s22], s20  }
0x9f: {  	s3 =	ssub.s32 $0x0, s20;
	[sflag:s22] =	ssyncset.done $0x0  }
0xa0: {  	[sflag:s22] =	ssyncadd.s32 s3;
	_ =	sdelay $0x1  }
0xa1: {  	s23 =	simm.s32 $0x1B8B  }
0xa2: {  	_ =	swait.ge [sflag:s23], $0x1  }
0xa3: {  	[sflag:s23] =	ssyncset.done $0x0  }
0xa4: {  	s25 =	simm.s32 $0x1B8E;
	s24 =	sld [smem:$0x3FFE];
	[sflag:s23] =	ssyncadd.s32 $0xFFFFFFFF  }
0xa5: {  	s26 =	simm.s32 $execute0_lowered;
	[smem:$0x3FD2] =	sst s25  }
0xa6: {  	s4 =	sshll.u32 s26, $0x1;
	_ =	strace $0x8000004C;
	[dreg:$0x1] =	wrdreg $0xFFFFFFFF  }
0xa7: {  	s28 =	simm.s32 $_size_execute0_lowered;
	s2 =	sadd.s32 s2, s4;
	[dreg:$0x0] =	wrdreg $0x0  }
0xa8: {  	s4 =	sshll.u32 s28, $0x1;
	[dreg:$0x2] =	wrdreg s2  }
0xa9: {  	[dreg:$0x3] =	wrdreg s4  }
0xaa: {  	[dreg:$0x4] =	wrdreg $0xC0  }
0xab: {  	_ =	task [dreg:s6], $0x5FFFF  }
0xac: {  	[dreg:$0x1] =	wrdreg $0xFFFFFFFF  }
0xad: {  	[dreg:$0x0] =	wrdreg $0x60  }
0xae: {  	[dreg:$0x2] =	wrdreg s24  }
0xaf: {  	[dreg:$0x3] =	wrdreg $0xB8000  }
0xb0: {  	[dreg:$0x4] =	wrdreg $0x9  }
0xb1: {  	_ =	task.clear_ibuf [dreg:s6], $0x5FFFF;
	_ =	strace $0x9000004C  }
0xb2: {  	s29 =	simm.s32 $0x9;
	_ =	strace $0x8000004E  }
0xb3: {  	_ =	swait.ge [sflag:s29], $0x1  }
0xb4: {  	[sflag:s29] =	ssyncadd.s32 $0xFFFFFFFF  }
0xb5: {  	_ =	strace $0x9000004E  }
0xb6: {  	_ =	sfence  }
0xb7: {  	s30 =	sld [smem:$0x0];
	_ =	sdelay $0x2  }
0xb8: {  	s31 =	sshll.u32 s1, $0xD;
	s1 =	sshrl.u32 s1, $0x2  }
0xb9: {  	s3 =	sand.u32 $0x4000, s31;
	s1 =	sadd.s32 s1, s30  }
0xba: {  	s0 =	sor.u32 s3, s0;
	s1 =	sshll.u32 s1, $0x11  }
0xbb: {  	s0 =	sor.u32 s1, s0  }
0xbc: {  	s0 =	sadd.s32 $0x8F2B, s0  }
0xbd: {  	[sflag:s0] =	ssyncadd.remote.s32 $0x1  }
0xbe: {  	_ =	sfence.sel $0xFFFF  }
0xbf: {  	[dreg:$0x0] =	wrdreg $0xFFFFFFFF;
	(pc) =	sbr.abs _section_cstart, $3  }
0xc0: {  	[dreg:$0x1] =	wrdreg $0xFFFFFFFF  }
0xc1: {  	_ =	task.clear_ibuf [dreg:s6], $0x2FFFF;
	_ =	strace $0x9FFFFFFF  }
0xc2: {  	(tm) =	ssettm $0x7FFFFFFF  }
0xc3: {  	_ =	shalt  }
tec
execute0_lowered:
.L_overlay_start_1:
0x0: {  	(tag) =	ssettag $0x1  }
0x1: {  	s0 =	rddreg [dreg:$0x0]  }
0x2: {  	s1 =	rddreg [dreg:$0x1];
	s3 =	simm.s32 $0x0  }
0x3: {  	s2 =	srdreg.scid;
	s12 =	stileid.u32;
	s29 =	simm.s32 $0x9000  }
0x4: {  	s30 =	simm.s32 $0x1;
	s31 =	simm.s32 $0x2;
	[smem:$0x7FF] =	sst s3  }
0x5: {  	s2 =	sand.u32 $0x1, s2;
	s8 =	smul.u32 $0x2800, s12;
	s4 =	sadd.s32 $0x65400, s0  }
0x6: {  	s5 =	sadd.s32 $0x45400, s0;
	s6 =	sadd.s32 $0x35400, s0;
	s11 =	smul.u32 $0x50000, s12  }
0x7: {  	s21 =	sshll.u32 s12, $0xC;
	s7 =	smul.u32 $0x28000, s2;
	_ =	strace $0x8000004D  }
0x8: {  	s9 =	ssub.s32 $0x2, s2;
	s2 =	sshll.u32 s2, $0x13;
	s22 =	sadd.s32 s6, s21  }
0x9: {  	s21 =	simm.s32 $0x4000;
	s10 =	sshrl.u32 s9, $0x1;
	s11 =	sshrl.u32 s11, $0x2  }
0xa: {  	[dreg:$0x4] =	wrdreg s22;
	s22 =	simm.s32 $0x5;
	s8 =	sadd.s32 s8, s7  }
0xb: {  	s7 =	sshll.u32 s12, $0xF;
	s9 =	ssub.s32 s9, s10;
	s11 =	sadd.s32 s11, s1  }
0xc: {  	s0 =	sadd.s32 s8, s0;
	s8 =	sor.u32 s7, s2;
	s23 =	smax.u32 s9, $0x1  }
0xd: {  	s24 =	sadd.s32 $0x2800, s11;
	s25 =	sadd.s32 $0x5000, s11;
	[dreg:$0x6] =	wrdreg s23  }
0xe: {  	s26 =	sadd.s32 $0x7800, s11;
	s28 =	sadd.s32 $0xA000, s11;
	[dreg:$0x7] =	wrdreg s24  }
0xf: {  	s18 =	sadd.s32 $0xC800, s11;
	s19 =	sadd.s32 $0xF000, s11;
	[dreg:$0x8] =	wrdreg s25  }
0x10: {  	s20 =	sadd.s32 $0x11800, s11;
	s2 =	sshrl.u32 s8, $0x3;
	[dreg:$0x9] =	wrdreg s26  }
0x11: {  	s0 =	sadd.s32 $0xB5400, s0;
	[dreg:$0xa] =	wrdreg s28;
	s24 =	simm.s32 $0x50  }
0x12: {  	s26 =	simm.s32 $0x6800;
	s2 =	sadd.s32 s5, s2;
	[dreg:$0x5] =	wrdreg s0  }
0x13: {  	v0 =	vimm.f32 $0.0e+00;
	s23 =	simm.s32 $0x0;
	s0 =	simm.s32 $0x3;
	[dreg:$0x3] =	wrdreg s2  }
.LBB2_1:
0x14: {  	s2 =	simm.s32 $0x70;
	s9 =	simm.s32 $0x3C0  }
.LBB2_2:
0x15: {  	p0 =	sne.s32 s9, $0x9FC0;
	[tilespmem:s2+$0x4000] =	vst v0  }
0x16: {  	[tilespmem:s2+$0x3F90] =	vst v0  }
0x17: {  	[tilespmem:s2+$0x3FA0] =	vst v0  }
.Ltmp0:
0x18: {  	[tilespmem:s2+$0x3FB0] =	vst v0;
	(pc) =	sbr.rel @p0 .LBB2_2-.Ltmp0, $4  }
0x19: {  	[tilespmem:s2+$0x3FC0] =	vst v0  }
0x1a: {  	[tilespmem:s2+$0x3FD0] =	vst v0  }
0x1b: {  	[tilespmem:s2+$0x3FE0] =	vst v0  }
0x1c: {  	[tilespmem:s2+$0x3FF0] =	vst v0;
	s2 =	sshra.s32 s9, $0x2;
	s9 =	sadd.s32 $0x200, s9  }
0x1d: {  	[tilespmem:s2+$0x4000] =	vst v0  }
0x1e: {  	[tilespmem:s2+$0x3F90] =	vst v0  }
0x1f: {  	[tilespmem:s2+$0x3FA0] =	vst v0  }
0x20: {  	[tilespmem:s2+$0x3FB0] =	vst v0  }
0x21: {  	[tilespmem:s2+$0x3FC0] =	vst v0  }
0x22: {  	[tilespmem:s2+$0x3FD0] =	vst v0  }
0x23: {  	[tilespmem:s2+$0x3FE0] =	vst v0  }
0x24: {  	[tilespmem:s2+$0x3FF0] =	vst v0  }
0x25: {  	[spmem:s11] =	stream.linear.scatter [tilespmem:s21], [sflag:$0x5], $0x2800, $0x38;
	[tilespmem:$0x1F800] =	vst v63  }
0x26: {  	_ =	swait.ge [sflag:s22], $0x2800  }
0x27: {  	[sflag:s22] =	ssyncset.done $0x0  }
0x28: {  	s15 =	rddreg [dreg:$0x7];
	[sflag:s22] =	ssyncadd.s32 $0xFFFFD800  }
0x29: {  	[spmem:s15] =	stream.linear.scatter [tilespmem:s21], [sflag:$0x5], $0x2800, $0x38;
	[tilespmem:$0x1F800] =	vst v63  }
0x2a: {  	_ =	swait.ge [sflag:s22], $0x2800  }
0x2b: {  	[sflag:s22] =	ssyncset.done $0x0  }
0x2c: {  	s16 =	rddreg [dreg:$0x8];
	[sflag:s22] =	ssyncadd.s32 $0xFFFFD800  }
0x2d: {  	[spmem:s16] =	stream.linear.scatter [tilespmem:s21], [sflag:$0x5], $0x2800, $0x38;
	[tilespmem:$0x1F800] =	vst v63  }
0x2e: {  	_ =	swait.ge [sflag:s22], $0x2800  }
0x2f: {  	[sflag:s22] =	ssyncset.done $0x0  }
0x30: {  	s17 =	rddreg [dreg:$0x9];
	[sflag:s22] =	ssyncadd.s32 $0xFFFFD800  }
0x31: {  	[spmem:s17] =	stream.linear.scatter [tilespmem:s21], [sflag:$0x5], $0x2800, $0x38;
	[tilespmem:$0x1F800] =	vst v63  }
0x32: {  	_ =	swait.ge [sflag:s22], $0x2800  }
0x33: {  	[sflag:s22] =	ssyncset.done $0x0  }
0x34: {  	s25 =	rddreg [dreg:$0xa];
	[sflag:s22] =	ssyncadd.s32 $0xFFFFD800  }
0x35: {  	[spmem:s25] =	stream.linear.scatter [tilespmem:s21], [sflag:$0x5], $0x2800, $0x38;
	[tilespmem:$0x1F800] =	vst v63  }
0x36: {  	_ =	swait.ge [sflag:s22], $0x2800  }
0x37: {  	[sflag:s22] =	ssyncset.done $0x0  }
0x38: {  	[sflag:s22] =	ssyncadd.s32 $0xFFFFD800  }
0x39: {  	[spmem:s18] =	stream.linear.scatter [tilespmem:s21], [sflag:$0x5], $0x2800, $0x38;
	[tilespmem:$0x1F800] =	vst v63  }
0x3a: {  	_ =	swait.ge [sflag:s22], $0x2800  }
0x3b: {  	[sflag:s22] =	ssyncset.done $0x0  }
0x3c: {  	[sflag:s22] =	ssyncadd.s32 $0xFFFFD800  }
0x3d: {  	[spmem:s19] =	stream.linear.scatter [tilespmem:s21], [sflag:$0x5], $0x2800, $0x38;
	[tilespmem:$0x1F800] =	vst v63  }
0x3e: {  	_ =	swait.ge [sflag:s22], $0x2800  }
0x3f: {  	[sflag:s22] =	ssyncset.done $0x0  }
0x40: {  	[sflag:s22] =	ssyncadd.s32 $0xFFFFD800  }
0x41: {  	[spmem:s20] =	stream.linear.scatter [tilespmem:s21], [sflag:$0x5], $0x2800, $0x38;
	[tilespmem:$0x1F800] =	vst v63  }
0x42: {  	_ =	swait.ge [sflag:s22], $0x2800  }
0x43: {  	[sflag:s22] =	ssyncset.done $0x0  }
0x44: {  	s9 =	rddreg [dreg:$0x3];
	[sflag:s22] =	ssyncadd.s32 $0xFFFFD800  }
0x45: {  	[tilespmem:s3], [sflag:$0x5] =	stream.linear.gather [hbm4b:s9+s3], $0x2000, $0x38;
	[tilespmem:$0x1F800] =	vst v63  }
0x46: {  	s14 =	simm.s32 $0x0;
	_ =	swait.ge [sflag:s22], $0x2000  }
0x47: {  	s2 =	sand.u32 $0x1F, s14;
	[sflag:s22] =	ssyncset.done $0x0  }
0x48: {  	s9 =	simm.s32 $0x2000;
	s10 =	rddreg [dreg:$0x4];
	[sflag:s22] =	ssyncadd.s32 $0xFFFFE000  }
0x49: {  	[tilespmem:s9], [sflag:$0x5] =	stream.linear.gather [hbm4b:s10+s3], $0x2000, $0x38;
	[tilespmem:$0x1F800] =	vst v63  }
0x4a: {  	p0 =	por $0x1, $0x1;
	s9 =	sadd.s32 $0xFFFFFFFD, s2;
	_ =	swait.ge [sflag:s22], $0x2000  }
0x4b: {  	p1 =	sgt.u32 @!p0 s9, $0x2;
	[sflag:s22] =	ssyncset.done $0x0  }
0x4c: {  	s9 =	simm.s32 $0x0;
	p1 =	por p1, p0;
	[sflag:s22] =	ssyncadd.s32 $0xFFFFE000  }
0x4d: {  	s10 =	sand.u32 @!p1 $0xF000, s9;
	[bflag:$0x0] =	sbarrier.arrive $0xFFFF  }
0x4e: {  	[tilespmem:s21], [sflag:$0x1] =	stream.indirect.gather [hbm4b:s4+s24], $0x80, s3, s24, $0xb8;
	[tilespmem:$0x1F800] =	vst v63  }
0x4f: {  	s12 =	simm.s32 $0x80;
	s10 =	sadd.s32 @!p1 $0x1000, s10  }
0x50: {  	[tilespmem:s26], [sflag:$0x2] =	stream.indirect.gather [hbm4b:s4+s24], $0x80, s12, s24, $0xb8;
	[tilespmem:$0x1F800] =	vst v63  }
0x51: {  	s13 =	simm.s32 $0x100;
	s12 =	sadd.s32 @!p1 s8, s10  }
0x52: {  	[tilespmem:s29], [sflag:$0x3] =	stream.indirect.gather [hbm4b:s4+s24], $0x80, s13, s24, $0xb8;
	[tilespmem:$0x1F800] =	vst v63  }
0x53: {  	s12 =	sshrl.u32 @!p1 s12, $0x3;
	s13 =	sand.u32 @!p1 $0x1000, s10;
	s10 =	sadd.s32 @!p1 s7, s10  }
0x54: {  	s25 =	simm.s32 @!p1 $0x0;
	s12 =	sadd.s32 @!p1 s5, s12;
	s10 =	sshrl.u32 @!p1 s10, $0x3  }
0x55: {  	[tilespmem:s13], [sflag:$0x4] =	stream.linear.gather @!p1 [hbm4b:s12+s25], $0x1000, $0x38;
	[tilespmem:$0x1F800] =	vst v63  }
0x56: {  	s12 =	sor.u32 @!p1 $0x2000, s13;
	s10 =	sadd.s32 @!p1 s6, s10  }
0x57: {  	[tilespmem:s12], [sflag:$0x4] =	stream.linear.gather @!p1 [hbm4b:s10+s25], $0x1000, $0x38;
	[tilespmem:$0x1F800] =	vst v63  }
0x58: {  	_ =	swait.ge [sflag:s30], $0x2800  }
0x59: {  	s9 =	sand.u32 $0x1F80, s9;
	[sflag:s30] =	ssyncset.done $0x0  }
0x5a: {  	s9 =	sor.u32 $0x2000, s9;
	[sflag:s30] =	ssyncadd.s32 $0xFFFFD800  }
0x5b: {  	[spmem:s1] =	stream.indirect.scatter.add.f32 [tilespmem:s21], [sflag:$0x1], $0x80, s9, s24, $0xb8;
	[tilespmem:$0x1F800] =	vst v63  }
0x5c: {  	s15 =	simm.s32 $0x80;
	_ =	swait.ge [sflag:s31], $0x2800  }
0x5d: {  	s9 =	sand.u32 $0x1F80, s15;
	[sflag:s31] =	ssyncset.done $0x0  }
0x5e: {  	s2 =	sadd.s32 $0xFFFFFFE8, s2;
	s9 =	sor.u32 $0x2000, s9;
	[sflag:s31] =	ssyncadd.s32 $0xFFFFD800  }
0x5f: {  	[spmem:s1] =	stream.indirect.scatter.add.f32 [tilespmem:s26], [sflag:$0x2], $0x80, s9, s24, $0xb8;
	[tilespmem:$0x1F800] =	vst v63  }
0x60: {  	s16 =	simm.s32 $0x100;
	p1 =	sgt.u32 @!p0 s2, $0x2;
	_ =	swait.ge [sflag:s0], $0x2800  }
0x61: {  	s2 =	sand.u32 $0x1F80, s16;
	p1 =	por p1, p0;
	[sflag:s0] =	ssyncset.done $0x0  }
0x62: {  	s2 =	sor.u32 $0x2000, s2;
	s10 =	simm.s32 @!p1 $0x4;
	[sflag:s0] =	ssyncadd.s32 $0xFFFFD800  }
0x63: {  	[spmem:s1] =	stream.indirect.scatter.add.f32 [tilespmem:s29], [sflag:$0x3], $0x80, s2, s24, $0xb8;
	[tilespmem:$0x1F800] =	vst v63  }
0x64: {  	_ =	swait.ge @!p1 [sflag:s10], $0x1000  }
0x65: {  	s28 =	simm.s32 $0x580;
	s17 =	simm.s32 $0x3;
	[sflag:s10] =	ssyncset.done @!p1 $0x0  }
0x66: {  	s25 =	simm.s32 $0x400;
	s12 =	sand.u32 $0x1F, s17;
	[sflag:s10] =	ssyncadd.s32 @!p1 $0xFFFFF000  }
0x67: {  	p0 =	por $0x1, $0x1;
	s13 =	sadd.s32 $0xFFFFFFFD, s12;
	_ =	swait.ge @!p1 [sflag:s10], $0x1000  }
0x68: {  	s12 =	sadd.s32 $0xFFFFFFE8, s12;
	p2 =	sgt.u32 @!p0 s13, $0x2;
	[sflag:s10] =	ssyncset.done @!p1 $0x0  }
0x69: {  	s13 =	simm.s32 $0x180;
	p3 =	por p2, p0;
	[sflag:s10] =	ssyncadd.s32 @!p1 $0xFFFFF000  }
0x6a: {  	s9 =	simm.s32 $0x280;
	s2 =	simm.s32 $0xFFFFFFE3;
	_ =	swait.ge [sflag:s30], $0x2800  }
0x6b: {  	p1 =	sgt.u32 @!p0 s12, $0x2;
	s10 =	simm.s32 $0x180;
	[sflag:s30] =	ssyncset.done $0x0  }
0x6c: {  	s12 =	sand.u32 @!p3 $0xF000, s10;
	s10 =	sand.u32 $0x1F80, s10;
	[sflag:s30] =	ssyncadd.s32 $0xFFFFD800  }
.LBB2_4:
0x6d: {  	s13 =	sand.u32 $0x1F80, s13;
	s14 =	smov.u32 s28;
	s28 =	sadd.s32 $0x180, s28  }
0x6e: {  	[tilespmem:s21], [sflag:$0x1] =	stream.indirect.gather [hbm4b:s4+s24], $0x80, s13, s24, $0xb8;
	[tilespmem:$0x1F800] =	vst v63  }
0x6f: {  	p2 =	sne.s32 s28, $0x8080;
	s13 =	sadd.s32 $0xFFFFFF80, s9;
	_ =	swait.ge [sflag:s31], $0x2800  }
0x70: {  	s13 =	sand.u32 $0x1F80, s13;
	[sflag:s31] =	ssyncset.done $0x0  }
0x71: {  	s12 =	sadd.s32 @!p3 $0x1000, s12;
	s9 =	sand.u32 $0x1F80, s9;
	[sflag:s31] =	ssyncadd.s32 $0xFFFFD800  }
0x72: {  	[tilespmem:s26], [sflag:$0x2] =	stream.indirect.gather [hbm4b:s4+s24], $0x80, s13, s24, $0xb8;
	[tilespmem:$0x1F800] =	vst v63  }
0x73: {  	s15 =	sand.u32 @!p3 $0x1000, s12;
	s13 =	sadd.s32 @!p3 s8, s12;
	_ =	swait.ge [sflag:s0], $0x2800  }
0x74: {  	s12 =	sadd.s32 @!p3 s7, s12;
	s13 =	sshrl.u32 @!p3 s13, $0x3;
	[sflag:s0] =	ssyncset.done $0x0  }
0x75: {  	s12 =	sshrl.u32 @!p3 s12, $0x3;
	s13 =	sadd.s32 @!p3 s5, s13;
	[sflag:s0] =	ssyncadd.s32 $0xFFFFD800  }
0x76: {  	[tilespmem:s29], [sflag:$0x3] =	stream.indirect.gather [hbm4b:s4+s24], $0x80, s9, s24, $0xb8;
	[tilespmem:$0x1F800] =	vst v63  }
0x77: {  	s16 =	simm.s32 @!p3 $0x0;
	s17 =	sor.u32 @!p3 $0x2000, s15;
	s12 =	sadd.s32 @!p3 s6, s12  }
0x78: {  	[tilespmem:s15], [sflag:$0x4] =	stream.linear.gather @!p3 [hbm4b:s13+s16], $0x1000, $0x38;
	[tilespmem:$0x1F800] =	vst v63  }
0x79: {  	s9 =	smov.u32 s25;
	s25 =	smov.u32 s14  }
0x7a: {  	[tilespmem:s17], [sflag:$0x4] =	stream.linear.gather @!p3 [hbm4b:s12+s16], $0x1000, $0x38;
	[tilespmem:$0x1F800] =	vst v63  }
0x7b: {  	_ =	swait.ge [sflag:s30], $0x2800  }
0x7c: {  	s10 =	sor.u32 $0x2000, s10;
	[sflag:s30] =	ssyncset.done $0x0  }
0x7d: {  	s12 =	sadd.s32 $0xFFFFFE00, s9;
	[sflag:s30] =	ssyncadd.s32 $0xFFFFD800  }
0x7e: {  	[spmem:s1] =	stream.indirect.scatter.add.f32 [tilespmem:s21], [sflag:$0x1], $0x80, s10, s24, $0xb8;
	[tilespmem:$0x1F800] =	vst v63  }
0x7f: {  	s10 =	sand.u32 $0x1F80, s12;
	_ =	swait.ge [sflag:s31], $0x2800  }
0x80: {  	s10 =	sor.u32 $0x2000, s10;
	[sflag:s31] =	ssyncset.done $0x0  }
0x81: {  	s12 =	sadd.s32 $0xFFFFFE80, s9;
	[sflag:s31] =	ssyncadd.s32 $0xFFFFD800  }
0x82: {  	[spmem:s1] =	stream.indirect.scatter.add.f32 [tilespmem:s26], [sflag:$0x2], $0x80, s10, s24, $0xb8;
	[tilespmem:$0x1F800] =	vst v63  }
0x83: {  	s10 =	sand.u32 $0x1F80, s12;
	_ =	swait.ge [sflag:s0], $0x2800  }
0x84: {  	p3 =	por p1, p0;
	s10 =	sor.u32 $0x2000, s10;
	[sflag:s0] =	ssyncset.done $0x0  }
0x85: {  	s12 =	simm.s32 @!p3 $0x4;
	[sflag:s0] =	ssyncadd.s32 $0xFFFFD800  }
0x86: {  	[spmem:s1] =	stream.indirect.scatter.add.f32 [tilespmem:s29], [sflag:$0x3], $0x80, s10, s24, $0xb8;
	[tilespmem:$0x1F800] =	vst v63  }
0x87: {  	s2 =	sadd.s32 $0x3, s2;
	_ =	swait.ge @!p3 [sflag:s12], $0x1000  }
0x88: {  	s10 =	sadd.s32 $0x20, s2;
	[sflag:s12] =	ssyncset.done @!p3 $0x0  }
0x89: {  	s10 =	sand.u32 $0x1F, s10;
	[sflag:s12] =	ssyncadd.s32 @!p3 $0xFFFFF000  }
0x8a: {  	p0 =	sgt.u32 s2, $0xBF;
	s13 =	sadd.s32 $0xFFFFFFFD, s10;
	_ =	swait.ge @!p3 [sflag:s12], $0x1000  }
.Ltmp1:
0x8b: {  	s10 =	sadd.s32 $0xFFFFFFE8, s10;
	[sflag:s12] =	ssyncset.done @!p3 $0x0;
	(pc) =	sbr.rel @p2 .LBB2_4-.Ltmp1, $4  }
0x8c: {  	p4 =	sgt.u32 @!p0 s13, $0x2;
	p1 =	sgt.u32 @!p0 s10, $0x2;
	[sflag:s12] =	ssyncadd.s32 @!p3 $0xFFFFF000  }
0x8d: {  	p3 =	por p4, p0;
	_ =	swait.ge [sflag:s30], $0x2800  }
0x8e: {  	s10 =	sadd.s32 $0xFFFFFD80, s25;
	s13 =	sadd.s32 $0xFFFFFF00, s9;
	[sflag:s30] =	ssyncset.done $0x0  }
0x8f: {  	s12 =	sand.u32 @!p3 $0xF000, s10;
	s10 =	sand.u32 $0x1F80, s10;
	[sflag:s30] =	ssyncadd.s32 $0xFFFFD800  }
0x90: {  	s2 =	sand.u32 $0x1F80, s13  }
0x91: {  	[tilespmem:s21], [sflag:$0x1] =	stream.indirect.gather [hbm4b:s4+s24], $0x80, s2, s24, $0xb8;
	[tilespmem:$0x1F800] =	vst v63  }
0x92: {  	_ =	swait.ge [sflag:s31], $0x2800  }
0x93: {  	s17 =	sadd.s32 $0xFFFFFF80, s9;
	[sflag:s31] =	ssyncset.done $0x0  }
0x94: {  	s2 =	sand.u32 $0x1F80, s17;
	[sflag:s31] =	ssyncadd.s32 $0xFFFFD800  }
0x95: {  	[tilespmem:s26], [sflag:$0x2] =	stream.indirect.gather [hbm4b:s4+s24], $0x80, s2, s24, $0xb8;
	[tilespmem:$0x1F800] =	vst v63  }
0x96: {  	s28 =	sand.u32 $0x1F80, s9;
	s2 =	sadd.s32 @!p3 $0x1000, s12;
	_ =	swait.ge [sflag:s0], $0x2800  }
0x97: {  	s12 =	sadd.s32 @!p3 s8, s2;
	s13 =	sand.u32 @!p3 $0x1000, s2;
	[sflag:s0] =	ssyncset.done $0x0  }
0x98: {  	s2 =	sadd.s32 @!p3 s7, s2;
	s12 =	sshrl.u32 @!p3 s12, $0x3;
	[sflag:s0] =	ssyncadd.s32 $0xFFFFD800  }
0x99: {  	[tilespmem:s29], [sflag:$0x3] =	stream.indirect.gather [hbm4b:s4+s24], $0x80, s28, s24, $0xb8;
	[tilespmem:$0x1F800] =	vst v63  }
0x9a: {  	s2 =	sshrl.u32 @!p3 s2, $0x3;
	s9 =	sadd.s32 @!p3 s5, s12;
	s12 =	simm.s32 @!p3 $0x0  }
0x9b: {  	[tilespmem:s13], [sflag:$0x4] =	stream.linear.gather @!p3 [hbm4b:s9+s12], $0x1000, $0x38;
	[tilespmem:$0x1F800] =	vst v63  }
0x9c: {  	s2 =	sadd.s32 @!p3 s6, s2;
	s9 =	sor.u32 @!p3 $0x2000, s13  }
0x9d: {  	[tilespmem:s9], [sflag:$0x4] =	stream.linear.gather @!p3 [hbm4b:s2+s12], $0x1000, $0x38;
	[tilespmem:$0x1F800] =	vst v63  }
0x9e: {  	_ =	swait.ge [sflag:s30], $0x2800  }
0x9f: {  	[sflag:s30] =	ssyncset.done $0x0  }
0xa0: {  	s9 =	sor.u32 $0x2000, s10;
	[sflag:s30] =	ssyncadd.s32 $0xFFFFD800  }
0xa1: {  	[spmem:s1] =	stream.indirect.scatter.add.f32 [tilespmem:s21], [sflag:$0x1], $0x80, s9, s24, $0xb8;
	[tilespmem:$0x1F800] =	vst v63  }
0xa2: {  	s10 =	sadd.s32 $0xFFFFFE00, s25;
	_ =	swait.ge [sflag:s31], $0x2800  }
0xa3: {  	s2 =	sand.u32 $0x1F80, s10;
	[sflag:s31] =	ssyncset.done $0x0  }
0xa4: {  	s2 =	sor.u32 $0x2000, s2;
	[sflag:s31] =	ssyncadd.s32 $0xFFFFD800  }
0xa5: {  	[spmem:s1] =	stream.indirect.scatter.add.f32 [tilespmem:s26], [sflag:$0x2], $0x80, s2, s24, $0xb8;
	[tilespmem:$0x1F800] =	vst v63  }
0xa6: {  	s12 =	sadd.s32 $0xFFFFFE80, s25;
	_ =	swait.ge [sflag:s0], $0x2800  }
0xa7: {  	p0 =	por p1, p0;
	s2 =	sand.u32 $0x1F80, s12;
	[sflag:s0] =	ssyncset.done $0x0  }
0xa8: {  	s9 =	simm.s32 @!p0 $0x4;
	s2 =	sor.u32 $0x2000, s2;
	[sflag:s0] =	ssyncadd.s32 $0xFFFFD800  }
0xa9: {  	[spmem:s1] =	stream.indirect.scatter.add.f32 [tilespmem:s29], [sflag:$0x3], $0x80, s2, s24, $0xb8;
	[tilespmem:$0x1F800] =	vst v63  }
0xaa: {  	_ =	swait.ge @!p0 [sflag:s9], $0x1000  }
0xab: {  	[sflag:s9] =	ssyncset.done @!p0 $0x0  }
0xac: {  	[sflag:s9] =	ssyncadd.s32 @!p0 $0xFFFFF000  }
0xad: {  	_ =	swait.ge @!p0 [sflag:s9], $0x1000  }
0xae: {  	[sflag:s9] =	ssyncset.done @!p0 $0x0  }
0xaf: {  	[sflag:s9] =	ssyncadd.s32 @!p0 $0xFFFFF000  }
0xb0: {  	_ =	swait.ge [sflag:s30], $0x2800  }
0xb1: {  	s13 =	sadd.s32 $0xFFFFFF00, s25;
	[sflag:s30] =	ssyncset.done $0x0  }
0xb2: {  	s2 =	sand.u32 $0x1F80, s13;
	[sflag:s30] =	ssyncadd.s32 $0xFFFFD800  }
0xb3: {  	[tilespmem:s21], [sflag:$0x1] =	stream.indirect.gather [hbm4b:s4+s24], $0x80, s2, s24, $0xb8;
	[tilespmem:$0x1F800] =	vst v63  }
0xb4: {  	_ =	swait.ge [sflag:s31], $0x2800  }
0xb5: {  	s14 =	sadd.s32 $0xFFFFFF80, s25;
	[sflag:s31] =	ssyncset.done $0x0  }
0xb6: {  	s2 =	sand.u32 $0x1F80, s14;
	[sflag:s31] =	ssyncadd.s32 $0xFFFFD800  }
0xb7: {  	[tilespmem:s26], [sflag:$0x2] =	stream.indirect.gather [hbm4b:s4+s24], $0x80, s2, s24, $0xb8;
	[tilespmem:$0x1F800] =	vst v63  }
0xb8: {  	_ =	swait.ge [sflag:s0], $0x2800  }
0xb9: {  	[sflag:s0] =	ssyncset.done $0x0  }
0xba: {  	s15 =	sand.u32 $0x1F80, s25;
	[sflag:s0] =	ssyncadd.s32 $0xFFFFD800  }
0xbb: {  	[tilespmem:s29], [sflag:$0x3] =	stream.indirect.gather [hbm4b:s4+s24], $0x80, s15, s24, $0xb8;
	[tilespmem:$0x1F800] =	vst v63  }
0xbc: {  	_ =	swait.ge [sflag:s30], $0x2800  }
0xbd: {  	[sflag:s30] =	ssyncset.done $0x0  }
0xbe: {  	[sflag:s30] =	ssyncadd.s32 $0xFFFFD800  }
0xbf: {  	_ =	swait.ge [sflag:s31], $0x2800  }
0xc0: {  	[sflag:s31] =	ssyncset.done $0x0  }
0xc1: {  	[sflag:s31] =	ssyncadd.s32 $0xFFFFD800  }
0xc2: {  	_ =	swait.ge [sflag:s0], $0x2800  }
0xc3: {  	[sflag:s0] =	ssyncset.done $0x0  }
0xc4: {  	s16 =	stileid.u32;
	[sflag:s0] =	ssyncadd.s32 $0xFFFFD800  }
0xc5: {  	s2 =	sshll.u32 s16, $0x6;
	[bflag:$0x0] =	sbarrier.arrive $0xFFFF  }
0xc6: {  	s17 =	sshrl.u32 s11, $0x3;
	s2 =	sor.u32 $0x1C05, s2;
	s25 =	rddreg [dreg:$0x5]  }
0xc7: {  	[hbm:s25], [sflag:s2] =	dma.local [spmem:s17], $0x2800  }
0xc8: {  	_ =	swait.ge [sflag:s22], $0x2800  }
0xc9: {  	s23 =	sadd.s32 $0x1, s23;
	s28 =	rddreg [dreg:$0x6]  }
0xca: {  	p0 =	sne.s32 s23, s28  }
.Ltmp2:
0xcb: {  	_ = 	snop;
	(pc) =	sbr.rel @p0 .LBB2_1-.Ltmp2, $3  }
0xcc: {  	_ =	sdelay $0x1  }
0xcd: {  	[sflag:s22] =	ssyncset.done $0x0  }
0xce: {  	[sflag:s22] =	ssyncadd.s32 $0xFFFFD800  }
0xcf: {  	_ =	sfence.sel $0x180000  }
0xd0: {  	[bflag:$0x0] =	sbarrier.arrive $0xFFFF  }
0xd1: {  	_ =	strace $0x9000004D  }
0xd2: {  	s0 =	stileid.u32;
	[bflag:$0x2] =	sbarrier.arrive $0xFFFF  }
0xd3: {  	p0 =	sne.s32 s0, $0x0;
	s0 =	rddreg [dreg:$0x2]  }
0xd4: {  	s0 =	sadd.s32 @!p0 $0x100000, s0  }
0xd5: {  	[sflag:s0] =	ssyncadd.tile.s32 @!p0 $0x1;
	_ =	shalt  }
.Lfunc_end2:
_tile_overlayer_lowered:
.L_overlay_start_2:
0xd6: {  	(tag) =	ssettag $0x2  }
0xd7: {  	s0 =	rddreg [dreg:$0x0];
	s2 =	stileid.u32  }
0xd8: {  	s1 =	rddreg [dreg:$0x1];
	p0 =	sne.s32 s2, $0x0  }
0xd9: {  	s3 =	rddreg [dreg:$0x2];
	[bflag:$0x3] =	sbarrier.arrive $0xFFFF;
	s2 =	simm.s32 @!p0 $0x1C05  }
0xda: {  	[timem:s3], [sflag:s2] =	dma.local @!p0 [hbm:s0], s1  }
0xdb: {  	s0 =	simm.s32 @!p0 $0x5  }
0xdc: {  	_ =	swait.ge @!p0 [sflag:s0], s1  }
0xdd: {  	s1 =	ssub.s32 @!p0 $0x0, s1;
	[sflag:s0] =	ssyncset.done @!p0 $0x0  }
0xde: {  	[sflag:s0] =	ssyncadd.s32 @!p0 s1  }
0xdf: {  	[bflag:$0x3] =	sbarrier.arrive $0xFFFF  }
0xe0: {  	_ =	shalt  }

</sc_bundles>
